<compile_context>
chip_gen: v7x
topology: tpu7x:2x2x1
jax: 0.10.2.dev20260603
libtpu: 0.0.44.dev20260713+nightly
codegen_flags: <defaults>
</compile_context>

<pallas_src>
import functools

import jax
import jax.numpy as jnp
from jax import lax
from jax.experimental import pallas as pl
from jax.experimental.pallas import tpu as pltpu
from jax.experimental.pallas import tpu_sc as plsc

N = 10000
E = 320000
D = 128
H = 128
NL = 3

NC = 2
NS = 16
NW = NC * NS
CHUNK = 128
CPP = 160
E_PAD = NS * CPP * CHUNK
DEG_CHUNKS = CPP // 2
SUB = 40
NSUP = 2
NPAD = 10240
ROWS_PER_TILE = NPAD // NS

@functools.cache
def _mesh():
    return plsc.VectorSubcoreMesh(core_axis_name="c", subcore_axis_name="s",
                                  num_cores=NC, num_subcores=NS)



def _deg_body(dst_hbm, zeros_hbm, ones_hbm, out_hbm, dst_v, ones_v,
              sem0, sem1, shared_deg):
    cid = lax.axis_index("c")
    sid = lax.axis_index("s")
    sems = (sem0, sem1)
    pltpu.sync_copy(ones_hbm, ones_v)
    pltpu.sync_copy(zeros_hbm,
                    shared_deg.at[pl.ds(sid * ROWS_PER_TILE, ROWS_PER_TILE)])
    plsc.subcore_barrier()

    pltpu.sync_copy(dst_hbm.at[sid].at[pl.ds(cid * DEG_CHUNKS, DEG_CHUNKS)],
                    dst_v)

    for b in range(2):
        pltpu.async_copy(ones_v, shared_deg.at[dst_v.at[b]], sems[b],
                         add=True)

    @pl.loop(2, DEG_CHUNKS, step=2)
    def _(c):
        for b in range(2):
            cc = c + b
            pltpu.make_async_copy(ones_v, shared_deg.at[dst_v.at[cc - 2]],
                                  sems[b]).wait()
            pltpu.async_copy(ones_v, shared_deg.at[dst_v.at[cc]], sems[b],
                             add=True)

    for b in range(2):
        pltpu.make_async_copy(ones_v,
                              shared_deg.at[dst_v.at[DEG_CHUNKS - 2 + b]],
                              sems[b]).wait()

    plsc.subcore_barrier()
    pltpu.sync_copy(
        shared_deg.at[pl.ds(sid * ROWS_PER_TILE, ROWS_PER_TILE)],
        out_hbm.at[cid].at[pl.ds(sid * ROWS_PER_TILE, ROWS_PER_TILE)])


@functools.cache
def _deg_kernel():
    return pl.kernel(
        _deg_body,
        out_type=jax.ShapeDtypeStruct((NC, NPAD, H), jnp.float32),
        mesh=_mesh(),
        scratch_types=[
            pltpu.VMEM((DEG_CHUNKS, CHUNK), jnp.int32),
            pltpu.VMEM((CHUNK, H), jnp.float32),
            pltpu.SemaphoreType.DMA,
            pltpu.SemaphoreType.DMA,
            pltpu.VMEM_SHARED((NPAD, H), jnp.float32),
        ],
    )


def _agg_body(h_hbm, src_hbm, dst_hbm, zeros_hbm, out_hbm, src_v, dst_v,
              rows0_v, rows1_v, sem0, sem1, gsem, shared_agg):
    cid = lax.axis_index("c")
    sid = lax.axis_index("s")
    pltpu.sync_copy(zeros_hbm,
                    shared_agg.at[pl.ds(sid * ROWS_PER_TILE, ROWS_PER_TILE)])
    plsc.subcore_barrier()

    rows = (rows0_v, rows1_v)
    sems = (sem0, sem1)
    half = CPP // 2

    @pl.loop(0, NSUP)
    def _(sup):
        base = cid * half + sup * SUB
        pltpu.sync_copy(src_hbm.at[sid].at[pl.ds(base, SUB)], src_v)
        pltpu.sync_copy(dst_hbm.at[sid].at[pl.ds(base, SUB)], dst_v)
        for b in range(2):
            pltpu.async_copy(h_hbm.at[src_v.at[b]], rows[b], gsem).wait()
            pltpu.async_copy(rows[b], shared_agg.at[dst_v.at[b]], sems[b],
                             add=True)

        @pl.loop(2, SUB, step=2)
        def _(c):
            for b in range(2):
                cc = c + b
                pltpu.make_async_copy(rows[b],
                                      shared_agg.at[dst_v.at[cc - 2]],
                                      sems[b]).wait()
                pltpu.async_copy(h_hbm.at[src_v.at[cc]], rows[b],
                                 gsem).wait()
                pltpu.async_copy(rows[b], shared_agg.at[dst_v.at[cc]],
                                 sems[b], add=True)

        for b in range(2):
            pltpu.make_async_copy(rows[b],
                                  shared_agg.at[dst_v.at[SUB - 2 + b]],
                                  sems[b]).wait()

    plsc.subcore_barrier()
    pltpu.sync_copy(
        shared_agg.at[pl.ds(sid * ROWS_PER_TILE, ROWS_PER_TILE)],
        out_hbm.at[cid].at[pl.ds(sid * ROWS_PER_TILE, ROWS_PER_TILE)])


@functools.cache
def _agg_kernel():
    return pl.kernel(
        _agg_body,
        out_type=jax.ShapeDtypeStruct((NC, NPAD, H), jnp.float32),
        mesh=_mesh(),
        scratch_types=[
            pltpu.VMEM((SUB, CHUNK), jnp.int32),
            pltpu.VMEM((SUB, CHUNK), jnp.int32),
            pltpu.VMEM((CHUNK, H), jnp.float32),
            pltpu.VMEM((CHUNK, H), jnp.float32),
            pltpu.SemaphoreType.DMA,
            pltpu.SemaphoreType.DMA,
            pltpu.SemaphoreType.DMA,
            pltpu.VMEM_SHARED((NPAD, H), jnp.float32),
        ],
    )



def _bn(h, gamma, beta, eps):
    mu = jnp.mean(h, axis=0, keepdims=True)
    var = jnp.mean((h - mu) * (h - mu), axis=0, keepdims=True)
    return (h - mu) * lax.rsqrt(var + eps) * gamma + beta


def _dot(a, b):
    return jnp.dot(a, b, preferred_element_type=jnp.float32)


def _dense01_body(h_ref, pp_ref, d0_ref, d1_ref, ws_ref, wn_ref,
                  b_ref, g_ref, be_ref, out_ref):
    deg = jnp.maximum(d0_ref[...] + d1_ref[...], 1.0)
    agg = (pp_ref[0, :N, :] + pp_ref[1, :N, :]) / deg
    z = _dot(h_ref[...], ws_ref[...]) + _dot(agg, wn_ref[...]) + b_ref[...]
    r = jnp.maximum(z, 0.0)
    hc = r - jnp.mean(r, axis=0, keepdims=True)
    rms = jnp.sqrt(1e-5 + jnp.sum(hc * hc) / N)
    hp = hc / rms
    out_ref[...] = _bn(hp, g_ref[...], be_ref[...], 1e-5)


_dense01 = pl.pallas_call(
    _dense01_body,
    out_shape=jax.ShapeDtypeStruct((N, H), jnp.float32),
)


def _final_body(h_ref, pp_ref, d0_ref, d1_ref, ws_ref, wn_ref, b_ref,
                g2_ref, be2_ref, fw1_ref, fb1_ref, fg1_ref, fbe1_ref,
                fw2_ref, fb2_ref, fg2_ref, fbe2_ref, lw_ref, lb_ref, out_ref):
    deg = jnp.maximum(d0_ref[...] + d1_ref[...], 1.0)
    agg = (pp_ref[0, :N, :] + pp_ref[1, :N, :]) / deg
    z = _dot(h_ref[...], ws_ref[...]) + _dot(agg, wn_ref[...]) + b_ref[...]
    h2 = _bn(z, g2_ref[...], be2_ref[...], 1e-5)
    t = _dot(h2, fw1_ref[...]) + fb1_ref[...]
    t = jnp.maximum(_bn(t, fg1_ref[...], fbe1_ref[...], 1e-3), 0.0)
    t = _dot(t, fw2_ref[...]) + fb2_ref[...]
    t = jnp.maximum(_bn(t, fg2_ref[...], fbe2_ref[...], 1e-3), 0.0)
    out_ref[...] = _dot(t, lw_ref[...]) + lb_ref[...]


_final = pl.pallas_call(
    _final_body,
    out_shape=jax.ShapeDtypeStruct((N, H), jnp.float32),
)



def kernel(x, edge_index, params):
    src = edge_index[0].astype(jnp.int32)
    dst = edge_index[1].astype(jnp.int32)
    pad = E_PAD - E
    pad_dst = N + jnp.arange(pad, dtype=jnp.int32) % (NPAD - N)
    pad_src = jnp.arange(pad, dtype=jnp.int32) % N
    src_p = jnp.concatenate([src, pad_src]).reshape(NS, CPP, CHUNK)
    dst_p = jnp.concatenate([dst, pad_dst]).reshape(NS, CPP, CHUNK)
    zeros_blk = jnp.zeros((ROWS_PER_TILE, H), jnp.float32)
    ones_blk = jnp.ones((CHUNK, H), jnp.float32)

    degp = _deg_kernel()(dst_p, zeros_blk, ones_blk)
    d0 = degp[0, :N, 0:1]
    d1 = degp[1, :N, 0:1]

    def row(v):
        return v.reshape(1, H)

    h = x
    for i in range(NL):
        p = params['sage'][i]
        bn = params['bn'][i]
        aggp = _agg_kernel()(h, src_p, dst_p, zeros_blk)
        if i < NL - 1:
            h = _dense01(h, aggp, d0, d1, p['W_self'], p['W_neigh'],
                         row(p['b']), row(bn['gamma']), row(bn['beta']))
        else:
            fc1, fc2 = params['fc']
            lat = params['latent']
            h = _final(h, aggp, d0, d1, p['W_self'], p['W_neigh'],
                       row(p['b']), row(bn['gamma']), row(bn['beta']),
                       fc1['W'], row(fc1['b']), row(fc1['gamma']),
                       row(fc1['beta']),
                       fc2['W'], row(fc2['b']), row(fc2['gamma']),
                       row(fc2['beta']),
                       lat['W'], row(lat['b']))
    return h

# --- scband reference (transcript-rebuilt; emitter-appended) ---
"""Pipeline reference for scband-encoder-48301202210900 (READ-ONLY COPY).

The authoritative reference and input builder live on the scoring server;
editing this copy changes nothing except your own understanding.
"""

import jax, jax.numpy as jnp
import numpy as np

N = 10000
E = 320000
D = 128
H = 128
NL = 3


def _glorot(k, shape):
    return (jax.random.normal(k, shape, dtype=jnp.float32) / np.sqrt(shape[0])).astype(jnp.float32)


def setup_inputs(seed: int = 0) -> dict:
    key = jax.random.key(seed)
    ks = jax.random.split(key, 40)
    x = jax.random.normal(ks[0], (N, D), dtype=jnp.float32)
    edge_index = jax.random.randint(ks[1], (2, E), 0, N, dtype=jnp.int32)
    params = {
        'sage': [
            {'W_self': _glorot(ks[2 + 3 * i], (D if i == 0 else H, H)),
             'W_neigh': _glorot(ks[3 + 3 * i], (D if i == 0 else H, H)),
             'b': jnp.zeros((H,), dtype=jnp.float32)}
            for i in range(NL)
        ],
        'bn': [
            {'gamma': jnp.ones((H,), dtype=jnp.float32),
             'beta': jnp.zeros((H,), dtype=jnp.float32)}
            for _ in range(NL)
        ],
        'fc': [
            {'W': _glorot(ks[12 + 2 * i], (H, H)),
             'b': jnp.zeros((H,), dtype=jnp.float32),
             'gamma': jnp.ones((H,), dtype=jnp.float32),
             'beta': jnp.zeros((H,), dtype=jnp.float32)}
            for i in range(NL - 1)
        ],
        'latent': {'W': _glorot(ks[20], (H, H)),
                   'b': jnp.zeros((H,), dtype=jnp.float32)},
    }
    return {'x': x, 'edge_index': edge_index, 'params': params}


def _pair_norm(h, scale=1.0, eps=1e-5):
    hc = h - jnp.mean(h, axis=0, keepdims=True)
    rms = jnp.sqrt(eps + jnp.mean(jnp.sum(hc * hc, axis=1)))
    return scale * hc / rms


def _batch_norm(h, gamma, beta, eps=1e-5):
    mu = jnp.mean(h, axis=0, keepdims=True)
    var = jnp.var(h, axis=0, keepdims=True)
    return (h - mu) / jnp.sqrt(var + eps) * gamma + beta


def reference(x, edge_index, params):
    src = edge_index[0]
    dst = edge_index[1]
    deg = jnp.clip(jax.ops.segment_sum(jnp.ones((E,), dtype=jnp.float32), dst, num_segments=N), 1.0)
    h = x
    for i in range(NL):
        p = params['sage'][i]
        msg = jnp.take(h, src, axis=0)
        agg = jax.ops.segment_sum(msg, dst, num_segments=N) / deg[:, None]
        h = h @ p['W_self'] + agg @ p['W_neigh'] + p['b']
        if i < NL - 1:
            h = jax.nn.relu(h)
            h = _pair_norm(h)
        bn = params['bn'][i]
        h = _batch_norm(h, bn['gamma'], bn['beta'])
    for blk in params['fc']:
        h = h @ blk['W'] + blk['b']
        h = _batch_norm(h, blk['gamma'], blk['beta'], eps=0.001)
        h = jax.nn.relu(h)
    h = h @ params['latent']['W'] + params['latent']['b']
    return h

if __name__ == "__main__":
    import jax
    _d = setup_inputs()
    print(jax.jit(kernel)(*tuple(_d.values())))

</pallas_src>

<mosaic_0001>
#map = affine_map<(d0, d1) -> (0, 0)>
#map1 = affine_map<(d0, d1) -> (0, 0, 0)>
module attributes {stable_mosaic.version = 14 : i64} {
  func.func @_agg_body(%arg0: i32, %arg1: i32, %arg2: memref<10000x128xf32, #tpu.memory_space<hbm>>, %arg3: memref<16x160x128xi32, #tpu.memory_space<hbm>>, %arg4: memref<16x160x128xi32, #tpu.memory_space<hbm>>, %arg5: memref<640x128xf32, #tpu.memory_space<hbm>>, %arg6: memref<2x10240x128xf32, #tpu.memory_space<hbm>>, %arg7: memref<40x128xi32, #tpu.memory_space<vmem>>, %arg8: memref<40x128xi32, #tpu.memory_space<vmem>>, %arg9: memref<128x128xf32, #tpu.memory_space<vmem>>, %arg10: memref<128x128xf32, #tpu.memory_space<vmem>>, %arg11: memref<!tpu.dma_semaphore, #tpu.memory_space<semaphore_mem>>, %arg12: memref<!tpu.dma_semaphore, #tpu.memory_space<semaphore_mem>>, %arg13: memref<!tpu.dma_semaphore, #tpu.memory_space<semaphore_mem>>, %arg14: memref<10240x128xf32, #tpu.memory_space<vmem_shared>>) attributes {dimension_semantics = [#tpu.dimension_semantics<core_parallel>, #tpu.dimension_semantics<subcore_parallel>], iteration_bounds = array<i64: 2, 16>, scalar_prefetch = 0 : i64, scratch_operands = 8 : i64, tpu.core_type = #tpu.core_type<sc_vector_subcore>, window_params = [{transform_indices = #map}, {transform_indices = #map1}, {transform_indices = #map1}, {transform_indices = #map}, {transform_indices = #map1}]} {
    %mul3A = arith.constant 640 : i32
    %mul3A_0 = arith.muli %arg1, %mul3A : i32
    "tpu.region"() ({
      %run_scoped3A = tpu.sem_alloc : memref<!tpu.dma_semaphore, #tpu.memory_space<semaphore_mem>>
      %dma_start3A = arith.constant 0 : i32
      %dma_start3A_10 = tpu.memref_slice %arg14[%mul3A_0, %dma_start3A] : memref<10240x128xf32, #tpu.memory_space<vmem_shared>> -> memref<640x128xf32, #tpu.memory_space<vmem_shared>>
      tpu.enqueue_dma source(%arg5 : memref<640x128xf32, #tpu.memory_space<hbm>>) target(%dma_start3A_10 : memref<640x128xf32, #tpu.memory_space<vmem_shared>>) target_semaphore(%run_scoped3A : memref<!tpu.dma_semaphore, #tpu.memory_space<semaphore_mem>>)
      %dma_wait3A = arith.constant 0 : i32
      %dma_wait3A_11 = tpu.memref_slice %arg14[%mul3A_0, %dma_wait3A] : memref<10240x128xf32, #tpu.memory_space<vmem_shared>> -> memref<640x128xf32, #tpu.memory_space<vmem_shared>>
      tpu.wait_dma2 semaphore(%run_scoped3A : memref<!tpu.dma_semaphore, #tpu.memory_space<semaphore_mem>>) src(%arg5 : memref<640x128xf32, #tpu.memory_space<hbm>>) dst(%dma_wait3A_11 : memref<640x128xf32, #tpu.memory_space<vmem_shared>>)
      tpu.yield
    }) : () -> ()
    %barrier3A = arith.constant 0 : index
    tpu.barrier barrier_id(%barrier3A)
    %scan3A = arith.constant 0 : i32
    %scan3A_1 = arith.constant 2 : i32
    %scan3A_2 = arith.addi %scan3A, %scan3A_1 : i32
    %scan3A_3 = arith.constant 1 : i32
    scf.for %scan3A_10 = %scan3A to %scan3A_2 step %scan3A_3  : i32 {
      %mul3A_11 = arith.constant 1 : i32
      %mul3A_12 = arith.muli %scan3A_10, %mul3A_11 : i32
      %add3A = arith.constant 0 : i32
      %add3A_13 = arith.addi %add3A, %mul3A_12 : i32
      %mul3A_14 = arith.constant 80 : i32
      %mul3A_15 = arith.muli %arg0, %mul3A_14 : i32
      %mul3A_16 = arith.constant 40 : i32
      %mul3A_17 = arith.muli %add3A_13, %mul3A_16 : i32
      %add3A_18 = arith.addi %mul3A_15, %mul3A_17 : i32
      "tpu.region"() ({
        %run_scoped3A = tpu.sem_alloc : memref<!tpu.dma_semaphore, #tpu.memory_space<semaphore_mem>>
        %dma_start3A_78 = arith.constant 0 : i32
        %dma_start3A_79 = arith.constant 0 : i32
        %dma_start3A_80 = tpu.memref_slice %arg3[%arg1, %dma_start3A_78, %dma_start3A_79] : memref<16x160x128xi32, #tpu.memory_space<hbm>> -> memref<1x160x128xi32, #tpu.memory_space<hbm>>
        %dma_start3A_81 = tpu.memref_squeeze %dma_start3A_80 : memref<1x160x128xi32, #tpu.memory_space<hbm>> -> memref<160x128xi32, #tpu.memory_space<hbm>>
        %dma_start3A_82 = arith.constant 0 : i32
        %dma_start3A_83 = tpu.memref_slice %dma_start3A_81[%add3A_18, %dma_start3A_82] : memref<160x128xi32, #tpu.memory_space<hbm>> -> memref<40x128xi32, #tpu.memory_space<hbm>>
        %dma_start3A_84 = arith.constant 0 : i32
        %dma_start3A_85 = arith.constant 0 : i32
        %dma_start3A_86 = tpu.memref_slice %arg3[%arg1, %dma_start3A_84, %dma_start3A_85] : memref<16x160x128xi32, #tpu.memory_space<hbm>> -> memref<1x160x128xi32, #tpu.memory_space<hbm>>
        %dma_start3A_87 = tpu.memref_squeeze %dma_start3A_86 : memref<1x160x128xi32, #tpu.memory_space<hbm>> -> memref<160x128xi32, #tpu.memory_space<hbm>>
        %dma_start3A_88 = arith.constant 0 : i32
        %dma_start3A_89 = tpu.memref_slice %dma_start3A_87[%add3A_18, %dma_start3A_88] : memref<160x128xi32, #tpu.memory_space<hbm>> -> memref<40x128xi32, #tpu.memory_space<hbm>>
        tpu.enqueue_dma source(%dma_start3A_89 : memref<40x128xi32, #tpu.memory_space<hbm>>) target(%arg7 : memref<40x128xi32, #tpu.memory_space<vmem>>) target_semaphore(%run_scoped3A : memref<!tpu.dma_semaphore, #tpu.memory_space<semaphore_mem>>)
        %dma_wait3A_90 = arith.constant 0 : i32
        %dma_wait3A_91 = arith.constant 0 : i32
        %dma_wait3A_92 = tpu.memref_slice %arg3[%arg1, %dma_wait3A_90, %dma_wait3A_91] : memref<16x160x128xi32, #tpu.memory_space<hbm>> -> memref<1x160x128xi32, #tpu.memory_space<hbm>>
        %dma_wait3A_93 = tpu.memref_squeeze %dma_wait3A_92 : memref<1x160x128xi32, #tpu.memory_space<hbm>> -> memref<160x128xi32, #tpu.memory_space<hbm>>
        %dma_wait3A_94 = arith.constant 0 : i32
        %dma_wait3A_95 = tpu.memref_slice %dma_wait3A_93[%add3A_18, %dma_wait3A_94] : memref<160x128xi32, #tpu.memory_space<hbm>> -> memref<40x128xi32, #tpu.memory_space<hbm>>
        %dma_wait3A_96 = arith.constant 0 : i32
        %dma_wait3A_97 = arith.constant 0 : i32
        %dma_wait3A_98 = tpu.memref_slice %arg3[%arg1, %dma_wait3A_96, %dma_wait3A_97] : memref<16x160x128xi32, #tpu.memory_space<hbm>> -> memref<1x160x128xi32, #tpu.memory_space<hbm>>
        %dma_wait3A_99 = tpu.memref_squeeze %dma_wait3A_98 : memref<1x160x128xi32, #tpu.memory_space<hbm>> -> memref<160x128xi32, #tpu.memory_space<hbm>>
        %dma_wait3A_100 = arith.constant 0 : i32
        %dma_wait3A_101 = tpu.memref_slice %dma_wait3A_99[%add3A_18, %dma_wait3A_100] : memref<160x128xi32, #tpu.memory_space<hbm>> -> memref<40x128xi32, #tpu.memory_space<hbm>>
        tpu.wait_dma2 semaphore(%run_scoped3A : memref<!tpu.dma_semaphore, #tpu.memory_space<semaphore_mem>>) src(%dma_wait3A_101 : memref<40x128xi32, #tpu.memory_space<hbm>>) dst(%arg7 : memref<40x128xi32, #tpu.memory_space<vmem>>)
        tpu.yield
      }) : () -> ()
      "tpu.region"() ({
        %run_scoped3A = tpu.sem_alloc : memref<!tpu.dma_semaphore, #tpu.memory_space<semaphore_mem>>
        %dma_start3A_78 = arith.constant 0 : i32
        %dma_start3A_79 = arith.constant 0 : i32
        %dma_start3A_80 = tpu.memref_slice %arg4[%arg1, %dma_start3A_78, %dma_start3A_79] : memref<16x160x128xi32, #tpu.memory_space<hbm>> -> memref<1x160x128xi32, #tpu.memory_space<hbm>>
        %dma_start3A_81 = tpu.memref_squeeze %dma_start3A_80 : memref<1x160x128xi32, #tpu.memory_space<hbm>> -> memref<160x128xi32, #tpu.memory_space<hbm>>
        %dma_start3A_82 = arith.constant 0 : i32
        %dma_start3A_83 = tpu.memref_slice %dma_start3A_81[%add3A_18, %dma_start3A_82] : memref<160x128xi32, #tpu.memory_space<hbm>> -> memref<40x128xi32, #tpu.memory_space<hbm>>
        %dma_start3A_84 = arith.constant 0 : i32
        %dma_start3A_85 = arith.constant 0 : i32
        %dma_start3A_86 = tpu.memref_slice %arg4[%arg1, %dma_start3A_84, %dma_start3A_85] : memref<16x160x128xi32, #tpu.memory_space<hbm>> -> memref<1x160x128xi32, #tpu.memory_space<hbm>>
        %dma_start3A_87 = tpu.memref_squeeze %dma_start3A_86 : memref<1x160x128xi32, #tpu.memory_space<hbm>> -> memref<160x128xi32, #tpu.memory_space<hbm>>
        %dma_start3A_88 = arith.constant 0 : i32
        %dma_start3A_89 = tpu.memref_slice %dma_start3A_87[%add3A_18, %dma_start3A_88] : memref<160x128xi32, #tpu.memory_space<hbm>> -> memref<40x128xi32, #tpu.memory_space<hbm>>
        tpu.enqueue_dma source(%dma_start3A_89 : memref<40x128xi32, #tpu.memory_space<hbm>>) target(%arg8 : memref<40x128xi32, #tpu.memory_space<vmem>>) target_semaphore(%run_scoped3A : memref<!tpu.dma_semaphore, #tpu.memory_space<semaphore_mem>>)
        %dma_wait3A_90 = arith.constant 0 : i32
        %dma_wait3A_91 = arith.constant 0 : i32
        %dma_wait3A_92 = tpu.memref_slice %arg4[%arg1, %dma_wait3A_90, %dma_wait3A_91] : memref<16x160x128xi32, #tpu.memory_space<hbm>> -> memref<1x160x128xi32, #tpu.memory_space<hbm>>
        %dma_wait3A_93 = tpu.memref_squeeze %dma_wait3A_92 : memref<1x160x128xi32, #tpu.memory_space<hbm>> -> memref<160x128xi32, #tpu.memory_space<hbm>>
        %dma_wait3A_94 = arith.constant 0 : i32
        %dma_wait3A_95 = tpu.memref_slice %dma_wait3A_93[%add3A_18, %dma_wait3A_94] : memref<160x128xi32, #tpu.memory_space<hbm>> -> memref<40x128xi32, #tpu.memory_space<hbm>>
        %dma_wait3A_96 = arith.constant 0 : i32
        %dma_wait3A_97 = arith.constant 0 : i32
        %dma_wait3A_98 = tpu.memref_slice %arg4[%arg1, %dma_wait3A_96, %dma_wait3A_97] : memref<16x160x128xi32, #tpu.memory_space<hbm>> -> memref<1x160x128xi32, #tpu.memory_space<hbm>>
        %dma_wait3A_99 = tpu.memref_squeeze %dma_wait3A_98 : memref<1x160x128xi32, #tpu.memory_space<hbm>> -> memref<160x128xi32, #tpu.memory_space<hbm>>
        %dma_wait3A_100 = arith.constant 0 : i32
        %dma_wait3A_101 = tpu.memref_slice %dma_wait3A_99[%add3A_18, %dma_wait3A_100] : memref<160x128xi32, #tpu.memory_space<hbm>> -> memref<40x128xi32, #tpu.memory_space<hbm>>
        tpu.wait_dma2 semaphore(%run_scoped3A : memref<!tpu.dma_semaphore, #tpu.memory_space<semaphore_mem>>) src(%dma_wait3A_101 : memref<40x128xi32, #tpu.memory_space<hbm>>) dst(%arg8 : memref<40x128xi32, #tpu.memory_space<vmem>>)
        tpu.yield
      }) : () -> ()
      %dma_start3A = arith.constant 0 : i32
      %dma_start3A_19 = arith.constant 0 : i32
      %dma_start3A_20 = tpu.memref_slice %arg7[%dma_start3A, %dma_start3A_19] : memref<40x128xi32, #tpu.memory_space<vmem>> -> memref<1x128xi32, #tpu.memory_space<vmem>>
      %dma_start3A_21 = tpu.memref_squeeze %dma_start3A_20 : memref<1x128xi32, #tpu.memory_space<vmem>> -> memref<128xi32, #tpu.memory_space<vmem>>
      %dma_start3A_22 = arith.constant 0 : i32
      %dma_start3A_23 = arith.constant 0 : i32
      %dma_start3A_24 = tpu.memref_slice %arg2[%dma_start3A_22, %dma_start3A_23] : memref<10000x128xf32, #tpu.memory_space<hbm>> -> memref<10000x128xf32, #tpu.memory_space<hbm>>
      tpu.enqueue_indirect_dma source(%dma_start3A_24 : memref<10000x128xf32, #tpu.memory_space<hbm>>) target(%arg9 : memref<128x128xf32, #tpu.memory_space<vmem>>) offsets(%dma_start3A_21 : memref<128xi32, #tpu.memory_space<vmem>>) semaphore(%arg13 : memref<!tpu.dma_semaphore, #tpu.memory_space<semaphore_mem>>)
      %dma_wait3A = arith.constant 0 : i32
      %dma_wait3A_25 = arith.constant 0 : i32
      %dma_wait3A_26 = tpu.memref_slice %arg7[%dma_wait3A, %dma_wait3A_25] : memref<40x128xi32, #tpu.memory_space<vmem>> -> memref<1x128xi32, #tpu.memory_space<vmem>>
      %dma_wait3A_27 = tpu.memref_squeeze %dma_wait3A_26 : memref<1x128xi32, #tpu.memory_space<vmem>> -> memref<128xi32, #tpu.memory_space<vmem>>
      %dma_wait3A_28 = arith.constant 0 : i32
      %dma_wait3A_29 = arith.constant 0 : i32
      %dma_wait3A_30 = tpu.memref_slice %arg2[%dma_wait3A_28, %dma_wait3A_29] : memref<10000x128xf32, #tpu.memory_space<hbm>> -> memref<10000x128xf32, #tpu.memory_space<hbm>>
      tpu.wait_indirect_dma semaphore(%arg13 : memref<!tpu.dma_semaphore, #tpu.memory_space<semaphore_mem>>) src(%dma_wait3A_30 : memref<10000x128xf32, #tpu.memory_space<hbm>>) dst(%arg9 : memref<128x128xf32, #tpu.memory_space<vmem>>)
      %dma_start3A_31 = arith.constant 0 : i32
      %dma_start3A_32 = arith.constant 0 : i32
      %dma_start3A_33 = tpu.memref_slice %arg8[%dma_start3A_31, %dma_start3A_32] : memref<40x128xi32, #tpu.memory_space<vmem>> -> memref<1x128xi32, #tpu.memory_space<vmem>>
      %dma_start3A_34 = tpu.memref_squeeze %dma_start3A_33 : memref<1x128xi32, #tpu.memory_space<vmem>> -> memref<128xi32, #tpu.memory_space<vmem>>
      %dma_start3A_35 = arith.constant 0 : i32
      %dma_start3A_36 = arith.constant 0 : i32
      %dma_start3A_37 = tpu.memref_slice %arg14[%dma_start3A_35, %dma_start3A_36] : memref<10240x128xf32, #tpu.memory_space<vmem_shared>> -> memref<10240x128xf32, #tpu.memory_space<vmem_shared>>
      tpu.enqueue_indirect_dma source(%arg9 : memref<128x128xf32, #tpu.memory_space<vmem>>) target(%dma_start3A_37 : memref<10240x128xf32, #tpu.memory_space<vmem_shared>>) offsets(%dma_start3A_34 : memref<128xi32, #tpu.memory_space<vmem>>) semaphore(%arg11 : memref<!tpu.dma_semaphore, #tpu.memory_space<semaphore_mem>>) {add = true}
      %dma_start3A_38 = arith.constant 1 : i32
      %dma_start3A_39 = arith.constant 0 : i32
      %dma_start3A_40 = tpu.memref_slice %arg7[%dma_start3A_38, %dma_start3A_39] : memref<40x128xi32, #tpu.memory_space<vmem>> -> memref<1x128xi32, #tpu.memory_space<vmem>>
      %dma_start3A_41 = tpu.memref_squeeze %dma_start3A_40 : memref<1x128xi32, #tpu.memory_space<vmem>> -> memref<128xi32, #tpu.memory_space<vmem>>
      %dma_start3A_42 = arith.constant 0 : i32
      %dma_start3A_43 = arith.constant 0 : i32
      %dma_start3A_44 = tpu.memref_slice %arg2[%dma_start3A_42, %dma_start3A_43] : memref<10000x128xf32, #tpu.memory_space<hbm>> -> memref<10000x128xf32, #tpu.memory_space<hbm>>
      tpu.enqueue_indirect_dma source(%dma_start3A_44 : memref<10000x128xf32, #tpu.memory_space<hbm>>) target(%arg10 : memref<128x128xf32, #tpu.memory_space<vmem>>) offsets(%dma_start3A_41 : memref<128xi32, #tpu.memory_space<vmem>>) semaphore(%arg13 : memref<!tpu.dma_semaphore, #tpu.memory_space<semaphore_mem>>)
      %dma_wait3A_45 = arith.constant 1 : i32
      %dma_wait3A_46 = arith.constant 0 : i32
      %dma_wait3A_47 = tpu.memref_slice %arg7[%dma_wait3A_45, %dma_wait3A_46] : memref<40x128xi32, #tpu.memory_space<vmem>> -> memref<1x128xi32, #tpu.memory_space<vmem>>
      %dma_wait3A_48 = tpu.memref_squeeze %dma_wait3A_47 : memref<1x128xi32, #tpu.memory_space<vmem>> -> memref<128xi32, #tpu.memory_space<vmem>>
      %dma_wait3A_49 = arith.constant 0 : i32
      %dma_wait3A_50 = arith.constant 0 : i32
      %dma_wait3A_51 = tpu.memref_slice %arg2[%dma_wait3A_49, %dma_wait3A_50] : memref<10000x128xf32, #tpu.memory_space<hbm>> -> memref<10000x128xf32, #tpu.memory_space<hbm>>
      tpu.wait_indirect_dma semaphore(%arg13 : memref<!tpu.dma_semaphore, #tpu.memory_space<semaphore_mem>>) src(%dma_wait3A_51 : memref<10000x128xf32, #tpu.memory_space<hbm>>) dst(%arg10 : memref<128x128xf32, #tpu.memory_space<vmem>>)
      %dma_start3A_52 = arith.constant 1 : i32
      %dma_start3A_53 = arith.constant 0 : i32
      %dma_start3A_54 = tpu.memref_slice %arg8[%dma_start3A_52, %dma_start3A_53] : memref<40x128xi32, #tpu.memory_space<vmem>> -> memref<1x128xi32, #tpu.memory_space<vmem>>
      %dma_start3A_55 = tpu.memref_squeeze %dma_start3A_54 : memref<1x128xi32, #tpu.memory_space<vmem>> -> memref<128xi32, #tpu.memory_space<vmem>>
      %dma_start3A_56 = arith.constant 0 : i32
      %dma_start3A_57 = arith.constant 0 : i32
      %dma_start3A_58 = tpu.memref_slice %arg14[%dma_start3A_56, %dma_start3A_57] : memref<10240x128xf32, #tpu.memory_space<vmem_shared>> -> memref<10240x128xf32, #tpu.memory_space<vmem_shared>>
      tpu.enqueue_indirect_dma source(%arg10 : memref<128x128xf32, #tpu.memory_space<vmem>>) target(%dma_start3A_58 : memref<10240x128xf32, #tpu.memory_space<vmem_shared>>) offsets(%dma_start3A_55 : memref<128xi32, #tpu.memory_space<vmem>>) semaphore(%arg12 : memref<!tpu.dma_semaphore, #tpu.memory_space<semaphore_mem>>) {add = true}
      %scan3A_59 = arith.constant 0 : i32
      %scan3A_60 = arith.constant 19 : i32
      %scan3A_61 = arith.addi %scan3A_59, %scan3A_60 : i32
      %scan3A_62 = arith.constant 1 : i32
      scf.for %scan3A_78 = %scan3A_59 to %scan3A_61 step %scan3A_62  : i32 {
        %mul3A_79 = arith.constant 2 : i32
        %mul3A_80 = arith.muli %scan3A_78, %mul3A_79 : i32
        %add3A_81 = arith.constant 2 : i32
        %add3A_82 = arith.addi %add3A_81, %mul3A_80 : i32
        %add3A_83 = arith.constant 0 : i32
        %add3A_84 = arith.addi %add3A_82, %add3A_83 : i32
        %sub3A = arith.constant 2 : i32
        %sub3A_85 = arith.subi %add3A_84, %sub3A : i32
        %dma_wait3A_86 = arith.constant 0 : i32
        %dma_wait3A_87 = tpu.memref_slice %arg8[%sub3A_85, %dma_wait3A_86] : memref<40x128xi32, #tpu.memory_space<vmem>> -> memref<1x128xi32, #tpu.memory_space<vmem>>
        %dma_wait3A_88 = tpu.memref_squeeze %dma_wait3A_87 : memref<1x128xi32, #tpu.memory_space<vmem>> -> memref<128xi32, #tpu.memory_space<vmem>>
        %dma_wait3A_89 = arith.constant 0 : i32
        %dma_wait3A_90 = arith.constant 0 : i32
        %dma_wait3A_91 = tpu.memref_slice %arg14[%dma_wait3A_89, %dma_wait3A_90] : memref<10240x128xf32, #tpu.memory_space<vmem_shared>> -> memref<10240x128xf32, #tpu.memory_space<vmem_shared>>
        tpu.wait_indirect_dma semaphore(%arg11 : memref<!tpu.dma_semaphore, #tpu.memory_space<semaphore_mem>>) src(%arg9 : memref<128x128xf32, #tpu.memory_space<vmem>>) dst(%dma_wait3A_91 : memref<10240x128xf32, #tpu.memory_space<vmem_shared>>)
        %dma_start3A_92 = arith.constant 0 : i32
        %dma_start3A_93 = tpu.memref_slice %arg7[%add3A_84, %dma_start3A_92] : memref<40x128xi32, #tpu.memory_space<vmem>> -> memref<1x128xi32, #tpu.memory_space<vmem>>
        %dma_start3A_94 = tpu.memref_squeeze %dma_start3A_93 : memref<1x128xi32, #tpu.memory_space<vmem>> -> memref<128xi32, #tpu.memory_space<vmem>>
        %dma_start3A_95 = arith.constant 0 : i32
        %dma_start3A_96 = arith.constant 0 : i32
        %dma_start3A_97 = tpu.memref_slice %arg2[%dma_start3A_95, %dma_start3A_96] : memref<10000x128xf32, #tpu.memory_space<hbm>> -> memref<10000x128xf32, #tpu.memory_space<hbm>>
        tpu.enqueue_indirect_dma source(%dma_start3A_97 : memref<10000x128xf32, #tpu.memory_space<hbm>>) target(%arg9 : memref<128x128xf32, #tpu.memory_space<vmem>>) offsets(%dma_start3A_94 : memref<128xi32, #tpu.memory_space<vmem>>) semaphore(%arg13 : memref<!tpu.dma_semaphore, #tpu.memory_space<semaphore_mem>>)
        %dma_wait3A_98 = arith.constant 0 : i32
        %dma_wait3A_99 = tpu.memref_slice %arg7[%add3A_84, %dma_wait3A_98] : memref<40x128xi32, #tpu.memory_space<vmem>> -> memref<1x128xi32, #tpu.memory_space<vmem>>
        %dma_wait3A_100 = tpu.memref_squeeze %dma_wait3A_99 : memref<1x128xi32, #tpu.memory_space<vmem>> -> memref<128xi32, #tpu.memory_space<vmem>>
        %dma_wait3A_101 = arith.constant 0 : i32
        %dma_wait3A_102 = arith.constant 0 : i32
        %dma_wait3A_103 = tpu.memref_slice %arg2[%dma_wait3A_101, %dma_wait3A_102] : memref<10000x128xf32, #tpu.memory_space<hbm>> -> memref<10000x128xf32, #tpu.memory_space<hbm>>
        tpu.wait_indirect_dma semaphore(%arg13 : memref<!tpu.dma_semaphore, #tpu.memory_space<semaphore_mem>>) src(%dma_wait3A_103 : memref<10000x128xf32, #tpu.memory_space<hbm>>) dst(%arg9 : memref<128x128xf32, #tpu.memory_space<vmem>>)
        %dma_start3A_104 = arith.constant 0 : i32
        %dma_start3A_105 = tpu.memref_slice %arg8[%add3A_84, %dma_start3A_104] : memref<40x128xi32, #tpu.memory_space<vmem>> -> memref<1x128xi32, #tpu.memory_space<vmem>>
        %dma_start3A_106 = tpu.memref_squeeze %dma_start3A_105 : memref<1x128xi32, #tpu.memory_space<vmem>> -> memref<128xi32, #tpu.memory_space<vmem>>
        %dma_start3A_107 = arith.constant 0 : i32
        %dma_start3A_108 = arith.constant 0 : i32
        %dma_start3A_109 = tpu.memref_slice %arg14[%dma_start3A_107, %dma_start3A_108] : memref<10240x128xf32, #tpu.memory_space<vmem_shared>> -> memref<10240x128xf32, #tpu.memory_space<vmem_shared>>
        tpu.enqueue_indirect_dma source(%arg9 : memref<128x128xf32, #tpu.memory_space<vmem>>) target(%dma_start3A_109 : memref<10240x128xf32, #tpu.memory_space<vmem_shared>>) offsets(%dma_start3A_106 : memref<128xi32, #tpu.memory_space<vmem>>) semaphore(%arg11 : memref<!tpu.dma_semaphore, #tpu.memory_space<semaphore_mem>>) {add = true}
        %add3A_110 = arith.constant 1 : i32
        %add3A_111 = arith.addi %add3A_82, %add3A_110 : i32
        %sub3A_112 = arith.constant 2 : i32
        %sub3A_113 = arith.subi %add3A_111, %sub3A_112 : i32
        %dma_wait3A_114 = arith.constant 0 : i32
        %dma_wait3A_115 = tpu.memref_slice %arg8[%sub3A_113, %dma_wait3A_114] : memref<40x128xi32, #tpu.memory_space<vmem>> -> memref<1x128xi32, #tpu.memory_space<vmem>>
        %dma_wait3A_116 = tpu.memref_squeeze %dma_wait3A_115 : memref<1x128xi32, #tpu.memory_space<vmem>> -> memref<128xi32, #tpu.memory_space<vmem>>
        %dma_wait3A_117 = arith.constant 0 : i32
        %dma_wait3A_118 = arith.constant 0 : i32
        %dma_wait3A_119 = tpu.memref_slice %arg14[%dma_wait3A_117, %dma_wait3A_118] : memref<10240x128xf32, #tpu.memory_space<vmem_shared>> -> memref<10240x128xf32, #tpu.memory_space<vmem_shared>>
        tpu.wait_indirect_dma semaphore(%arg12 : memref<!tpu.dma_semaphore, #tpu.memory_space<semaphore_mem>>) src(%arg10 : memref<128x128xf32, #tpu.memory_space<vmem>>) dst(%dma_wait3A_119 : memref<10240x128xf32, #tpu.memory_space<vmem_shared>>)
        %dma_start3A_120 = arith.constant 0 : i32
        %dma_start3A_121 = tpu.memref_slice %arg7[%add3A_111, %dma_start3A_120] : memref<40x128xi32, #tpu.memory_space<vmem>> -> memref<1x128xi32, #tpu.memory_space<vmem>>
        %dma_start3A_122 = tpu.memref_squeeze %dma_start3A_121 : memref<1x128xi32, #tpu.memory_space<vmem>> -> memref<128xi32, #tpu.memory_space<vmem>>
        %dma_start3A_123 = arith.constant 0 : i32
        %dma_start3A_124 = arith.constant 0 : i32
        %dma_start3A_125 = tpu.memref_slice %arg2[%dma_start3A_123, %dma_start3A_124] : memref<10000x128xf32, #tpu.memory_space<hbm>> -> memref<10000x128xf32, #tpu.memory_space<hbm>>
        tpu.enqueue_indirect_dma source(%dma_start3A_125 : memref<10000x128xf32, #tpu.memory_space<hbm>>) target(%arg10 : memref<128x128xf32, #tpu.memory_space<vmem>>) offsets(%dma_start3A_122 : memref<128xi32, #tpu.memory_space<vmem>>) semaphore(%arg13 : memref<!tpu.dma_semaphore, #tpu.memory_space<semaphore_mem>>)
        %dma_wait3A_126 = arith.constant 0 : i32
        %dma_wait3A_127 = tpu.memref_slice %arg7[%add3A_111, %dma_wait3A_126] : memref<40x128xi32, #tpu.memory_space<vmem>> -> memref<1x128xi32, #tpu.memory_space<vmem>>
        %dma_wait3A_128 = tpu.memref_squeeze %dma_wait3A_127 : memref<1x128xi32, #tpu.memory_space<vmem>> -> memref<128xi32, #tpu.memory_space<vmem>>
        %dma_wait3A_129 = arith.constant 0 : i32
        %dma_wait3A_130 = arith.constant 0 : i32
        %dma_wait3A_131 = tpu.memref_slice %arg2[%dma_wait3A_129, %dma_wait3A_130] : memref<10000x128xf32, #tpu.memory_space<hbm>> -> memref<10000x128xf32, #tpu.memory_space<hbm>>
        tpu.wait_indirect_dma semaphore(%arg13 : memref<!tpu.dma_semaphore, #tpu.memory_space<semaphore_mem>>) src(%dma_wait3A_131 : memref<10000x128xf32, #tpu.memory_space<hbm>>) dst(%arg10 : memref<128x128xf32, #tpu.memory_space<vmem>>)
        %dma_start3A_132 = arith.constant 0 : i32
        %dma_start3A_133 = tpu.memref_slice %arg8[%add3A_111, %dma_start3A_132] : memref<40x128xi32, #tpu.memory_space<vmem>> -> memref<1x128xi32, #tpu.memory_space<vmem>>
        %dma_start3A_134 = tpu.memref_squeeze %dma_start3A_133 : memref<1x128xi32, #tpu.memory_space<vmem>> -> memref<128xi32, #tpu.memory_space<vmem>>
        %dma_start3A_135 = arith.constant 0 : i32
        %dma_start3A_136 = arith.constant 0 : i32
        %dma_start3A_137 = tpu.memref_slice %arg14[%dma_start3A_135, %dma_start3A_136] : memref<10240x128xf32, #tpu.memory_space<vmem_shared>> -> memref<10240x128xf32, #tpu.memory_space<vmem_shared>>
        tpu.enqueue_indirect_dma source(%arg10 : memref<128x128xf32, #tpu.memory_space<vmem>>) target(%dma_start3A_137 : memref<10240x128xf32, #tpu.memory_space<vmem_shared>>) offsets(%dma_start3A_134 : memref<128xi32, #tpu.memory_space<vmem>>) semaphore(%arg12 : memref<!tpu.dma_semaphore, #tpu.memory_space<semaphore_mem>>) {add = true}
      }
      %scan3A_63 = arith.constant 19 : i32
      %dma_wait3A_64 = arith.constant 38 : i32
      %dma_wait3A_65 = arith.constant 0 : i32
      %dma_wait3A_66 = tpu.memref_slice %arg8[%dma_wait3A_64, %dma_wait3A_65] : memref<40x128xi32, #tpu.memory_space<vmem>> -> memref<1x128xi32, #tpu.memory_space<vmem>>
      %dma_wait3A_67 = tpu.memref_squeeze %dma_wait3A_66 : memref<1x128xi32, #tpu.memory_space<vmem>> -> memref<128xi32, #tpu.memory_space<vmem>>
      %dma_wait3A_68 = arith.constant 0 : i32
      %dma_wait3A_69 = arith.constant 0 : i32
      %dma_wait3A_70 = tpu.memref_slice %arg14[%dma_wait3A_68, %dma_wait3A_69] : memref<10240x128xf32, #tpu.memory_space<vmem_shared>> -> memref<10240x128xf32, #tpu.memory_space<vmem_shared>>
      tpu.wait_indirect_dma semaphore(%arg11 : memref<!tpu.dma_semaphore, #tpu.memory_space<semaphore_mem>>) src(%arg9 : memref<128x128xf32, #tpu.memory_space<vmem>>) dst(%dma_wait3A_70 : memref<10240x128xf32, #tpu.memory_space<vmem_shared>>)
      %dma_wait3A_71 = arith.constant 39 : i32
      %dma_wait3A_72 = arith.constant 0 : i32
      %dma_wait3A_73 = tpu.memref_slice %arg8[%dma_wait3A_71, %dma_wait3A_72] : memref<40x128xi32, #tpu.memory_space<vmem>> -> memref<1x128xi32, #tpu.memory_space<vmem>>
      %dma_wait3A_74 = tpu.memref_squeeze %dma_wait3A_73 : memref<1x128xi32, #tpu.memory_space<vmem>> -> memref<128xi32, #tpu.memory_space<vmem>>
      %dma_wait3A_75 = arith.constant 0 : i32
      %dma_wait3A_76 = arith.constant 0 : i32
      %dma_wait3A_77 = tpu.memref_slice %arg14[%dma_wait3A_75, %dma_wait3A_76] : memref<10240x128xf32, #tpu.memory_space<vmem_shared>> -> memref<10240x128xf32, #tpu.memory_space<vmem_shared>>
      tpu.wait_indirect_dma semaphore(%arg12 : memref<!tpu.dma_semaphore, #tpu.memory_space<semaphore_mem>>) src(%arg10 : memref<128x128xf32, #tpu.memory_space<vmem>>) dst(%dma_wait3A_77 : memref<10240x128xf32, #tpu.memory_space<vmem_shared>>)
    }
    %scan3A_4 = arith.constant 2 : i32
    %barrier3A_5 = arith.constant 0 : index
    tpu.barrier barrier_id(%barrier3A_5)
    %mul3A_6 = arith.constant 640 : i32
    %mul3A_7 = arith.muli %arg1, %mul3A_6 : i32
    %mul3A_8 = arith.constant 640 : i32
    %mul3A_9 = arith.muli %arg1, %mul3A_8 : i32
    "tpu.region"() ({
      %run_scoped3A = tpu.sem_alloc : memref<!tpu.dma_semaphore, #tpu.memory_space<semaphore_mem>>
      %dma_start3A = arith.constant 0 : i32
      %dma_start3A_10 = arith.constant 0 : i32
      %dma_start3A_11 = tpu.memref_slice %arg6[%arg0, %dma_start3A, %dma_start3A_10] : memref<2x10240x128xf32, #tpu.memory_space<hbm>> -> memref<1x10240x128xf32, #tpu.memory_space<hbm>>
      %dma_start3A_12 = tpu.memref_squeeze %dma_start3A_11 : memref<1x10240x128xf32, #tpu.memory_space<hbm>> -> memref<10240x128xf32, #tpu.memory_space<hbm>>
      %dma_start3A_13 = arith.constant 0 : i32
      %dma_start3A_14 = tpu.memref_slice %dma_start3A_12[%mul3A_9, %dma_start3A_13] : memref<10240x128xf32, #tpu.memory_space<hbm>> -> memref<640x128xf32, #tpu.memory_space<hbm>>
      %dma_start3A_15 = arith.constant 0 : i32
      %dma_start3A_16 = tpu.memref_slice %arg14[%mul3A_7, %dma_start3A_15] : memref<10240x128xf32, #tpu.memory_space<vmem_shared>> -> memref<640x128xf32, #tpu.memory_space<vmem_shared>>
      tpu.enqueue_dma source(%dma_start3A_16 : memref<640x128xf32, #tpu.memory_space<vmem_shared>>) target(%dma_start3A_14 : memref<640x128xf32, #tpu.memory_space<hbm>>) target_semaphore(%run_scoped3A : memref<!tpu.dma_semaphore, #tpu.memory_space<semaphore_mem>>)
      %dma_wait3A = arith.constant 0 : i32
      %dma_wait3A_17 = arith.constant 0 : i32
      %dma_wait3A_18 = tpu.memref_slice %arg6[%arg0, %dma_wait3A, %dma_wait3A_17] : memref<2x10240x128xf32, #tpu.memory_space<hbm>> -> memref<1x10240x128xf32, #tpu.memory_space<hbm>>
      %dma_wait3A_19 = tpu.memref_squeeze %dma_wait3A_18 : memref<1x10240x128xf32, #tpu.memory_space<hbm>> -> memref<10240x128xf32, #tpu.memory_space<hbm>>
      %dma_wait3A_20 = arith.constant 0 : i32
      %dma_wait3A_21 = tpu.memref_slice %dma_wait3A_19[%mul3A_9, %dma_wait3A_20] : memref<10240x128xf32, #tpu.memory_space<hbm>> -> memref<640x128xf32, #tpu.memory_space<hbm>>
      %dma_wait3A_22 = arith.constant 0 : i32
      %dma_wait3A_23 = tpu.memref_slice %arg14[%mul3A_7, %dma_wait3A_22] : memref<10240x128xf32, #tpu.memory_space<vmem_shared>> -> memref<640x128xf32, #tpu.memory_space<vmem_shared>>
      tpu.wait_dma2 semaphore(%run_scoped3A : memref<!tpu.dma_semaphore, #tpu.memory_space<semaphore_mem>>) src(%dma_wait3A_23 : memref<640x128xf32, #tpu.memory_space<vmem_shared>>) dst(%dma_wait3A_21 : memref<640x128xf32, #tpu.memory_space<hbm>>)
      tpu.yield
    }) : () -> ()
    return
  }
}

#map = affine_map<(d0, d1) -> (0, 0, 0)>
#map1 = affine_map<(d0, d1) -> (0, 0)>
module attributes {stable_mosaic.version = 14 : i64} {
  func.func @_deg_body(%arg0: i32, %arg1: i32, %arg2: memref<16x160x128xi32, #tpu.memory_space<hbm>>, %arg3: memref<640x128xf32, #tpu.memory_space<hbm>>, %arg4: memref<128x128xf32, #tpu.memory_space<hbm>>, %arg5: memref<2x10240x128xf32, #tpu.memory_space<hbm>>, %arg6: memref<80x128xi32, #tpu.memory_space<vmem>>, %arg7: memref<128x128xf32, #tpu.memory_space<vmem>>, %arg8: memref<!tpu.dma_semaphore, #tpu.memory_space<semaphore_mem>>, %arg9: memref<!tpu.dma_semaphore, #tpu.memory_space<semaphore_mem>>, %arg10: memref<10240x128xf32, #tpu.memory_space<vmem_shared>>) attributes {dimension_semantics = [#tpu.dimension_semantics<core_parallel>, #tpu.dimension_semantics<subcore_parallel>], iteration_bounds = array<i64: 2, 16>, scalar_prefetch = 0 : i64, scratch_operands = 5 : i64, tpu.core_type = #tpu.core_type<sc_vector_subcore>, window_params = [{transform_indices = #map}, {transform_indices = #map1}, {transform_indices = #map1}, {transform_indices = #map}]} {
    "tpu.region"() ({
      %run_scoped3A = tpu.sem_alloc : memref<!tpu.dma_semaphore, #tpu.memory_space<semaphore_mem>>
      tpu.enqueue_dma source(%arg4 : memref<128x128xf32, #tpu.memory_space<hbm>>) target(%arg7 : memref<128x128xf32, #tpu.memory_space<vmem>>) target_semaphore(%run_scoped3A : memref<!tpu.dma_semaphore, #tpu.memory_space<semaphore_mem>>)
      tpu.wait_dma2 semaphore(%run_scoped3A : memref<!tpu.dma_semaphore, #tpu.memory_space<semaphore_mem>>) src(%arg4 : memref<128x128xf32, #tpu.memory_space<hbm>>) dst(%arg7 : memref<128x128xf32, #tpu.memory_space<vmem>>)
      tpu.yield
    }) : () -> ()
    %mul3A = arith.constant 640 : i32
    %mul3A_0 = arith.muli %arg1, %mul3A : i32
    "tpu.region"() ({
      %run_scoped3A = tpu.sem_alloc : memref<!tpu.dma_semaphore, #tpu.memory_space<semaphore_mem>>
      %dma_start3A_38 = arith.constant 0 : i32
      %dma_start3A_39 = tpu.memref_slice %arg10[%mul3A_0, %dma_start3A_38] : memref<10240x128xf32, #tpu.memory_space<vmem_shared>> -> memref<640x128xf32, #tpu.memory_space<vmem_shared>>
      tpu.enqueue_dma source(%arg3 : memref<640x128xf32, #tpu.memory_space<hbm>>) target(%dma_start3A_39 : memref<640x128xf32, #tpu.memory_space<vmem_shared>>) target_semaphore(%run_scoped3A : memref<!tpu.dma_semaphore, #tpu.memory_space<semaphore_mem>>)
      %dma_wait3A_40 = arith.constant 0 : i32
      %dma_wait3A_41 = tpu.memref_slice %arg10[%mul3A_0, %dma_wait3A_40] : memref<10240x128xf32, #tpu.memory_space<vmem_shared>> -> memref<640x128xf32, #tpu.memory_space<vmem_shared>>
      tpu.wait_dma2 semaphore(%run_scoped3A : memref<!tpu.dma_semaphore, #tpu.memory_space<semaphore_mem>>) src(%arg3 : memref<640x128xf32, #tpu.memory_space<hbm>>) dst(%dma_wait3A_41 : memref<640x128xf32, #tpu.memory_space<vmem_shared>>)
      tpu.yield
    }) : () -> ()
    %barrier3A = arith.constant 0 : index
    tpu.barrier barrier_id(%barrier3A)
    %mul3A_1 = arith.constant 80 : i32
    %mul3A_2 = arith.muli %arg0, %mul3A_1 : i32
    "tpu.region"() ({
      %run_scoped3A = tpu.sem_alloc : memref<!tpu.dma_semaphore, #tpu.memory_space<semaphore_mem>>
      %dma_start3A_38 = arith.constant 0 : i32
      %dma_start3A_39 = arith.constant 0 : i32
      %dma_start3A_40 = tpu.memref_slice %arg2[%arg1, %dma_start3A_38, %dma_start3A_39] : memref<16x160x128xi32, #tpu.memory_space<hbm>> -> memref<1x160x128xi32, #tpu.memory_space<hbm>>
      %dma_start3A_41 = tpu.memref_squeeze %dma_start3A_40 : memref<1x160x128xi32, #tpu.memory_space<hbm>> -> memref<160x128xi32, #tpu.memory_space<hbm>>
      %dma_start3A_42 = arith.constant 0 : i32
      %dma_start3A_43 = tpu.memref_slice %dma_start3A_41[%mul3A_2, %dma_start3A_42] : memref<160x128xi32, #tpu.memory_space<hbm>> -> memref<80x128xi32, #tpu.memory_space<hbm>>
      %dma_start3A_44 = arith.constant 0 : i32
      %dma_start3A_45 = arith.constant 0 : i32
      %dma_start3A_46 = tpu.memref_slice %arg2[%arg1, %dma_start3A_44, %dma_start3A_45] : memref<16x160x128xi32, #tpu.memory_space<hbm>> -> memref<1x160x128xi32, #tpu.memory_space<hbm>>
      %dma_start3A_47 = tpu.memref_squeeze %dma_start3A_46 : memref<1x160x128xi32, #tpu.memory_space<hbm>> -> memref<160x128xi32, #tpu.memory_space<hbm>>
      %dma_start3A_48 = arith.constant 0 : i32
      %dma_start3A_49 = tpu.memref_slice %dma_start3A_47[%mul3A_2, %dma_start3A_48] : memref<160x128xi32, #tpu.memory_space<hbm>> -> memref<80x128xi32, #tpu.memory_space<hbm>>
      tpu.enqueue_dma source(%dma_start3A_49 : memref<80x128xi32, #tpu.memory_space<hbm>>) target(%arg6 : memref<80x128xi32, #tpu.memory_space<vmem>>) target_semaphore(%run_scoped3A : memref<!tpu.dma_semaphore, #tpu.memory_space<semaphore_mem>>)
      %dma_wait3A_50 = arith.constant 0 : i32
      %dma_wait3A_51 = arith.constant 0 : i32
      %dma_wait3A_52 = tpu.memref_slice %arg2[%arg1, %dma_wait3A_50, %dma_wait3A_51] : memref<16x160x128xi32, #tpu.memory_space<hbm>> -> memref<1x160x128xi32, #tpu.memory_space<hbm>>
      %dma_wait3A_53 = tpu.memref_squeeze %dma_wait3A_52 : memref<1x160x128xi32, #tpu.memory_space<hbm>> -> memref<160x128xi32, #tpu.memory_space<hbm>>
      %dma_wait3A_54 = arith.constant 0 : i32
      %dma_wait3A_55 = tpu.memref_slice %dma_wait3A_53[%mul3A_2, %dma_wait3A_54] : memref<160x128xi32, #tpu.memory_space<hbm>> -> memref<80x128xi32, #tpu.memory_space<hbm>>
      %dma_wait3A_56 = arith.constant 0 : i32
      %dma_wait3A_57 = arith.constant 0 : i32
      %dma_wait3A_58 = tpu.memref_slice %arg2[%arg1, %dma_wait3A_56, %dma_wait3A_57] : memref<16x160x128xi32, #tpu.memory_space<hbm>> -> memref<1x160x128xi32, #tpu.memory_space<hbm>>
      %dma_wait3A_59 = tpu.memref_squeeze %dma_wait3A_58 : memref<1x160x128xi32, #tpu.memory_space<hbm>> -> memref<160x128xi32, #tpu.memory_space<hbm>>
      %dma_wait3A_60 = arith.constant 0 : i32
      %dma_wait3A_61 = tpu.memref_slice %dma_wait3A_59[%mul3A_2, %dma_wait3A_60] : memref<160x128xi32, #tpu.memory_space<hbm>> -> memref<80x128xi32, #tpu.memory_space<hbm>>
      tpu.wait_dma2 semaphore(%run_scoped3A : memref<!tpu.dma_semaphore, #tpu.memory_space<semaphore_mem>>) src(%dma_wait3A_61 : memref<80x128xi32, #tpu.memory_space<hbm>>) dst(%arg6 : memref<80x128xi32, #tpu.memory_space<vmem>>)
      tpu.yield
    }) : () -> ()
    %dma_start3A = arith.constant 0 : i32
    %dma_start3A_3 = arith.constant 0 : i32
    %dma_start3A_4 = tpu.memref_slice %arg6[%dma_start3A, %dma_start3A_3] : memref<80x128xi32, #tpu.memory_space<vmem>> -> memref<1x128xi32, #tpu.memory_space<vmem>>
    %dma_start3A_5 = tpu.memref_squeeze %dma_start3A_4 : memref<1x128xi32, #tpu.memory_space<vmem>> -> memref<128xi32, #tpu.memory_space<vmem>>
    %dma_start3A_6 = arith.constant 0 : i32
    %dma_start3A_7 = arith.constant 0 : i32
    %dma_start3A_8 = tpu.memref_slice %arg10[%dma_start3A_6, %dma_start3A_7] : memref<10240x128xf32, #tpu.memory_space<vmem_shared>> -> memref<10240x128xf32, #tpu.memory_space<vmem_shared>>
    tpu.enqueue_indirect_dma source(%arg7 : memref<128x128xf32, #tpu.memory_space<vmem>>) target(%dma_start3A_8 : memref<10240x128xf32, #tpu.memory_space<vmem_shared>>) offsets(%dma_start3A_5 : memref<128xi32, #tpu.memory_space<vmem>>) semaphore(%arg8 : memref<!tpu.dma_semaphore, #tpu.memory_space<semaphore_mem>>) {add = true}
    %dma_start3A_9 = arith.constant 1 : i32
    %dma_start3A_10 = arith.constant 0 : i32
    %dma_start3A_11 = tpu.memref_slice %arg6[%dma_start3A_9, %dma_start3A_10] : memref<80x128xi32, #tpu.memory_space<vmem>> -> memref<1x128xi32, #tpu.memory_space<vmem>>
    %dma_start3A_12 = tpu.memref_squeeze %dma_start3A_11 : memref<1x128xi32, #tpu.memory_space<vmem>> -> memref<128xi32, #tpu.memory_space<vmem>>
    %dma_start3A_13 = arith.constant 0 : i32
    %dma_start3A_14 = arith.constant 0 : i32
    %dma_start3A_15 = tpu.memref_slice %arg10[%dma_start3A_13, %dma_start3A_14] : memref<10240x128xf32, #tpu.memory_space<vmem_shared>> -> memref<10240x128xf32, #tpu.memory_space<vmem_shared>>
    tpu.enqueue_indirect_dma source(%arg7 : memref<128x128xf32, #tpu.memory_space<vmem>>) target(%dma_start3A_15 : memref<10240x128xf32, #tpu.memory_space<vmem_shared>>) offsets(%dma_start3A_12 : memref<128xi32, #tpu.memory_space<vmem>>) semaphore(%arg9 : memref<!tpu.dma_semaphore, #tpu.memory_space<semaphore_mem>>) {add = true}
    %scan3A = arith.constant 0 : i32
    %scan3A_16 = arith.constant 39 : i32
    %scan3A_17 = arith.addi %scan3A, %scan3A_16 : i32
    %scan3A_18 = arith.constant 1 : i32
    scf.for %scan3A_38 = %scan3A to %scan3A_17 step %scan3A_18  : i32 {
      %mul3A_39 = arith.constant 2 : i32
      %mul3A_40 = arith.muli %scan3A_38, %mul3A_39 : i32
      %add3A = arith.constant 2 : i32
      %add3A_41 = arith.addi %add3A, %mul3A_40 : i32
      %add3A_42 = arith.constant 0 : i32
      %add3A_43 = arith.addi %add3A_41, %add3A_42 : i32
      %sub3A = arith.constant 2 : i32
      %sub3A_44 = arith.subi %add3A_43, %sub3A : i32
      %dma_wait3A_45 = arith.constant 0 : i32
      %dma_wait3A_46 = tpu.memref_slice %arg6[%sub3A_44, %dma_wait3A_45] : memref<80x128xi32, #tpu.memory_space<vmem>> -> memref<1x128xi32, #tpu.memory_space<vmem>>
      %dma_wait3A_47 = tpu.memref_squeeze %dma_wait3A_46 : memref<1x128xi32, #tpu.memory_space<vmem>> -> memref<128xi32, #tpu.memory_space<vmem>>
      %dma_wait3A_48 = arith.constant 0 : i32
      %dma_wait3A_49 = arith.constant 0 : i32
      %dma_wait3A_50 = tpu.memref_slice %arg10[%dma_wait3A_48, %dma_wait3A_49] : memref<10240x128xf32, #tpu.memory_space<vmem_shared>> -> memref<10240x128xf32, #tpu.memory_space<vmem_shared>>
      tpu.wait_indirect_dma semaphore(%arg8 : memref<!tpu.dma_semaphore, #tpu.memory_space<semaphore_mem>>) src(%arg7 : memref<128x128xf32, #tpu.memory_space<vmem>>) dst(%dma_wait3A_50 : memref<10240x128xf32, #tpu.memory_space<vmem_shared>>)
      %dma_start3A_51 = arith.constant 0 : i32
      %dma_start3A_52 = tpu.memref_slice %arg6[%add3A_43, %dma_start3A_51] : memref<80x128xi32, #tpu.memory_space<vmem>> -> memref<1x128xi32, #tpu.memory_space<vmem>>
      %dma_start3A_53 = tpu.memref_squeeze %dma_start3A_52 : memref<1x128xi32, #tpu.memory_space<vmem>> -> memref<128xi32, #tpu.memory_space<vmem>>
      %dma_start3A_54 = arith.constant 0 : i32
      %dma_start3A_55 = arith.constant 0 : i32
      %dma_start3A_56 = tpu.memref_slice %arg10[%dma_start3A_54, %dma_start3A_55] : memref<10240x128xf32, #tpu.memory_space<vmem_shared>> -> memref<10240x128xf32, #tpu.memory_space<vmem_shared>>
      tpu.enqueue_indirect_dma source(%arg7 : memref<128x128xf32, #tpu.memory_space<vmem>>) target(%dma_start3A_56 : memref<10240x128xf32, #tpu.memory_space<vmem_shared>>) offsets(%dma_start3A_53 : memref<128xi32, #tpu.memory_space<vmem>>) semaphore(%arg8 : memref<!tpu.dma_semaphore, #tpu.memory_space<semaphore_mem>>) {add = true}
      %add3A_57 = arith.constant 1 : i32
      %add3A_58 = arith.addi %add3A_41, %add3A_57 : i32
      %sub3A_59 = arith.constant 2 : i32
      %sub3A_60 = arith.subi %add3A_58, %sub3A_59 : i32
      %dma_wait3A_61 = arith.constant 0 : i32
      %dma_wait3A_62 = tpu.memref_slice %arg6[%sub3A_60, %dma_wait3A_61] : memref<80x128xi32, #tpu.memory_space<vmem>> -> memref<1x128xi32, #tpu.memory_space<vmem>>
      %dma_wait3A_63 = tpu.memref_squeeze %dma_wait3A_62 : memref<1x128xi32, #tpu.memory_space<vmem>> -> memref<128xi32, #tpu.memory_space<vmem>>
      %dma_wait3A_64 = arith.constant 0 : i32
      %dma_wait3A_65 = arith.constant 0 : i32
      %dma_wait3A_66 = tpu.memref_slice %arg10[%dma_wait3A_64, %dma_wait3A_65] : memref<10240x128xf32, #tpu.memory_space<vmem_shared>> -> memref<10240x128xf32, #tpu.memory_space<vmem_shared>>
      tpu.wait_indirect_dma semaphore(%arg9 : memref<!tpu.dma_semaphore, #tpu.memory_space<semaphore_mem>>) src(%arg7 : memref<128x128xf32, #tpu.memory_space<vmem>>) dst(%dma_wait3A_66 : memref<10240x128xf32, #tpu.memory_space<vmem_shared>>)
      %dma_start3A_67 = arith.constant 0 : i32
      %dma_start3A_68 = tpu.memref_slice %arg6[%add3A_58, %dma_start3A_67] : memref<80x128xi32, #tpu.memory_space<vmem>> -> memref<1x128xi32, #tpu.memory_space<vmem>>
      %dma_start3A_69 = tpu.memref_squeeze %dma_start3A_68 : memref<1x128xi32, #tpu.memory_space<vmem>> -> memref<128xi32, #tpu.memory_space<vmem>>
      %dma_start3A_70 = arith.constant 0 : i32
      %dma_start3A_71 = arith.constant 0 : i32
      %dma_start3A_72 = tpu.memref_slice %arg10[%dma_start3A_70, %dma_start3A_71] : memref<10240x128xf32, #tpu.memory_space<vmem_shared>> -> memref<10240x128xf32, #tpu.memory_space<vmem_shared>>
      tpu.enqueue_indirect_dma source(%arg7 : memref<128x128xf32, #tpu.memory_space<vmem>>) target(%dma_start3A_72 : memref<10240x128xf32, #tpu.memory_space<vmem_shared>>) offsets(%dma_start3A_69 : memref<128xi32, #tpu.memory_space<vmem>>) semaphore(%arg9 : memref<!tpu.dma_semaphore, #tpu.memory_space<semaphore_mem>>) {add = true}
    }
    %scan3A_19 = arith.constant 39 : i32
    %dma_wait3A = arith.constant 78 : i32
    %dma_wait3A_20 = arith.constant 0 : i32
    %dma_wait3A_21 = tpu.memref_slice %arg6[%dma_wait3A, %dma_wait3A_20] : memref<80x128xi32, #tpu.memory_space<vmem>> -> memref<1x128xi32, #tpu.memory_space<vmem>>
    %dma_wait3A_22 = tpu.memref_squeeze %dma_wait3A_21 : memref<1x128xi32, #tpu.memory_space<vmem>> -> memref<128xi32, #tpu.memory_space<vmem>>
    %dma_wait3A_23 = arith.constant 0 : i32
    %dma_wait3A_24 = arith.constant 0 : i32
    %dma_wait3A_25 = tpu.memref_slice %arg10[%dma_wait3A_23, %dma_wait3A_24] : memref<10240x128xf32, #tpu.memory_space<vmem_shared>> -> memref<10240x128xf32, #tpu.memory_space<vmem_shared>>
    tpu.wait_indirect_dma semaphore(%arg8 : memref<!tpu.dma_semaphore, #tpu.memory_space<semaphore_mem>>) src(%arg7 : memref<128x128xf32, #tpu.memory_space<vmem>>) dst(%dma_wait3A_25 : memref<10240x128xf32, #tpu.memory_space<vmem_shared>>)
    %dma_wait3A_26 = arith.constant 79 : i32
    %dma_wait3A_27 = arith.constant 0 : i32
    %dma_wait3A_28 = tpu.memref_slice %arg6[%dma_wait3A_26, %dma_wait3A_27] : memref<80x128xi32, #tpu.memory_space<vmem>> -> memref<1x128xi32, #tpu.memory_space<vmem>>
    %dma_wait3A_29 = tpu.memref_squeeze %dma_wait3A_28 : memref<1x128xi32, #tpu.memory_space<vmem>> -> memref<128xi32, #tpu.memory_space<vmem>>
    %dma_wait3A_30 = arith.constant 0 : i32
    %dma_wait3A_31 = arith.constant 0 : i32
    %dma_wait3A_32 = tpu.memref_slice %arg10[%dma_wait3A_30, %dma_wait3A_31] : memref<10240x128xf32, #tpu.memory_space<vmem_shared>> -> memref<10240x128xf32, #tpu.memory_space<vmem_shared>>
    tpu.wait_indirect_dma semaphore(%arg9 : memref<!tpu.dma_semaphore, #tpu.memory_space<semaphore_mem>>) src(%arg7 : memref<128x128xf32, #tpu.memory_space<vmem>>) dst(%dma_wait3A_32 : memref<10240x128xf32, #tpu.memory_space<vmem_shared>>)
    %barrier3A_33 = arith.constant 0 : index
    tpu.barrier barrier_id(%barrier3A_33)
    %mul3A_34 = arith.constant 640 : i32
    %mul3A_35 = arith.muli %arg1, %mul3A_34 : i32
    %mul3A_36 = arith.constant 640 : i32
    %mul3A_37 = arith.muli %arg1, %mul3A_36 : i32
    "tpu.region"() ({
      %run_scoped3A = tpu.sem_alloc : memref<!tpu.dma_semaphore, #tpu.memory_space<semaphore_mem>>
      %dma_start3A_38 = arith.constant 0 : i32
      %dma_start3A_39 = arith.constant 0 : i32
      %dma_start3A_40 = tpu.memref_slice %arg5[%arg0, %dma_start3A_38, %dma_start3A_39] : memref<2x10240x128xf32, #tpu.memory_space<hbm>> -> memref<1x10240x128xf32, #tpu.memory_space<hbm>>
      %dma_start3A_41 = tpu.memref_squeeze %dma_start3A_40 : memref<1x10240x128xf32, #tpu.memory_space<hbm>> -> memref<10240x128xf32, #tpu.memory_space<hbm>>
      %dma_start3A_42 = arith.constant 0 : i32
      %dma_start3A_43 = tpu.memref_slice %dma_start3A_41[%mul3A_37, %dma_start3A_42] : memref<10240x128xf32, #tpu.memory_space<hbm>> -> memref<640x128xf32, #tpu.memory_space<hbm>>
      %dma_start3A_44 = arith.constant 0 : i32
      %dma_start3A_45 = tpu.memref_slice %arg10[%mul3A_35, %dma_start3A_44] : memref<10240x128xf32, #tpu.memory_space<vmem_shared>> -> memref<640x128xf32, #tpu.memory_space<vmem_shared>>
      tpu.enqueue_dma source(%dma_start3A_45 : memref<640x128xf32, #tpu.memory_space<vmem_shared>>) target(%dma_start3A_43 : memref<640x128xf32, #tpu.memory_space<hbm>>) target_semaphore(%run_scoped3A : memref<!tpu.dma_semaphore, #tpu.memory_space<semaphore_mem>>)
      %dma_wait3A_46 = arith.constant 0 : i32
      %dma_wait3A_47 = arith.constant 0 : i32
      %dma_wait3A_48 = tpu.memref_slice %arg5[%arg0, %dma_wait3A_46, %dma_wait3A_47] : memref<2x10240x128xf32, #tpu.memory_space<hbm>> -> memref<1x10240x128xf32, #tpu.memory_space<hbm>>
      %dma_wait3A_49 = tpu.memref_squeeze %dma_wait3A_48 : memref<1x10240x128xf32, #tpu.memory_space<hbm>> -> memref<10240x128xf32, #tpu.memory_space<hbm>>
      %dma_wait3A_50 = arith.constant 0 : i32
      %dma_wait3A_51 = tpu.memref_slice %dma_wait3A_49[%mul3A_37, %dma_wait3A_50] : memref<10240x128xf32, #tpu.memory_space<hbm>> -> memref<640x128xf32, #tpu.memory_space<hbm>>
      %dma_wait3A_52 = arith.constant 0 : i32
      %dma_wait3A_53 = tpu.memref_slice %arg10[%mul3A_35, %dma_wait3A_52] : memref<10240x128xf32, #tpu.memory_space<vmem_shared>> -> memref<640x128xf32, #tpu.memory_space<vmem_shared>>
      tpu.wait_dma2 semaphore(%run_scoped3A : memref<!tpu.dma_semaphore, #tpu.memory_space<semaphore_mem>>) src(%dma_wait3A_53 : memref<640x128xf32, #tpu.memory_space<vmem_shared>>) dst(%dma_wait3A_51 : memref<640x128xf32, #tpu.memory_space<hbm>>)
      tpu.yield
    }) : () -> ()
    return
  }
}

#map = affine_map<(d0, d1) -> (0, 0)>
#map1 = affine_map<(d0, d1) -> (0, 0, 0)>
module attributes {stable_mosaic.version = 14 : i64} {
  func.func @_agg_body(%arg0: i32, %arg1: i32, %arg2: memref<10000x128xf32, #tpu.memory_space<hbm>>, %arg3: memref<16x160x128xi32, #tpu.memory_space<hbm>>, %arg4: memref<16x160x128xi32, #tpu.memory_space<hbm>>, %arg5: memref<640x128xf32, #tpu.memory_space<hbm>>, %arg6: memref<2x10240x128xf32, #tpu.memory_space<hbm>>, %arg7: memref<40x128xi32, #tpu.memory_space<vmem>>, %arg8: memref<40x128xi32, #tpu.memory_space<vmem>>, %arg9: memref<128x128xf32, #tpu.memory_space<vmem>>, %arg10: memref<128x128xf32, #tpu.memory_space<vmem>>, %arg11: memref<!tpu.dma_semaphore, #tpu.memory_space<semaphore_mem>>, %arg12: memref<!tpu.dma_semaphore, #tpu.memory_space<semaphore_mem>>, %arg13: memref<!tpu.dma_semaphore, #tpu.memory_space<semaphore_mem>>, %arg14: memref<10240x128xf32, #tpu.memory_space<vmem_shared>>) attributes {dimension_semantics = [#tpu.dimension_semantics<core_parallel>, #tpu.dimension_semantics<subcore_parallel>], iteration_bounds = array<i64: 2, 16>, scalar_prefetch = 0 : i64, scratch_operands = 8 : i64, tpu.core_type = #tpu.core_type<sc_vector_subcore>, window_params = [{transform_indices = #map}, {transform_indices = #map1}, {transform_indices = #map1}, {transform_indices = #map}, {transform_indices = #map1}]} {
    %mul3A = arith.constant 640 : i32
    %mul3A_0 = arith.muli %arg1, %mul3A : i32
    "tpu.region"() ({
      %run_scoped3A = tpu.sem_alloc : memref<!tpu.dma_semaphore, #tpu.memory_space<semaphore_mem>>
      %dma_start3A = arith.constant 0 : i32
      %dma_start3A_10 = tpu.memref_slice %arg14[%mul3A_0, %dma_start3A] : memref<10240x128xf32, #tpu.memory_space<vmem_shared>> -> memref<640x128xf32, #tpu.memory_space<vmem_shared>>
      tpu.enqueue_dma source(%arg5 : memref<640x128xf32, #tpu.memory_space<hbm>>) target(%dma_start3A_10 : memref<640x128xf32, #tpu.memory_space<vmem_shared>>) target_semaphore(%run_scoped3A : memref<!tpu.dma_semaphore, #tpu.memory_space<semaphore_mem>>)
      %dma_wait3A = arith.constant 0 : i32
      %dma_wait3A_11 = tpu.memref_slice %arg14[%mul3A_0, %dma_wait3A] : memref<10240x128xf32, #tpu.memory_space<vmem_shared>> -> memref<640x128xf32, #tpu.memory_space<vmem_shared>>
      tpu.wait_dma2 semaphore(%run_scoped3A : memref<!tpu.dma_semaphore, #tpu.memory_space<semaphore_mem>>) src(%arg5 : memref<640x128xf32, #tpu.memory_space<hbm>>) dst(%dma_wait3A_11 : memref<640x128xf32, #tpu.memory_space<vmem_shared>>)
      tpu.yield
    }) : () -> ()
    %barrier3A = arith.constant 0 : index
    tpu.barrier barrier_id(%barrier3A)
    %scan3A = arith.constant 0 : i32
    %scan3A_1 = arith.constant 2 : i32
    %scan3A_2 = arith.addi %scan3A, %scan3A_1 : i32
    %scan3A_3 = arith.constant 1 : i32
    scf.for %scan3A_10 = %scan3A to %scan3A_2 step %scan3A_3  : i32 {
      %mul3A_11 = arith.constant 1 : i32
      %mul3A_12 = arith.muli %scan3A_10, %mul3A_11 : i32
      %add3A = arith.constant 0 : i32
      %add3A_13 = arith.addi %add3A, %mul3A_12 : i32
      %mul3A_14 = arith.constant 80 : i32
      %mul3A_15 = arith.muli %arg0, %mul3A_14 : i32
      %mul3A_16 = arith.constant 40 : i32
      %mul3A_17 = arith.muli %add3A_13, %mul3A_16 : i32
      %add3A_18 = arith.addi %mul3A_15, %mul3A_17 : i32
      "tpu.region"() ({
        %run_scoped3A = tpu.sem_alloc : memref<!tpu.dma_semaphore, #tpu.memory_space<semaphore_mem>>
        %dma_start3A_78 = arith.constant 0 : i32
        %dma_start3A_79 = arith.constant 0 : i32
        %dma_start3A_80 = tpu.memref_slice %arg3[%arg1, %dma_start3A_78, %dma_start3A_79] : memref<16x160x128xi32, #tpu.memory_space<hbm>> -> memref<1x160x128xi32, #tpu.memory_space<hbm>>
        %dma_start3A_81 = tpu.memref_squeeze %dma_start3A_80 : memref<1x160x128xi32, #tpu.memory_space<hbm>> -> memref<160x128xi32, #tpu.memory_space<hbm>>
        %dma_start3A_82 = arith.constant 0 : i32
        %dma_start3A_83 = tpu.memref_slice %dma_start3A_81[%add3A_18, %dma_start3A_82] : memref<160x128xi32, #tpu.memory_space<hbm>> -> memref<40x128xi32, #tpu.memory_space<hbm>>
        %dma_start3A_84 = arith.constant 0 : i32
        %dma_start3A_85 = arith.constant 0 : i32
        %dma_start3A_86 = tpu.memref_slice %arg3[%arg1, %dma_start3A_84, %dma_start3A_85] : memref<16x160x128xi32, #tpu.memory_space<hbm>> -> memref<1x160x128xi32, #tpu.memory_space<hbm>>
        %dma_start3A_87 = tpu.memref_squeeze %dma_start3A_86 : memref<1x160x128xi32, #tpu.memory_space<hbm>> -> memref<160x128xi32, #tpu.memory_space<hbm>>
        %dma_start3A_88 = arith.constant 0 : i32
        %dma_start3A_89 = tpu.memref_slice %dma_start3A_87[%add3A_18, %dma_start3A_88] : memref<160x128xi32, #tpu.memory_space<hbm>> -> memref<40x128xi32, #tpu.memory_space<hbm>>
        tpu.enqueue_dma source(%dma_start3A_89 : memref<40x128xi32, #tpu.memory_space<hbm>>) target(%arg7 : memref<40x128xi32, #tpu.memory_space<vmem>>) target_semaphore(%run_scoped3A : memref<!tpu.dma_semaphore, #tpu.memory_space<semaphore_mem>>)
        %dma_wait3A_90 = arith.constant 0 : i32
        %dma_wait3A_91 = arith.constant 0 : i32
        %dma_wait3A_92 = tpu.memref_slice %arg3[%arg1, %dma_wait3A_90, %dma_wait3A_91] : memref<16x160x128xi32, #tpu.memory_space<hbm>> -> memref<1x160x128xi32, #tpu.memory_space<hbm>>
        %dma_wait3A_93 = tpu.memref_squeeze %dma_wait3A_92 : memref<1x160x128xi32, #tpu.memory_space<hbm>> -> memref<160x128xi32, #tpu.memory_space<hbm>>
        %dma_wait3A_94 = arith.constant 0 : i32
        %dma_wait3A_95 = tpu.memref_slice %dma_wait3A_93[%add3A_18, %dma_wait3A_94] : memref<160x128xi32, #tpu.memory_space<hbm>> -> memref<40x128xi32, #tpu.memory_space<hbm>>
        %dma_wait3A_96 = arith.constant 0 : i32
        %dma_wait3A_97 = arith.constant 0 : i32
        %dma_wait3A_98 = tpu.memref_slice %arg3[%arg1, %dma_wait3A_96, %dma_wait3A_97] : memref<16x160x128xi32, #tpu.memory_space<hbm>> -> memref<1x160x128xi32, #tpu.memory_space<hbm>>
        %dma_wait3A_99 = tpu.memref_squeeze %dma_wait3A_98 : memref<1x160x128xi32, #tpu.memory_space<hbm>> -> memref<160x128xi32, #tpu.memory_space<hbm>>
        %dma_wait3A_100 = arith.constant 0 : i32
        %dma_wait3A_101 = tpu.memref_slice %dma_wait3A_99[%add3A_18, %dma_wait3A_100] : memref<160x128xi32, #tpu.memory_space<hbm>> -> memref<40x128xi32, #tpu.memory_space<hbm>>
        tpu.wait_dma2 semaphore(%run_scoped3A : memref<!tpu.dma_semaphore, #tpu.memory_space<semaphore_mem>>) src(%dma_wait3A_101 : memref<40x128xi32, #tpu.memory_space<hbm>>) dst(%arg7 : memref<40x128xi32, #tpu.memory_space<vmem>>)
        tpu.yield
      }) : () -> ()
      "tpu.region"() ({
        %run_scoped3A = tpu.sem_alloc : memref<!tpu.dma_semaphore, #tpu.memory_space<semaphore_mem>>
        %dma_start3A_78 = arith.constant 0 : i32
        %dma_start3A_79 = arith.constant 0 : i32
        %dma_start3A_80 = tpu.memref_slice %arg4[%arg1, %dma_start3A_78, %dma_start3A_79] : memref<16x160x128xi32, #tpu.memory_space<hbm>> -> memref<1x160x128xi32, #tpu.memory_space<hbm>>
        %dma_start3A_81 = tpu.memref_squeeze %dma_start3A_80 : memref<1x160x128xi32, #tpu.memory_space<hbm>> -> memref<160x128xi32, #tpu.memory_space<hbm>>
        %dma_start3A_82 = arith.constant 0 : i32
        %dma_start3A_83 = tpu.memref_slice %dma_start3A_81[%add3A_18, %dma_start3A_82] : memref<160x128xi32, #tpu.memory_space<hbm>> -> memref<40x128xi32, #tpu.memory_space<hbm>>
        %dma_start3A_84 = arith.constant 0 : i32
        %dma_start3A_85 = arith.constant 0 : i32
        %dma_start3A_86 = tpu.memref_slice %arg4[%arg1, %dma_start3A_84, %dma_start3A_85] : memref<16x160x128xi32, #tpu.memory_space<hbm>> -> memref<1x160x128xi32, #tpu.memory_space<hbm>>
        %dma_start3A_87 = tpu.memref_squeeze %dma_start3A_86 : memref<1x160x128xi32, #tpu.memory_space<hbm>> -> memref<160x128xi32, #tpu.memory_space<hbm>>
        %dma_start3A_88 = arith.constant 0 : i32
        %dma_start3A_89 = tpu.memref_slice %dma_start3A_87[%add3A_18, %dma_start3A_88] : memref<160x128xi32, #tpu.memory_space<hbm>> -> memref<40x128xi32, #tpu.memory_space<hbm>>
        tpu.enqueue_dma source(%dma_start3A_89 : memref<40x128xi32, #tpu.memory_space<hbm>>) target(%arg8 : memref<40x128xi32, #tpu.memory_space<vmem>>) target_semaphore(%run_scoped3A : memref<!tpu.dma_semaphore, #tpu.memory_space<semaphore_mem>>)
        %dma_wait3A_90 = arith.constant 0 : i32
        %dma_wait3A_91 = arith.constant 0 : i32
        %dma_wait3A_92 = tpu.memref_slice %arg4[%arg1, %dma_wait3A_90, %dma_wait3A_91] : memref<16x160x128xi32, #tpu.memory_space<hbm>> -> memref<1x160x128xi32, #tpu.memory_space<hbm>>
        %dma_wait3A_93 = tpu.memref_squeeze %dma_wait3A_92 : memref<1x160x128xi32, #tpu.memory_space<hbm>> -> memref<160x128xi32, #tpu.memory_space<hbm>>
        %dma_wait3A_94 = arith.constant 0 : i32
        %dma_wait3A_95 = tpu.memref_slice %dma_wait3A_93[%add3A_18, %dma_wait3A_94] : memref<160x128xi32, #tpu.memory_space<hbm>> -> memref<40x128xi32, #tpu.memory_space<hbm>>
        %dma_wait3A_96 = arith.constant 0 : i32
        %dma_wait3A_97 = arith.constant 0 : i32
        %dma_wait3A_98 = tpu.memref_slice %arg4[%arg1, %dma_wait3A_96, %dma_wait3A_97] : memref<16x160x128xi32, #tpu.memory_space<hbm>> -> memref<1x160x128xi32, #tpu.memory_space<hbm>>
        %dma_wait3A_99 = tpu.memref_squeeze %dma_wait3A_98 : memref<1x160x128xi32, #tpu.memory_space<hbm>> -> memref<160x128xi32, #tpu.memory_space<hbm>>
        %dma_wait3A_100 = arith.constant 0 : i32
        %dma_wait3A_101 = tpu.memref_slice %dma_wait3A_99[%add3A_18, %dma_wait3A_100] : memref<160x128xi32, #tpu.memory_space<hbm>> -> memref<40x128xi32, #tpu.memory_space<hbm>>
        tpu.wait_dma2 semaphore(%run_scoped3A : memref<!tpu.dma_semaphore, #tpu.memory_space<semaphore_mem>>) src(%dma_wait3A_101 : memref<40x128xi32, #tpu.memory_space<hbm>>) dst(%arg8 : memref<40x128xi32, #tpu.memory_space<vmem>>)
        tpu.yield
      }) : () -> ()
      %dma_start3A = arith.constant 0 : i32
      %dma_start3A_19 = arith.constant 0 : i32
      %dma_start3A_20 = tpu.memref_slice %arg7[%dma_start3A, %dma_start3A_19] : memref<40x128xi32, #tpu.memory_space<vmem>> -> memref<1x128xi32, #tpu.memory_space<vmem>>
      %dma_start3A_21 = tpu.memref_squeeze %dma_start3A_20 : memref<1x128xi32, #tpu.memory_space<vmem>> -> memref<128xi32, #tpu.memory_space<vmem>>
      %dma_start3A_22 = arith.constant 0 : i32
      %dma_start3A_23 = arith.constant 0 : i32
      %dma_start3A_24 = tpu.memref_slice %arg2[%dma_start3A_22, %dma_start3A_23] : memref<10000x128xf32, #tpu.memory_space<hbm>> -> memref<10000x128xf32, #tpu.memory_space<hbm>>
      tpu.enqueue_indirect_dma source(%dma_start3A_24 : memref<10000x128xf32, #tpu.memory_space<hbm>>) target(%arg9 : memref<128x128xf32, #tpu.memory_space<vmem>>) offsets(%dma_start3A_21 : memref<128xi32, #tpu.memory_space<vmem>>) semaphore(%arg13 : memref<!tpu.dma_semaphore, #tpu.memory_space<semaphore_mem>>)
      %dma_wait3A = arith.constant 0 : i32
      %dma_wait3A_25 = arith.constant 0 : i32
      %dma_wait3A_26 = tpu.memref_slice %arg7[%dma_wait3A, %dma_wait3A_25] : memref<40x128xi32, #tpu.memory_space<vmem>> -> memref<1x128xi32, #tpu.memory_space<vmem>>
      %dma_wait3A_27 = tpu.memref_squeeze %dma_wait3A_26 : memref<1x128xi32, #tpu.memory_space<vmem>> -> memref<128xi32, #tpu.memory_space<vmem>>
      %dma_wait3A_28 = arith.constant 0 : i32
      %dma_wait3A_29 = arith.constant 0 : i32
      %dma_wait3A_30 = tpu.memref_slice %arg2[%dma_wait3A_28, %dma_wait3A_29] : memref<10000x128xf32, #tpu.memory_space<hbm>> -> memref<10000x128xf32, #tpu.memory_space<hbm>>
      tpu.wait_indirect_dma semaphore(%arg13 : memref<!tpu.dma_semaphore, #tpu.memory_space<semaphore_mem>>) src(%dma_wait3A_30 : memref<10000x128xf32, #tpu.memory_space<hbm>>) dst(%arg9 : memref<128x128xf32, #tpu.memory_space<vmem>>)
      %dma_start3A_31 = arith.constant 0 : i32
      %dma_start3A_32 = arith.constant 0 : i32
      %dma_start3A_33 = tpu.memref_slice %arg8[%dma_start3A_31, %dma_start3A_32] : memref<40x128xi32, #tpu.memory_space<vmem>> -> memref<1x128xi32, #tpu.memory_space<vmem>>
      %dma_start3A_34 = tpu.memref_squeeze %dma_start3A_33 : memref<1x128xi32, #tpu.memory_space<vmem>> -> memref<128xi32, #tpu.memory_space<vmem>>
      %dma_start3A_35 = arith.constant 0 : i32
      %dma_start3A_36 = arith.constant 0 : i32
      %dma_start3A_37 = tpu.memref_slice %arg14[%dma_start3A_35, %dma_start3A_36] : memref<10240x128xf32, #tpu.memory_space<vmem_shared>> -> memref<10240x128xf32, #tpu.memory_space<vmem_shared>>
      tpu.enqueue_indirect_dma source(%arg9 : memref<128x128xf32, #tpu.memory_space<vmem>>) target(%dma_start3A_37 : memref<10240x128xf32, #tpu.memory_space<vmem_shared>>) offsets(%dma_start3A_34 : memref<128xi32, #tpu.memory_space<vmem>>) semaphore(%arg11 : memref<!tpu.dma_semaphore, #tpu.memory_space<semaphore_mem>>) {add = true}
      %dma_start3A_38 = arith.constant 1 : i32
      %dma_start3A_39 = arith.constant 0 : i32
      %dma_start3A_40 = tpu.memref_slice %arg7[%dma_start3A_38, %dma_start3A_39] : memref<40x128xi32, #tpu.memory_space<vmem>> -> memref<1x128xi32, #tpu.memory_space<vmem>>
      %dma_start3A_41 = tpu.memref_squeeze %dma_start3A_40 : memref<1x128xi32, #tpu.memory_space<vmem>> -> memref<128xi32, #tpu.memory_space<vmem>>
      %dma_start3A_42 = arith.constant 0 : i32
      %dma_start3A_43 = arith.constant 0 : i32
      %dma_start3A_44 = tpu.memref_slice %arg2[%dma_start3A_42, %dma_start3A_43] : memref<10000x128xf32, #tpu.memory_space<hbm>> -> memref<10000x128xf32, #tpu.memory_space<hbm>>
      tpu.enqueue_indirect_dma source(%dma_start3A_44 : memref<10000x128xf32, #tpu.memory_space<hbm>>) target(%arg10 : memref<128x128xf32, #tpu.memory_space<vmem>>) offsets(%dma_start3A_41 : memref<128xi32, #tpu.memory_space<vmem>>) semaphore(%arg13 : memref<!tpu.dma_semaphore, #tpu.memory_space<semaphore_mem>>)
      %dma_wait3A_45 = arith.constant 1 : i32
      %dma_wait3A_46 = arith.constant 0 : i32
      %dma_wait3A_47 = tpu.memref_slice %arg7[%dma_wait3A_45, %dma_wait3A_46] : memref<40x128xi32, #tpu.memory_space<vmem>> -> memref<1x128xi32, #tpu.memory_space<vmem>>
      %dma_wait3A_48 = tpu.memref_squeeze %dma_wait3A_47 : memref<1x128xi32, #tpu.memory_space<vmem>> -> memref<128xi32, #tpu.memory_space<vmem>>
      %dma_wait3A_49 = arith.constant 0 : i32
      %dma_wait3A_50 = arith.constant 0 : i32
      %dma_wait3A_51 = tpu.memref_slice %arg2[%dma_wait3A_49, %dma_wait3A_50] : memref<10000x128xf32, #tpu.memory_space<hbm>> -> memref<10000x128xf32, #tpu.memory_space<hbm>>
      tpu.wait_indirect_dma semaphore(%arg13 : memref<!tpu.dma_semaphore, #tpu.memory_space<semaphore_mem>>) src(%dma_wait3A_51 : memref<10000x128xf32, #tpu.memory_space<hbm>>) dst(%arg10 : memref<128x128xf32, #tpu.memory_space<vmem>>)
      %dma_start3A_52 = arith.constant 1 : i32
      %dma_start3A_53 = arith.constant 0 : i32
      %dma_start3A_54 = tpu.memref_slice %arg8[%dma_start3A_52, %dma_start3A_53] : memref<40x128xi32, #tpu.memory_space<vmem>> -> memref<1x128xi32, #tpu.memory_space<vmem>>
      %dma_start3A_55 = tpu.memref_squeeze %dma_start3A_54 : memref<1x128xi32, #tpu.memory_space<vmem>> -> memref<128xi32, #tpu.memory_space<vmem>>
      %dma_start3A_56 = arith.constant 0 : i32
      %dma_start3A_57 = arith.constant 0 : i32
      %dma_start3A_58 = tpu.memref_slice %arg14[%dma_start3A_56, %dma_start3A_57] : memref<10240x128xf32, #tpu.memory_space<vmem_shared>> -> memref<10240x128xf32, #tpu.memory_space<vmem_shared>>
      tpu.enqueue_indirect_dma source(%arg10 : memref<128x128xf32, #tpu.memory_space<vmem>>) target(%dma_start3A_58 : memref<10240x128xf32, #tpu.memory_space<vmem_shared>>) offsets(%dma_start3A_55 : memref<128xi32, #tpu.memory_space<vmem>>) semaphore(%arg12 : memref<!tpu.dma_semaphore, #tpu.memory_space<semaphore_mem>>) {add = true}
      %scan3A_59 = arith.constant 0 : i32
      %scan3A_60 = arith.constant 19 : i32
      %scan3A_61 = arith.addi %scan3A_59, %scan3A_60 : i32
      %scan3A_62 = arith.constant 1 : i32
      scf.for %scan3A_78 = %scan3A_59 to %scan3A_61 step %scan3A_62  : i32 {
        %mul3A_79 = arith.constant 2 : i32
        %mul3A_80 = arith.muli %scan3A_78, %mul3A_79 : i32
        %add3A_81 = arith.constant 2 : i32
        %add3A_82 = arith.addi %add3A_81, %mul3A_80 : i32
        %add3A_83 = arith.constant 0 : i32
        %add3A_84 = arith.addi %add3A_82, %add3A_83 : i32
        %sub3A = arith.constant 2 : i32
        %sub3A_85 = arith.subi %add3A_84, %sub3A : i32
        %dma_wait3A_86 = arith.constant 0 : i32
        %dma_wait3A_87 = tpu.memref_slice %arg8[%sub3A_85, %dma_wait3A_86] : memref<40x128xi32, #tpu.memory_space<vmem>> -> memref<1x128xi32, #tpu.memory_space<vmem>>
        %dma_wait3A_88 = tpu.memref_squeeze %dma_wait3A_87 : memref<1x128xi32, #tpu.memory_space<vmem>> -> memref<128xi32, #tpu.memory_space<vmem>>
        %dma_wait3A_89 = arith.constant 0 : i32
        %dma_wait3A_90 = arith.constant 0 : i32
        %dma_wait3A_91 = tpu.memref_slice %arg14[%dma_wait3A_89, %dma_wait3A_90] : memref<10240x128xf32, #tpu.memory_space<vmem_shared>> -> memref<10240x128xf32, #tpu.memory_space<vmem_shared>>
        tpu.wait_indirect_dma semaphore(%arg11 : memref<!tpu.dma_semaphore, #tpu.memory_space<semaphore_mem>>) src(%arg9 : memref<128x128xf32, #tpu.memory_space<vmem>>) dst(%dma_wait3A_91 : memref<10240x128xf32, #tpu.memory_space<vmem_shared>>)
        %dma_start3A_92 = arith.constant 0 : i32
        %dma_start3A_93 = tpu.memref_slice %arg7[%add3A_84, %dma_start3A_92] : memref<40x128xi32, #tpu.memory_space<vmem>> -> memref<1x128xi32, #tpu.memory_space<vmem>>
        %dma_start3A_94 = tpu.memref_squeeze %dma_start3A_93 : memref<1x128xi32, #tpu.memory_space<vmem>> -> memref<128xi32, #tpu.memory_space<vmem>>
        %dma_start3A_95 = arith.constant 0 : i32
        %dma_start3A_96 = arith.constant 0 : i32
        %dma_start3A_97 = tpu.memref_slice %arg2[%dma_start3A_95, %dma_start3A_96] : memref<10000x128xf32, #tpu.memory_space<hbm>> -> memref<10000x128xf32, #tpu.memory_space<hbm>>
        tpu.enqueue_indirect_dma source(%dma_start3A_97 : memref<10000x128xf32, #tpu.memory_space<hbm>>) target(%arg9 : memref<128x128xf32, #tpu.memory_space<vmem>>) offsets(%dma_start3A_94 : memref<128xi32, #tpu.memory_space<vmem>>) semaphore(%arg13 : memref<!tpu.dma_semaphore, #tpu.memory_space<semaphore_mem>>)
        %dma_wait3A_98 = arith.constant 0 : i32
        %dma_wait3A_99 = tpu.memref_slice %arg7[%add3A_84, %dma_wait3A_98] : memref<40x128xi32, #tpu.memory_space<vmem>> -> memref<1x128xi32, #tpu.memory_space<vmem>>
        %dma_wait3A_100 = tpu.memref_squeeze %dma_wait3A_99 : memref<1x128xi32, #tpu.memory_space<vmem>> -> memref<128xi32, #tpu.memory_space<vmem>>
        %dma_wait3A_101 = arith.constant 0 : i32
        %dma_wait3A_102 = arith.constant 0 : i32
        %dma_wait3A_103 = tpu.memref_slice %arg2[%dma_wait3A_101, %dma_wait3A_102] : memref<10000x128xf32, #tpu.memory_space<hbm>> -> memref<10000x128xf32, #tpu.memory_space<hbm>>
        tpu.wait_indirect_dma semaphore(%arg13 : memref<!tpu.dma_semaphore, #tpu.memory_space<semaphore_mem>>) src(%dma_wait3A_103 : memref<10000x128xf32, #tpu.memory_space<hbm>>) dst(%arg9 : memref<128x128xf32, #tpu.memory_space<vmem>>)
        %dma_start3A_104 = arith.constant 0 : i32
        %dma_start3A_105 = tpu.memref_slice %arg8[%add3A_84, %dma_start3A_104] : memref<40x128xi32, #tpu.memory_space<vmem>> -> memref<1x128xi32, #tpu.memory_space<vmem>>
        %dma_start3A_106 = tpu.memref_squeeze %dma_start3A_105 : memref<1x128xi32, #tpu.memory_space<vmem>> -> memref<128xi32, #tpu.memory_space<vmem>>
        %dma_start3A_107 = arith.constant 0 : i32
        %dma_start3A_108 = arith.constant 0 : i32
        %dma_start3A_109 = tpu.memref_slice %arg14[%dma_start3A_107, %dma_start3A_108] : memref<10240x128xf32, #tpu.memory_space<vmem_shared>> -> memref<10240x128xf32, #tpu.memory_space<vmem_shared>>
        tpu.enqueue_indirect_dma source(%arg9 : memref<128x128xf32, #tpu.memory_space<vmem>>) target(%dma_start3A_109 : memref<10240x128xf32, #tpu.memory_space<vmem_shared>>) offsets(%dma_start3A_106 : memref<128xi32, #tpu.memory_space<vmem>>) semaphore(%arg11 : memref<!tpu.dma_semaphore, #tpu.memory_space<semaphore_mem>>) {add = true}
        %add3A_110 = arith.constant 1 : i32
        %add3A_111 = arith.addi %add3A_82, %add3A_110 : i32
        %sub3A_112 = arith.constant 2 : i32
        %sub3A_113 = arith.subi %add3A_111, %sub3A_112 : i32
        %dma_wait3A_114 = arith.constant 0 : i32
        %dma_wait3A_115 = tpu.memref_slice %arg8[%sub3A_113, %dma_wait3A_114] : memref<40x128xi32, #tpu.memory_space<vmem>> -> memref<1x128xi32, #tpu.memory_space<vmem>>
        %dma_wait3A_116 = tpu.memref_squeeze %dma_wait3A_115 : memref<1x128xi32, #tpu.memory_space<vmem>> -> memref<128xi32, #tpu.memory_space<vmem>>
        %dma_wait3A_117 = arith.constant 0 : i32
        %dma_wait3A_118 = arith.constant 0 : i32
        %dma_wait3A_119 = tpu.memref_slice %arg14[%dma_wait3A_117, %dma_wait3A_118] : memref<10240x128xf32, #tpu.memory_space<vmem_shared>> -> memref<10240x128xf32, #tpu.memory_space<vmem_shared>>
        tpu.wait_indirect_dma semaphore(%arg12 : memref<!tpu.dma_semaphore, #tpu.memory_space<semaphore_mem>>) src(%arg10 : memref<128x128xf32, #tpu.memory_space<vmem>>) dst(%dma_wait3A_119 : memref<10240x128xf32, #tpu.memory_space<vmem_shared>>)
        %dma_start3A_120 = arith.constant 0 : i32
        %dma_start3A_121 = tpu.memref_slice %arg7[%add3A_111, %dma_start3A_120] : memref<40x128xi32, #tpu.memory_space<vmem>> -> memref<1x128xi32, #tpu.memory_space<vmem>>
        %dma_start3A_122 = tpu.memref_squeeze %dma_start3A_121 : memref<1x128xi32, #tpu.memory_space<vmem>> -> memref<128xi32, #tpu.memory_space<vmem>>
        %dma_start3A_123 = arith.constant 0 : i32
        %dma_start3A_124 = arith.constant 0 : i32
        %dma_start3A_125 = tpu.memref_slice %arg2[%dma_start3A_123, %dma_start3A_124] : memref<10000x128xf32, #tpu.memory_space<hbm>> -> memref<10000x128xf32, #tpu.memory_space<hbm>>
        tpu.enqueue_indirect_dma source(%dma_start3A_125 : memref<10000x128xf32, #tpu.memory_space<hbm>>) target(%arg10 : memref<128x128xf32, #tpu.memory_space<vmem>>) offsets(%dma_start3A_122 : memref<128xi32, #tpu.memory_space<vmem>>) semaphore(%arg13 : memref<!tpu.dma_semaphore, #tpu.memory_space<semaphore_mem>>)
        %dma_wait3A_126 = arith.constant 0 : i32
        %dma_wait3A_127 = tpu.memref_slice %arg7[%add3A_111, %dma_wait3A_126] : memref<40x128xi32, #tpu.memory_space<vmem>> -> memref<1x128xi32, #tpu.memory_space<vmem>>
        %dma_wait3A_128 = tpu.memref_squeeze %dma_wait3A_127 : memref<1x128xi32, #tpu.memory_space<vmem>> -> memref<128xi32, #tpu.memory_space<vmem>>
        %dma_wait3A_129 = arith.constant 0 : i32
        %dma_wait3A_130 = arith.constant 0 : i32
        %dma_wait3A_131 = tpu.memref_slice %arg2[%dma_wait3A_129, %dma_wait3A_130] : memref<10000x128xf32, #tpu.memory_space<hbm>> -> memref<10000x128xf32, #tpu.memory_space<hbm>>
        tpu.wait_indirect_dma semaphore(%arg13 : memref<!tpu.dma_semaphore, #tpu.memory_space<semaphore_mem>>) src(%dma_wait3A_131 : memref<10000x128xf32, #tpu.memory_space<hbm>>) dst(%arg10 : memref<128x128xf32, #tpu.memory_space<vmem>>)
        %dma_start3A_132 = arith.constant 0 : i32
        %dma_start3A_133 = tpu.memref_slice %arg8[%add3A_111, %dma_start3A_132] : memref<40x128xi32, #tpu.memory_space<vmem>> -> memref<1x128xi32, #tpu.memory_space<vmem>>
        %dma_start3A_134 = tpu.memref_squeeze %dma_start3A_133 : memref<1x128xi32, #tpu.memory_space<vmem>> -> memref<128xi32, #tpu.memory_space<vmem>>
        %dma_start3A_135 = arith.constant 0 : i32
        %dma_start3A_136 = arith.constant 0 : i32
        %dma_start3A_137 = tpu.memref_slice %arg14[%dma_start3A_135, %dma_start3A_136] : memref<10240x128xf32, #tpu.memory_space<vmem_shared>> -> memref<10240x128xf32, #tpu.memory_space<vmem_shared>>
        tpu.enqueue_indirect_dma source(%arg10 : memref<128x128xf32, #tpu.memory_space<vmem>>) target(%dma_start3A_137 : memref<10240x128xf32, #tpu.memory_space<vmem_shared>>) offsets(%dma_start3A_134 : memref<128xi32, #tpu.memory_space<vmem>>) semaphore(%arg12 : memref<!tpu.dma_semaphore, #tpu.memory_space<semaphore_mem>>) {add = true}
      }
      %scan3A_63 = arith.constant 19 : i32
      %dma_wait3A_64 = arith.constant 38 : i32
      %dma_wait3A_65 = arith.constant 0 : i32
      %dma_wait3A_66 = tpu.memref_slice %arg8[%dma_wait3A_64, %dma_wait3A_65] : memref<40x128xi32, #tpu.memory_space<vmem>> -> memref<1x128xi32, #tpu.memory_space<vmem>>
      %dma_wait3A_67 = tpu.memref_squeeze %dma_wait3A_66 : memref<1x128xi32, #tpu.memory_space<vmem>> -> memref<128xi32, #tpu.memory_space<vmem>>
      %dma_wait3A_68 = arith.constant 0 : i32
      %dma_wait3A_69 = arith.constant 0 : i32
      %dma_wait3A_70 = tpu.memref_slice %arg14[%dma_wait3A_68, %dma_wait3A_69] : memref<10240x128xf32, #tpu.memory_space<vmem_shared>> -> memref<10240x128xf32, #tpu.memory_space<vmem_shared>>
      tpu.wait_indirect_dma semaphore(%arg11 : memref<!tpu.dma_semaphore, #tpu.memory_space<semaphore_mem>>) src(%arg9 : memref<128x128xf32, #tpu.memory_space<vmem>>) dst(%dma_wait3A_70 : memref<10240x128xf32, #tpu.memory_space<vmem_shared>>)
      %dma_wait3A_71 = arith.constant 39 : i32
      %dma_wait3A_72 = arith.constant 0 : i32
      %dma_wait3A_73 = tpu.memref_slice %arg8[%dma_wait3A_71, %dma_wait3A_72] : memref<40x128xi32, #tpu.memory_space<vmem>> -> memref<1x128xi32, #tpu.memory_space<vmem>>
      %dma_wait3A_74 = tpu.memref_squeeze %dma_wait3A_73 : memref<1x128xi32, #tpu.memory_space<vmem>> -> memref<128xi32, #tpu.memory_space<vmem>>
      %dma_wait3A_75 = arith.constant 0 : i32
      %dma_wait3A_76 = arith.constant 0 : i32
      %dma_wait3A_77 = tpu.memref_slice %arg14[%dma_wait3A_75, %dma_wait3A_76] : memref<10240x128xf32, #tpu.memory_space<vmem_shared>> -> memref<10240x128xf32, #tpu.memory_space<vmem_shared>>
      tpu.wait_indirect_dma semaphore(%arg12 : memref<!tpu.dma_semaphore, #tpu.memory_space<semaphore_mem>>) src(%arg10 : memref<128x128xf32, #tpu.memory_space<vmem>>) dst(%dma_wait3A_77 : memref<10240x128xf32, #tpu.memory_space<vmem_shared>>)
    }
    %scan3A_4 = arith.constant 2 : i32
    %barrier3A_5 = arith.constant 0 : index
    tpu.barrier barrier_id(%barrier3A_5)
    %mul3A_6 = arith.constant 640 : i32
    %mul3A_7 = arith.muli %arg1, %mul3A_6 : i32
    %mul3A_8 = arith.constant 640 : i32
    %mul3A_9 = arith.muli %arg1, %mul3A_8 : i32
    "tpu.region"() ({
      %run_scoped3A = tpu.sem_alloc : memref<!tpu.dma_semaphore, #tpu.memory_space<semaphore_mem>>
      %dma_start3A = arith.constant 0 : i32
      %dma_start3A_10 = arith.constant 0 : i32
      %dma_start3A_11 = tpu.memref_slice %arg6[%arg0, %dma_start3A, %dma_start3A_10] : memref<2x10240x128xf32, #tpu.memory_space<hbm>> -> memref<1x10240x128xf32, #tpu.memory_space<hbm>>
      %dma_start3A_12 = tpu.memref_squeeze %dma_start3A_11 : memref<1x10240x128xf32, #tpu.memory_space<hbm>> -> memref<10240x128xf32, #tpu.memory_space<hbm>>
      %dma_start3A_13 = arith.constant 0 : i32
      %dma_start3A_14 = tpu.memref_slice %dma_start3A_12[%mul3A_9, %dma_start3A_13] : memref<10240x128xf32, #tpu.memory_space<hbm>> -> memref<640x128xf32, #tpu.memory_space<hbm>>
      %dma_start3A_15 = arith.constant 0 : i32
      %dma_start3A_16 = tpu.memref_slice %arg14[%mul3A_7, %dma_start3A_15] : memref<10240x128xf32, #tpu.memory_space<vmem_shared>> -> memref<640x128xf32, #tpu.memory_space<vmem_shared>>
      tpu.enqueue_dma source(%dma_start3A_16 : memref<640x128xf32, #tpu.memory_space<vmem_shared>>) target(%dma_start3A_14 : memref<640x128xf32, #tpu.memory_space<hbm>>) target_semaphore(%run_scoped3A : memref<!tpu.dma_semaphore, #tpu.memory_space<semaphore_mem>>)
      %dma_wait3A = arith.constant 0 : i32
      %dma_wait3A_17 = arith.constant 0 : i32
      %dma_wait3A_18 = tpu.memref_slice %arg6[%arg0, %dma_wait3A, %dma_wait3A_17] : memref<2x10240x128xf32, #tpu.memory_space<hbm>> -> memref<1x10240x128xf32, #tpu.memory_space<hbm>>
      %dma_wait3A_19 = tpu.memref_squeeze %dma_wait3A_18 : memref<1x10240x128xf32, #tpu.memory_space<hbm>> -> memref<10240x128xf32, #tpu.memory_space<hbm>>
      %dma_wait3A_20 = arith.constant 0 : i32
      %dma_wait3A_21 = tpu.memref_slice %dma_wait3A_19[%mul3A_9, %dma_wait3A_20] : memref<10240x128xf32, #tpu.memory_space<hbm>> -> memref<640x128xf32, #tpu.memory_space<hbm>>
      %dma_wait3A_22 = arith.constant 0 : i32
      %dma_wait3A_23 = tpu.memref_slice %arg14[%mul3A_7, %dma_wait3A_22] : memref<10240x128xf32, #tpu.memory_space<vmem_shared>> -> memref<640x128xf32, #tpu.memory_space<vmem_shared>>
      tpu.wait_dma2 semaphore(%run_scoped3A : memref<!tpu.dma_semaphore, #tpu.memory_space<semaphore_mem>>) src(%dma_wait3A_23 : memref<640x128xf32, #tpu.memory_space<vmem_shared>>) dst(%dma_wait3A_21 : memref<640x128xf32, #tpu.memory_space<hbm>>)
      tpu.yield
    }) : () -> ()
    return
  }
}

#map = affine_map<(d0, d1) -> (0, 0)>
#map1 = affine_map<(d0, d1) -> (0, 0, 0)>
module attributes {stable_mosaic.version = 14 : i64} {
  func.func @_agg_body(%arg0: i32, %arg1: i32, %arg2: memref<10000x128xf32, #tpu.memory_space<hbm>>, %arg3: memref<16x160x128xi32, #tpu.memory_space<hbm>>, %arg4: memref<16x160x128xi32, #tpu.memory_space<hbm>>, %arg5: memref<640x128xf32, #tpu.memory_space<hbm>>, %arg6: memref<2x10240x128xf32, #tpu.memory_space<hbm>>, %arg7: memref<40x128xi32, #tpu.memory_space<vmem>>, %arg8: memref<40x128xi32, #tpu.memory_space<vmem>>, %arg9: memref<128x128xf32, #tpu.memory_space<vmem>>, %arg10: memref<128x128xf32, #tpu.memory_space<vmem>>, %arg11: memref<!tpu.dma_semaphore, #tpu.memory_space<semaphore_mem>>, %arg12: memref<!tpu.dma_semaphore, #tpu.memory_space<semaphore_mem>>, %arg13: memref<!tpu.dma_semaphore, #tpu.memory_space<semaphore_mem>>, %arg14: memref<10240x128xf32, #tpu.memory_space<vmem_shared>>) attributes {dimension_semantics = [#tpu.dimension_semantics<core_parallel>, #tpu.dimension_semantics<subcore_parallel>], iteration_bounds = array<i64: 2, 16>, scalar_prefetch = 0 : i64, scratch_operands = 8 : i64, tpu.core_type = #tpu.core_type<sc_vector_subcore>, window_params = [{transform_indices = #map}, {transform_indices = #map1}, {transform_indices = #map1}, {transform_indices = #map}, {transform_indices = #map1}]} {
    %mul3A = arith.constant 640 : i32
    %mul3A_0 = arith.muli %arg1, %mul3A : i32
    "tpu.region"() ({
      %run_scoped3A = tpu.sem_alloc : memref<!tpu.dma_semaphore, #tpu.memory_space<semaphore_mem>>
      %dma_start3A = arith.constant 0 : i32
      %dma_start3A_10 = tpu.memref_slice %arg14[%mul3A_0, %dma_start3A] : memref<10240x128xf32, #tpu.memory_space<vmem_shared>> -> memref<640x128xf32, #tpu.memory_space<vmem_shared>>
      tpu.enqueue_dma source(%arg5 : memref<640x128xf32, #tpu.memory_space<hbm>>) target(%dma_start3A_10 : memref<640x128xf32, #tpu.memory_space<vmem_shared>>) target_semaphore(%run_scoped3A : memref<!tpu.dma_semaphore, #tpu.memory_space<semaphore_mem>>)
      %dma_wait3A = arith.constant 0 : i32
      %dma_wait3A_11 = tpu.memref_slice %arg14[%mul3A_0, %dma_wait3A] : memref<10240x128xf32, #tpu.memory_space<vmem_shared>> -> memref<640x128xf32, #tpu.memory_space<vmem_shared>>
      tpu.wait_dma2 semaphore(%run_scoped3A : memref<!tpu.dma_semaphore, #tpu.memory_space<semaphore_mem>>) src(%arg5 : memref<640x128xf32, #tpu.memory_space<hbm>>) dst(%dma_wait3A_11 : memref<640x128xf32, #tpu.memory_space<vmem_shared>>)
      tpu.yield
    }) : () -> ()
    %barrier3A = arith.constant 0 : index
    tpu.barrier barrier_id(%barrier3A)
    %scan3A = arith.constant 0 : i32
    %scan3A_1 = arith.constant 2 : i32
    %scan3A_2 = arith.addi %scan3A, %scan3A_1 : i32
    %scan3A_3 = arith.constant 1 : i32
    scf.for %scan3A_10 = %scan3A to %scan3A_2 step %scan3A_3  : i32 {
      %mul3A_11 = arith.constant 1 : i32
      %mul3A_12 = arith.muli %scan3A_10, %mul3A_11 : i32
      %add3A = arith.constant 0 : i32
      %add3A_13 = arith.addi %add3A, %mul3A_12 : i32
      %mul3A_14 = arith.constant 80 : i32
      %mul3A_15 = arith.muli %arg0, %mul3A_14 : i32
      %mul3A_16 = arith.constant 40 : i32
      %mul3A_17 = arith.muli %add3A_13, %mul3A_16 : i32
      %add3A_18 = arith.addi %mul3A_15, %mul3A_17 : i32
      "tpu.region"() ({
        %run_scoped3A = tpu.sem_alloc : memref<!tpu.dma_semaphore, #tpu.memory_space<semaphore_mem>>
        %dma_start3A_78 = arith.constant 0 : i32
        %dma_start3A_79 = arith.constant 0 : i32
        %dma_start3A_80 = tpu.memref_slice %arg3[%arg1, %dma_start3A_78, %dma_start3A_79] : memref<16x160x128xi32, #tpu.memory_space<hbm>> -> memref<1x160x128xi32, #tpu.memory_space<hbm>>
        %dma_start3A_81 = tpu.memref_squeeze %dma_start3A_80 : memref<1x160x128xi32, #tpu.memory_space<hbm>> -> memref<160x128xi32, #tpu.memory_space<hbm>>
        %dma_start3A_82 = arith.constant 0 : i32
        %dma_start3A_83 = tpu.memref_slice %dma_start3A_81[%add3A_18, %dma_start3A_82] : memref<160x128xi32, #tpu.memory_space<hbm>> -> memref<40x128xi32, #tpu.memory_space<hbm>>
        %dma_start3A_84 = arith.constant 0 : i32
        %dma_start3A_85 = arith.constant 0 : i32
        %dma_start3A_86 = tpu.memref_slice %arg3[%arg1, %dma_start3A_84, %dma_start3A_85] : memref<16x160x128xi32, #tpu.memory_space<hbm>> -> memref<1x160x128xi32, #tpu.memory_space<hbm>>
        %dma_start3A_87 = tpu.memref_squeeze %dma_start3A_86 : memref<1x160x128xi32, #tpu.memory_space<hbm>> -> memref<160x128xi32, #tpu.memory_space<hbm>>
        %dma_start3A_88 = arith.constant 0 : i32
        %dma_start3A_89 = tpu.memref_slice %dma_start3A_87[%add3A_18, %dma_start3A_88] : memref<160x128xi32, #tpu.memory_space<hbm>> -> memref<40x128xi32, #tpu.memory_space<hbm>>
        tpu.enqueue_dma source(%dma_start3A_89 : memref<40x128xi32, #tpu.memory_space<hbm>>) target(%arg7 : memref<40x128xi32, #tpu.memory_space<vmem>>) target_semaphore(%run_scoped3A : memref<!tpu.dma_semaphore, #tpu.memory_space<semaphore_mem>>)
        %dma_wait3A_90 = arith.constant 0 : i32
        %dma_wait3A_91 = arith.constant 0 : i32
        %dma_wait3A_92 = tpu.memref_slice %arg3[%arg1, %dma_wait3A_90, %dma_wait3A_91] : memref<16x160x128xi32, #tpu.memory_space<hbm>> -> memref<1x160x128xi32, #tpu.memory_space<hbm>>
        %dma_wait3A_93 = tpu.memref_squeeze %dma_wait3A_92 : memref<1x160x128xi32, #tpu.memory_space<hbm>> -> memref<160x128xi32, #tpu.memory_space<hbm>>
        %dma_wait3A_94 = arith.constant 0 : i32
        %dma_wait3A_95 = tpu.memref_slice %dma_wait3A_93[%add3A_18, %dma_wait3A_94] : memref<160x128xi32, #tpu.memory_space<hbm>> -> memref<40x128xi32, #tpu.memory_space<hbm>>
        %dma_wait3A_96 = arith.constant 0 : i32
        %dma_wait3A_97 = arith.constant 0 : i32
        %dma_wait3A_98 = tpu.memref_slice %arg3[%arg1, %dma_wait3A_96, %dma_wait3A_97] : memref<16x160x128xi32, #tpu.memory_space<hbm>> -> memref<1x160x128xi32, #tpu.memory_space<hbm>>
        %dma_wait3A_99 = tpu.memref_squeeze %dma_wait3A_98 : memref<1x160x128xi32, #tpu.memory_space<hbm>> -> memref<160x128xi32, #tpu.memory_space<hbm>>
        %dma_wait3A_100 = arith.constant 0 : i32
        %dma_wait3A_101 = tpu.memref_slice %dma_wait3A_99[%add3A_18, %dma_wait3A_100] : memref<160x128xi32, #tpu.memory_space<hbm>> -> memref<40x128xi32, #tpu.memory_space<hbm>>
        tpu.wait_dma2 semaphore(%run_scoped3A : memref<!tpu.dma_semaphore, #tpu.memory_space<semaphore_mem>>) src(%dma_wait3A_101 : memref<40x128xi32, #tpu.memory_space<hbm>>) dst(%arg7 : memref<40x128xi32, #tpu.memory_space<vmem>>)
        tpu.yield
      }) : () -> ()
      "tpu.region"() ({
        %run_scoped3A = tpu.sem_alloc : memref<!tpu.dma_semaphore, #tpu.memory_space<semaphore_mem>>
        %dma_start3A_78 = arith.constant 0 : i32
        %dma_start3A_79 = arith.constant 0 : i32
        %dma_start3A_80 = tpu.memref_slice %arg4[%arg1, %dma_start3A_78, %dma_start3A_79] : memref<16x160x128xi32, #tpu.memory_space<hbm>> -> memref<1x160x128xi32, #tpu.memory_space<hbm>>
        %dma_start3A_81 = tpu.memref_squeeze %dma_start3A_80 : memref<1x160x128xi32, #tpu.memory_space<hbm>> -> memref<160x128xi32, #tpu.memory_space<hbm>>
        %dma_start3A_82 = arith.constant 0 : i32
        %dma_start3A_83 = tpu.memref_slice %dma_start3A_81[%add3A_18, %dma_start3A_82] : memref<160x128xi32, #tpu.memory_space<hbm>> -> memref<40x128xi32, #tpu.memory_space<hbm>>
        %dma_start3A_84 = arith.constant 0 : i32
        %dma_start3A_85 = arith.constant 0 : i32
        %dma_start3A_86 = tpu.memref_slice %arg4[%arg1, %dma_start3A_84, %dma_start3A_85] : memref<16x160x128xi32, #tpu.memory_space<hbm>> -> memref<1x160x128xi32, #tpu.memory_space<hbm>>
        %dma_start3A_87 = tpu.memref_squeeze %dma_start3A_86 : memref<1x160x128xi32, #tpu.memory_space<hbm>> -> memref<160x128xi32, #tpu.memory_space<hbm>>
        %dma_start3A_88 = arith.constant 0 : i32
        %dma_start3A_89 = tpu.memref_slice %dma_start3A_87[%add3A_18, %dma_start3A_88] : memref<160x128xi32, #tpu.memory_space<hbm>> -> memref<40x128xi32, #tpu.memory_space<hbm>>
        tpu.enqueue_dma source(%dma_start3A_89 : memref<40x128xi32, #tpu.memory_space<hbm>>) target(%arg8 : memref<40x128xi32, #tpu.memory_space<vmem>>) target_semaphore(%run_scoped3A : memref<!tpu.dma_semaphore, #tpu.memory_space<semaphore_mem>>)
        %dma_wait3A_90 = arith.constant 0 : i32
        %dma_wait3A_91 = arith.constant 0 : i32
        %dma_wait3A_92 = tpu.memref_slice %arg4[%arg1, %dma_wait3A_90, %dma_wait3A_91] : memref<16x160x128xi32, #tpu.memory_space<hbm>> -> memref<1x160x128xi32, #tpu.memory_space<hbm>>
        %dma_wait3A_93 = tpu.memref_squeeze %dma_wait3A_92 : memref<1x160x128xi32, #tpu.memory_space<hbm>> -> memref<160x128xi32, #tpu.memory_space<hbm>>
        %dma_wait3A_94 = arith.constant 0 : i32
        %dma_wait3A_95 = tpu.memref_slice %dma_wait3A_93[%add3A_18, %dma_wait3A_94] : memref<160x128xi32, #tpu.memory_space<hbm>> -> memref<40x128xi32, #tpu.memory_space<hbm>>
        %dma_wait3A_96 = arith.constant 0 : i32
        %dma_wait3A_97 = arith.constant 0 : i32
        %dma_wait3A_98 = tpu.memref_slice %arg4[%arg1, %dma_wait3A_96, %dma_wait3A_97] : memref<16x160x128xi32, #tpu.memory_space<hbm>> -> memref<1x160x128xi32, #tpu.memory_space<hbm>>
        %dma_wait3A_99 = tpu.memref_squeeze %dma_wait3A_98 : memref<1x160x128xi32, #tpu.memory_space<hbm>> -> memref<160x128xi32, #tpu.memory_space<hbm>>
        %dma_wait3A_100 = arith.constant 0 : i32
        %dma_wait3A_101 = tpu.memref_slice %dma_wait3A_99[%add3A_18, %dma_wait3A_100] : memref<160x128xi32, #tpu.memory_space<hbm>> -> memref<40x128xi32, #tpu.memory_space<hbm>>
        tpu.wait_dma2 semaphore(%run_scoped3A : memref<!tpu.dma_semaphore, #tpu.memory_space<semaphore_mem>>) src(%dma_wait3A_101 : memref<40x128xi32, #tpu.memory_space<hbm>>) dst(%arg8 : memref<40x128xi32, #tpu.memory_space<vmem>>)
        tpu.yield
      }) : () -> ()
      %dma_start3A = arith.constant 0 : i32
      %dma_start3A_19 = arith.constant 0 : i32
      %dma_start3A_20 = tpu.memref_slice %arg7[%dma_start3A, %dma_start3A_19] : memref<40x128xi32, #tpu.memory_space<vmem>> -> memref<1x128xi32, #tpu.memory_space<vmem>>
      %dma_start3A_21 = tpu.memref_squeeze %dma_start3A_20 : memref<1x128xi32, #tpu.memory_space<vmem>> -> memref<128xi32, #tpu.memory_space<vmem>>
      %dma_start3A_22 = arith.constant 0 : i32
      %dma_start3A_23 = arith.constant 0 : i32
      %dma_start3A_24 = tpu.memref_slice %arg2[%dma_start3A_22, %dma_start3A_23] : memref<10000x128xf32, #tpu.memory_space<hbm>> -> memref<10000x128xf32, #tpu.memory_space<hbm>>
      tpu.enqueue_indirect_dma source(%dma_start3A_24 : memref<10000x128xf32, #tpu.memory_space<hbm>>) target(%arg9 : memref<128x128xf32, #tpu.memory_space<vmem>>) offsets(%dma_start3A_21 : memref<128xi32, #tpu.memory_space<vmem>>) semaphore(%arg13 : memref<!tpu.dma_semaphore, #tpu.memory_space<semaphore_mem>>)
      %dma_wait3A = arith.constant 0 : i32
      %dma_wait3A_25 = arith.constant 0 : i32
      %dma_wait3A_26 = tpu.memref_slice %arg7[%dma_wait3A, %dma_wait3A_25] : memref<40x128xi32, #tpu.memory_space<vmem>> -> memref<1x128xi32, #tpu.memory_space<vmem>>
      %dma_wait3A_27 = tpu.memref_squeeze %dma_wait3A_26 : memref<1x128xi32, #tpu.memory_space<vmem>> -> memref<128xi32, #tpu.memory_space<vmem>>
      %dma_wait3A_28 = arith.constant 0 : i32
      %dma_wait3A_29 = arith.constant 0 : i32
      %dma_wait3A_30 = tpu.memref_slice %arg2[%dma_wait3A_28, %dma_wait3A_29] : memref<10000x128xf32, #tpu.memory_space<hbm>> -> memref<10000x128xf32, #tpu.memory_space<hbm>>
      tpu.wait_indirect_dma semaphore(%arg13 : memref<!tpu.dma_semaphore, #tpu.memory_space<semaphore_mem>>) src(%dma_wait3A_30 : memref<10000x128xf32, #tpu.memory_space<hbm>>) dst(%arg9 : memref<128x128xf32, #tpu.memory_space<vmem>>)
      %dma_start3A_31 = arith.constant 0 : i32
      %dma_start3A_32 = arith.constant 0 : i32
      %dma_start3A_33 = tpu.memref_slice %arg8[%dma_start3A_31, %dma_start3A_32] : memref<40x128xi32, #tpu.memory_space<vmem>> -> memref<1x128xi32, #tpu.memory_space<vmem>>
      %dma_start3A_34 = tpu.memref_squeeze %dma_start3A_33 : memref<1x128xi32, #tpu.memory_space<vmem>> -> memref<128xi32, #tpu.memory_space<vmem>>
      %dma_start3A_35 = arith.constant 0 : i32
      %dma_start3A_36 = arith.constant 0 : i32
      %dma_start3A_37 = tpu.memref_slice %arg14[%dma_start3A_35, %dma_start3A_36] : memref<10240x128xf32, #tpu.memory_space<vmem_shared>> -> memref<10240x128xf32, #tpu.memory_space<vmem_shared>>
      tpu.enqueue_indirect_dma source(%arg9 : memref<128x128xf32, #tpu.memory_space<vmem>>) target(%dma_start3A_37 : memref<10240x128xf32, #tpu.memory_space<vmem_shared>>) offsets(%dma_start3A_34 : memref<128xi32, #tpu.memory_space<vmem>>) semaphore(%arg11 : memref<!tpu.dma_semaphore, #tpu.memory_space<semaphore_mem>>) {add = true}
      %dma_start3A_38 = arith.constant 1 : i32
      %dma_start3A_39 = arith.constant 0 : i32
      %dma_start3A_40 = tpu.memref_slice %arg7[%dma_start3A_38, %dma_start3A_39] : memref<40x128xi32, #tpu.memory_space<vmem>> -> memref<1x128xi32, #tpu.memory_space<vmem>>
      %dma_start3A_41 = tpu.memref_squeeze %dma_start3A_40 : memref<1x128xi32, #tpu.memory_space<vmem>> -> memref<128xi32, #tpu.memory_space<vmem>>
      %dma_start3A_42 = arith.constant 0 : i32
      %dma_start3A_43 = arith.constant 0 : i32
      %dma_start3A_44 = tpu.memref_slice %arg2[%dma_start3A_42, %dma_start3A_43] : memref<10000x128xf32, #tpu.memory_space<hbm>> -> memref<10000x128xf32, #tpu.memory_space<hbm>>
      tpu.enqueue_indirect_dma source(%dma_start3A_44 : memref<10000x128xf32, #tpu.memory_space<hbm>>) target(%arg10 : memref<128x128xf32, #tpu.memory_space<vmem>>) offsets(%dma_start3A_41 : memref<128xi32, #tpu.memory_space<vmem>>) semaphore(%arg13 : memref<!tpu.dma_semaphore, #tpu.memory_space<semaphore_mem>>)
      %dma_wait3A_45 = arith.constant 1 : i32
      %dma_wait3A_46 = arith.constant 0 : i32
      %dma_wait3A_47 = tpu.memref_slice %arg7[%dma_wait3A_45, %dma_wait3A_46] : memref<40x128xi32, #tpu.memory_space<vmem>> -> memref<1x128xi32, #tpu.memory_space<vmem>>
      %dma_wait3A_48 = tpu.memref_squeeze %dma_wait3A_47 : memref<1x128xi32, #tpu.memory_space<vmem>> -> memref<128xi32, #tpu.memory_space<vmem>>
      %dma_wait3A_49 = arith.constant 0 : i32
      %dma_wait3A_50 = arith.constant 0 : i32
      %dma_wait3A_51 = tpu.memref_slice %arg2[%dma_wait3A_49, %dma_wait3A_50] : memref<10000x128xf32, #tpu.memory_space<hbm>> -> memref<10000x128xf32, #tpu.memory_space<hbm>>
      tpu.wait_indirect_dma semaphore(%arg13 : memref<!tpu.dma_semaphore, #tpu.memory_space<semaphore_mem>>) src(%dma_wait3A_51 : memref<10000x128xf32, #tpu.memory_space<hbm>>) dst(%arg10 : memref<128x128xf32, #tpu.memory_space<vmem>>)
      %dma_start3A_52 = arith.constant 1 : i32
      %dma_start3A_53 = arith.constant 0 : i32
      %dma_start3A_54 = tpu.memref_slice %arg8[%dma_start3A_52, %dma_start3A_53] : memref<40x128xi32, #tpu.memory_space<vmem>> -> memref<1x128xi32, #tpu.memory_space<vmem>>
      %dma_start3A_55 = tpu.memref_squeeze %dma_start3A_54 : memref<1x128xi32, #tpu.memory_space<vmem>> -> memref<128xi32, #tpu.memory_space<vmem>>
      %dma_start3A_56 = arith.constant 0 : i32
      %dma_start3A_57 = arith.constant 0 : i32
      %dma_start3A_58 = tpu.memref_slice %arg14[%dma_start3A_56, %dma_start3A_57] : memref<10240x128xf32, #tpu.memory_space<vmem_shared>> -> memref<10240x128xf32, #tpu.memory_space<vmem_shared>>
      tpu.enqueue_indirect_dma source(%arg10 : memref<128x128xf32, #tpu.memory_space<vmem>>) target(%dma_start3A_58 : memref<10240x128xf32, #tpu.memory_space<vmem_shared>>) offsets(%dma_start3A_55 : memref<128xi32, #tpu.memory_space<vmem>>) semaphore(%arg12 : memref<!tpu.dma_semaphore, #tpu.memory_space<semaphore_mem>>) {add = true}
      %scan3A_59 = arith.constant 0 : i32
      %scan3A_60 = arith.constant 19 : i32
      %scan3A_61 = arith.addi %scan3A_59, %scan3A_60 : i32
      %scan3A_62 = arith.constant 1 : i32
      scf.for %scan3A_78 = %scan3A_59 to %scan3A_61 step %scan3A_62  : i32 {
        %mul3A_79 = arith.constant 2 : i32
        %mul3A_80 = arith.muli %scan3A_78, %mul3A_79 : i32
        %add3A_81 = arith.constant 2 : i32
        %add3A_82 = arith.addi %add3A_81, %mul3A_80 : i32
        %add3A_83 = arith.constant 0 : i32
        %add3A_84 = arith.addi %add3A_82, %add3A_83 : i32
        %sub3A = arith.constant 2 : i32
        %sub3A_85 = arith.subi %add3A_84, %sub3A : i32
        %dma_wait3A_86 = arith.constant 0 : i32
        %dma_wait3A_87 = tpu.memref_slice %arg8[%sub3A_85, %dma_wait3A_86] : memref<40x128xi32, #tpu.memory_space<vmem>> -> memref<1x128xi32, #tpu.memory_space<vmem>>
        %dma_wait3A_88 = tpu.memref_squeeze %dma_wait3A_87 : memref<1x128xi32, #tpu.memory_space<vmem>> -> memref<128xi32, #tpu.memory_space<vmem>>
        %dma_wait3A_89 = arith.constant 0 : i32
        %dma_wait3A_90 = arith.constant 0 : i32
        %dma_wait3A_91 = tpu.memref_slice %arg14[%dma_wait3A_89, %dma_wait3A_90] : memref<10240x128xf32, #tpu.memory_space<vmem_shared>> -> memref<10240x128xf32, #tpu.memory_space<vmem_shared>>
        tpu.wait_indirect_dma semaphore(%arg11 : memref<!tpu.dma_semaphore, #tpu.memory_space<semaphore_mem>>) src(%arg9 : memref<128x128xf32, #tpu.memory_space<vmem>>) dst(%dma_wait3A_91 : memref<10240x128xf32, #tpu.memory_space<vmem_shared>>)
        %dma_start3A_92 = arith.constant 0 : i32
        %dma_start3A_93 = tpu.memref_slice %arg7[%add3A_84, %dma_start3A_92] : memref<40x128xi32, #tpu.memory_space<vmem>> -> memref<1x128xi32, #tpu.memory_space<vmem>>
        %dma_start3A_94 = tpu.memref_squeeze %dma_start3A_93 : memref<1x128xi32, #tpu.memory_space<vmem>> -> memref<128xi32, #tpu.memory_space<vmem>>
        %dma_start3A_95 = arith.constant 0 : i32
        %dma_start3A_96 = arith.constant 0 : i32
        %dma_start3A_97 = tpu.memref_slice %arg2[%dma_start3A_95, %dma_start3A_96] : memref<10000x128xf32, #tpu.memory_space<hbm>> -> memref<10000x128xf32, #tpu.memory_space<hbm>>
        tpu.enqueue_indirect_dma source(%dma_start3A_97 : memref<10000x128xf32, #tpu.memory_space<hbm>>) target(%arg9 : memref<128x128xf32, #tpu.memory_space<vmem>>) offsets(%dma_start3A_94 : memref<128xi32, #tpu.memory_space<vmem>>) semaphore(%arg13 : memref<!tpu.dma_semaphore, #tpu.memory_space<semaphore_mem>>)
        %dma_wait3A_98 = arith.constant 0 : i32
        %dma_wait3A_99 = tpu.memref_slice %arg7[%add3A_84, %dma_wait3A_98] : memref<40x128xi32, #tpu.memory_space<vmem>> -> memref<1x128xi32, #tpu.memory_space<vmem>>
        %dma_wait3A_100 = tpu.memref_squeeze %dma_wait3A_99 : memref<1x128xi32, #tpu.memory_space<vmem>> -> memref<128xi32, #tpu.memory_space<vmem>>
        %dma_wait3A_101 = arith.constant 0 : i32
        %dma_wait3A_102 = arith.constant 0 : i32
        %dma_wait3A_103 = tpu.memref_slice %arg2[%dma_wait3A_101, %dma_wait3A_102] : memref<10000x128xf32, #tpu.memory_space<hbm>> -> memref<10000x128xf32, #tpu.memory_space<hbm>>
        tpu.wait_indirect_dma semaphore(%arg13 : memref<!tpu.dma_semaphore, #tpu.memory_space<semaphore_mem>>) src(%dma_wait3A_103 : memref<10000x128xf32, #tpu.memory_space<hbm>>) dst(%arg9 : memref<128x128xf32, #tpu.memory_space<vmem>>)
        %dma_start3A_104 = arith.constant 0 : i32
        %dma_start3A_105 = tpu.memref_slice %arg8[%add3A_84, %dma_start3A_104] : memref<40x128xi32, #tpu.memory_space<vmem>> -> memref<1x128xi32, #tpu.memory_space<vmem>>
        %dma_start3A_106 = tpu.memref_squeeze %dma_start3A_105 : memref<1x128xi32, #tpu.memory_space<vmem>> -> memref<128xi32, #tpu.memory_space<vmem>>
        %dma_start3A_107 = arith.constant 0 : i32
        %dma_start3A_108 = arith.constant 0 : i32
        %dma_start3A_109 = tpu.memref_slice %arg14[%dma_start3A_107, %dma_start3A_108] : memref<10240x128xf32, #tpu.memory_space<vmem_shared>> -> memref<10240x128xf32, #tpu.memory_space<vmem_shared>>
        tpu.enqueue_indirect_dma source(%arg9 : memref<128x128xf32, #tpu.memory_space<vmem>>) target(%dma_start3A_109 : memref<10240x128xf32, #tpu.memory_space<vmem_shared>>) offsets(%dma_start3A_106 : memref<128xi32, #tpu.memory_space<vmem>>) semaphore(%arg11 : memref<!tpu.dma_semaphore, #tpu.memory_space<semaphore_mem>>) {add = true}
        %add3A_110 = arith.constant 1 : i32
        %add3A_111 = arith.addi %add3A_82, %add3A_110 : i32
        %sub3A_112 = arith.constant 2 : i32
        %sub3A_113 = arith.subi %add3A_111, %sub3A_112 : i32
        %dma_wait3A_114 = arith.constant 0 : i32
        %dma_wait3A_115 = tpu.memref_slice %arg8[%sub3A_113, %dma_wait3A_114] : memref<40x128xi32, #tpu.memory_space<vmem>> -> memref<1x128xi32, #tpu.memory_space<vmem>>
        %dma_wait3A_116 = tpu.memref_squeeze %dma_wait3A_115 : memref<1x128xi32, #tpu.memory_space<vmem>> -> memref<128xi32, #tpu.memory_space<vmem>>
        %dma_wait3A_117 = arith.constant 0 : i32
        %dma_wait3A_118 = arith.constant 0 : i32
        %dma_wait3A_119 = tpu.memref_slice %arg14[%dma_wait3A_117, %dma_wait3A_118] : memref<10240x128xf32, #tpu.memory_space<vmem_shared>> -> memref<10240x128xf32, #tpu.memory_space<vmem_shared>>
        tpu.wait_indirect_dma semaphore(%arg12 : memref<!tpu.dma_semaphore, #tpu.memory_space<semaphore_mem>>) src(%arg10 : memref<128x128xf32, #tpu.memory_space<vmem>>) dst(%dma_wait3A_119 : memref<10240x128xf32, #tpu.memory_space<vmem_shared>>)
        %dma_start3A_120 = arith.constant 0 : i32
        %dma_start3A_121 = tpu.memref_slice %arg7[%add3A_111, %dma_start3A_120] : memref<40x128xi32, #tpu.memory_space<vmem>> -> memref<1x128xi32, #tpu.memory_space<vmem>>
        %dma_start3A_122 = tpu.memref_squeeze %dma_start3A_121 : memref<1x128xi32, #tpu.memory_space<vmem>> -> memref<128xi32, #tpu.memory_space<vmem>>
        %dma_start3A_123 = arith.constant 0 : i32
        %dma_start3A_124 = arith.constant 0 : i32
        %dma_start3A_125 = tpu.memref_slice %arg2[%dma_start3A_123, %dma_start3A_124] : memref<10000x128xf32, #tpu.memory_space<hbm>> -> memref<10000x128xf32, #tpu.memory_space<hbm>>
        tpu.enqueue_indirect_dma source(%dma_start3A_125 : memref<10000x128xf32, #tpu.memory_space<hbm>>) target(%arg10 : memref<128x128xf32, #tpu.memory_space<vmem>>) offsets(%dma_start3A_122 : memref<128xi32, #tpu.memory_space<vmem>>) semaphore(%arg13 : memref<!tpu.dma_semaphore, #tpu.memory_space<semaphore_mem>>)
        %dma_wait3A_126 = arith.constant 0 : i32
        %dma_wait3A_127 = tpu.memref_slice %arg7[%add3A_111, %dma_wait3A_126] : memref<40x128xi32, #tpu.memory_space<vmem>> -> memref<1x128xi32, #tpu.memory_space<vmem>>
        %dma_wait3A_128 = tpu.memref_squeeze %dma_wait3A_127 : memref<1x128xi32, #tpu.memory_space<vmem>> -> memref<128xi32, #tpu.memory_space<vmem>>
        %dma_wait3A_129 = arith.constant 0 : i32
        %dma_wait3A_130 = arith.constant 0 : i32
        %dma_wait3A_131 = tpu.memref_slice %arg2[%dma_wait3A_129, %dma_wait3A_130] : memref<10000x128xf32, #tpu.memory_space<hbm>> -> memref<10000x128xf32, #tpu.memory_space<hbm>>
        tpu.wait_indirect_dma semaphore(%arg13 : memref<!tpu.dma_semaphore, #tpu.memory_space<semaphore_mem>>) src(%dma_wait3A_131 : memref<10000x128xf32, #tpu.memory_space<hbm>>) dst(%arg10 : memref<128x128xf32, #tpu.memory_space<vmem>>)
        %dma_start3A_132 = arith.constant 0 : i32
        %dma_start3A_133 = tpu.memref_slice %arg8[%add3A_111, %dma_start3A_132] : memref<40x128xi32, #tpu.memory_space<vmem>> -> memref<1x128xi32, #tpu.memory_space<vmem>>
        %dma_start3A_134 = tpu.memref_squeeze %dma_start3A_133 : memref<1x128xi32, #tpu.memory_space<vmem>> -> memref<128xi32, #tpu.memory_space<vmem>>
        %dma_start3A_135 = arith.constant 0 : i32
        %dma_start3A_136 = arith.constant 0 : i32
        %dma_start3A_137 = tpu.memref_slice %arg14[%dma_start3A_135, %dma_start3A_136] : memref<10240x128xf32, #tpu.memory_space<vmem_shared>> -> memref<10240x128xf32, #tpu.memory_space<vmem_shared>>
        tpu.enqueue_indirect_dma source(%arg10 : memref<128x128xf32, #tpu.memory_space<vmem>>) target(%dma_start3A_137 : memref<10240x128xf32, #tpu.memory_space<vmem_shared>>) offsets(%dma_start3A_134 : memref<128xi32, #tpu.memory_space<vmem>>) semaphore(%arg12 : memref<!tpu.dma_semaphore, #tpu.memory_space<semaphore_mem>>) {add = true}
      }
      %scan3A_63 = arith.constant 19 : i32
      %dma_wait3A_64 = arith.constant 38 : i32
      %dma_wait3A_65 = arith.constant 0 : i32
      %dma_wait3A_66 = tpu.memref_slice %arg8[%dma_wait3A_64, %dma_wait3A_65] : memref<40x128xi32, #tpu.memory_space<vmem>> -> memref<1x128xi32, #tpu.memory_space<vmem>>
      %dma_wait3A_67 = tpu.memref_squeeze %dma_wait3A_66 : memref<1x128xi32, #tpu.memory_space<vmem>> -> memref<128xi32, #tpu.memory_space<vmem>>
      %dma_wait3A_68 = arith.constant 0 : i32
      %dma_wait3A_69 = arith.constant 0 : i32
      %dma_wait3A_70 = tpu.memref_slice %arg14[%dma_wait3A_68, %dma_wait3A_69] : memref<10240x128xf32, #tpu.memory_space<vmem_shared>> -> memref<10240x128xf32, #tpu.memory_space<vmem_shared>>
      tpu.wait_indirect_dma semaphore(%arg11 : memref<!tpu.dma_semaphore, #tpu.memory_space<semaphore_mem>>) src(%arg9 : memref<128x128xf32, #tpu.memory_space<vmem>>) dst(%dma_wait3A_70 : memref<10240x128xf32, #tpu.memory_space<vmem_shared>>)
      %dma_wait3A_71 = arith.constant 39 : i32
      %dma_wait3A_72 = arith.constant 0 : i32
      %dma_wait3A_73 = tpu.memref_slice %arg8[%dma_wait3A_71, %dma_wait3A_72] : memref<40x128xi32, #tpu.memory_space<vmem>> -> memref<1x128xi32, #tpu.memory_space<vmem>>
      %dma_wait3A_74 = tpu.memref_squeeze %dma_wait3A_73 : memref<1x128xi32, #tpu.memory_space<vmem>> -> memref<128xi32, #tpu.memory_space<vmem>>
      %dma_wait3A_75 = arith.constant 0 : i32
      %dma_wait3A_76 = arith.constant 0 : i32
      %dma_wait3A_77 = tpu.memref_slice %arg14[%dma_wait3A_75, %dma_wait3A_76] : memref<10240x128xf32, #tpu.memory_space<vmem_shared>> -> memref<10240x128xf32, #tpu.memory_space<vmem_shared>>
      tpu.wait_indirect_dma semaphore(%arg12 : memref<!tpu.dma_semaphore, #tpu.memory_space<semaphore_mem>>) src(%arg10 : memref<128x128xf32, #tpu.memory_space<vmem>>) dst(%dma_wait3A_77 : memref<10240x128xf32, #tpu.memory_space<vmem_shared>>)
    }
    %scan3A_4 = arith.constant 2 : i32
    %barrier3A_5 = arith.constant 0 : index
    tpu.barrier barrier_id(%barrier3A_5)
    %mul3A_6 = arith.constant 640 : i32
    %mul3A_7 = arith.muli %arg1, %mul3A_6 : i32
    %mul3A_8 = arith.constant 640 : i32
    %mul3A_9 = arith.muli %arg1, %mul3A_8 : i32
    "tpu.region"() ({
      %run_scoped3A = tpu.sem_alloc : memref<!tpu.dma_semaphore, #tpu.memory_space<semaphore_mem>>
      %dma_start3A = arith.constant 0 : i32
      %dma_start3A_10 = arith.constant 0 : i32
      %dma_start3A_11 = tpu.memref_slice %arg6[%arg0, %dma_start3A, %dma_start3A_10] : memref<2x10240x128xf32, #tpu.memory_space<hbm>> -> memref<1x10240x128xf32, #tpu.memory_space<hbm>>
      %dma_start3A_12 = tpu.memref_squeeze %dma_start3A_11 : memref<1x10240x128xf32, #tpu.memory_space<hbm>> -> memref<10240x128xf32, #tpu.memory_space<hbm>>
      %dma_start3A_13 = arith.constant 0 : i32
      %dma_start3A_14 = tpu.memref_slice %dma_start3A_12[%mul3A_9, %dma_start3A_13] : memref<10240x128xf32, #tpu.memory_space<hbm>> -> memref<640x128xf32, #tpu.memory_space<hbm>>
      %dma_start3A_15 = arith.constant 0 : i32
      %dma_start3A_16 = tpu.memref_slice %arg14[%mul3A_7, %dma_start3A_15] : memref<10240x128xf32, #tpu.memory_space<vmem_shared>> -> memref<640x128xf32, #tpu.memory_space<vmem_shared>>
      tpu.enqueue_dma source(%dma_start3A_16 : memref<640x128xf32, #tpu.memory_space<vmem_shared>>) target(%dma_start3A_14 : memref<640x128xf32, #tpu.memory_space<hbm>>) target_semaphore(%run_scoped3A : memref<!tpu.dma_semaphore, #tpu.memory_space<semaphore_mem>>)
      %dma_wait3A = arith.constant 0 : i32
      %dma_wait3A_17 = arith.constant 0 : i32
      %dma_wait3A_18 = tpu.memref_slice %arg6[%arg0, %dma_wait3A, %dma_wait3A_17] : memref<2x10240x128xf32, #tpu.memory_space<hbm>> -> memref<1x10240x128xf32, #tpu.memory_space<hbm>>
      %dma_wait3A_19 = tpu.memref_squeeze %dma_wait3A_18 : memref<1x10240x128xf32, #tpu.memory_space<hbm>> -> memref<10240x128xf32, #tpu.memory_space<hbm>>
      %dma_wait3A_20 = arith.constant 0 : i32
      %dma_wait3A_21 = tpu.memref_slice %dma_wait3A_19[%mul3A_9, %dma_wait3A_20] : memref<10240x128xf32, #tpu.memory_space<hbm>> -> memref<640x128xf32, #tpu.memory_space<hbm>>
      %dma_wait3A_22 = arith.constant 0 : i32
      %dma_wait3A_23 = tpu.memref_slice %arg14[%mul3A_7, %dma_wait3A_22] : memref<10240x128xf32, #tpu.memory_space<vmem_shared>> -> memref<640x128xf32, #tpu.memory_space<vmem_shared>>
      tpu.wait_dma2 semaphore(%run_scoped3A : memref<!tpu.dma_semaphore, #tpu.memory_space<semaphore_mem>>) src(%dma_wait3A_23 : memref<640x128xf32, #tpu.memory_space<vmem_shared>>) dst(%dma_wait3A_21 : memref<640x128xf32, #tpu.memory_space<hbm>>)
      tpu.yield
    }) : () -> ()
    return
  }
}

module attributes {stable_mosaic.version = 14 : i64} {
  func.func @_dense01_body(%arg0: memref<10000x128xf32, #tpu.memory_space<vmem>>, %arg1: memref<2x10240x128xf32, #tpu.memory_space<vmem>>, %arg2: memref<10000x1xf32, #tpu.memory_space<vmem>>, %arg3: memref<10000x1xf32, #tpu.memory_space<vmem>>, %arg4: memref<128x128xf32, #tpu.memory_space<vmem>>, %arg5: memref<128x128xf32, #tpu.memory_space<vmem>>, %arg6: memref<1x128xf32, #tpu.memory_space<vmem>>, %arg7: memref<1x128xf32, #tpu.memory_space<vmem>>, %arg8: memref<1x128xf32, #tpu.memory_space<vmem>>, %arg9: memref<10000x128xf32, #tpu.memory_space<vmem>>) attributes {dimension_semantics = [], scalar_prefetch = 0 : i64, scratch_operands = 0 : i64, tpu.core_type = #tpu.core_type<tc>} {
    %get3A = arith.constant 0 : index
    %get3A_0 = arith.constant 0 : index
    %get3A_1 = vector.load %arg2[%get3A, %get3A_0] : memref<10000x1xf32, #tpu.memory_space<vmem>>, vector<10000x1xf32>
    %get3A_2 = arith.constant 0 : index
    %get3A_3 = arith.constant 0 : index
    %get3A_4 = vector.load %arg3[%get3A_2, %get3A_3] : memref<10000x1xf32, #tpu.memory_space<vmem>>, vector<10000x1xf32>
    %add3A = arith.addf %get3A_1, %get3A_4 : vector<10000x1xf32>
    %max3A = arith.constant 1.000000e+00 : f32
    %max3A_5 = vector.broadcast %max3A : f32 to vector<10000x1xf32>
    %max3A_6 = arith.maximumf %add3A, %max3A_5 : vector<10000x1xf32>
    %get3A_7 = arith.constant 0 : index
    %get3A_8 = arith.constant 0 : index
    %get3A_9 = arith.constant 0 : index
    %get3A_10 = vector.load %arg1[%get3A_7, %get3A_8, %get3A_9] : memref<2x10240x128xf32, #tpu.memory_space<vmem>>, vector<1x10000x128xf32>
    %get3A_11 = vector.shape_cast %get3A_10 : vector<1x10000x128xf32> to vector<10000x128xf32>
    %get3A_12 = arith.constant 1 : index
    %get3A_13 = arith.constant 0 : index
    %get3A_14 = arith.constant 0 : index
    %get3A_15 = vector.load %arg1[%get3A_12, %get3A_13, %get3A_14] : memref<2x10240x128xf32, #tpu.memory_space<vmem>>, vector<1x10000x128xf32>
    %get3A_16 = vector.shape_cast %get3A_15 : vector<1x10000x128xf32> to vector<10000x128xf32>
    %add3A_17 = arith.addf %get3A_11, %get3A_16 : vector<10000x128xf32>
    %div3A = vector.broadcast %max3A_6 : vector<10000x1xf32> to vector<10000x128xf32>
    %div3A_18 = arith.divf %add3A_17, %div3A : vector<10000x128xf32>
    %get3A_19 = arith.constant 0 : index
    %get3A_20 = arith.constant 0 : index
    %get3A_21 = vector.load %arg0[%get3A_19, %get3A_20] : memref<10000x128xf32, #tpu.memory_space<vmem>>, vector<10000x128xf32>
    %get3A_22 = arith.constant 0 : index
    %get3A_23 = arith.constant 0 : index
    %get3A_24 = vector.load %arg4[%get3A_22, %get3A_23] : memref<128x128xf32, #tpu.memory_space<vmem>>, vector<128x128xf32>
    %dot_general3A = arith.constant dense<0.000000e+00> : vector<10000x128xf32>
    %dot_general3A_25 = tpu.matmul %get3A_21, %get3A_24, %dot_general3A {dimension_numbers = #tpu.dot_dimension_numbers<[1], [0], [0], [1], [0, 0, 1, 1], [], []>, transpose_lhs_hint = false} : vector<10000x128xf32>, vector<128x128xf32>, vector<10000x128xf32> -> vector<10000x128xf32>
    %get3A_26 = arith.constant 0 : index
    %get3A_27 = arith.constant 0 : index
    %get3A_28 = vector.load %arg5[%get3A_26, %get3A_27] : memref<128x128xf32, #tpu.memory_space<vmem>>, vector<128x128xf32>
    %dot_general3A_29 = arith.constant dense<0.000000e+00> : vector<10000x128xf32>
    %dot_general3A_30 = tpu.matmul %div3A_18, %get3A_28, %dot_general3A_29 {dimension_numbers = #tpu.dot_dimension_numbers<[1], [0], [0], [1], [0, 0, 1, 1], [], []>, transpose_lhs_hint = false} : vector<10000x128xf32>, vector<128x128xf32>, vector<10000x128xf32> -> vector<10000x128xf32>
    %add3A_31 = arith.addf %dot_general3A_25, %dot_general3A_30 : vector<10000x128xf32>
    %get3A_32 = arith.constant 0 : index
    %get3A_33 = arith.constant 0 : index
    %get3A_34 = vector.load %arg6[%get3A_32, %get3A_33] : memref<1x128xf32, #tpu.memory_space<vmem>>, vector<1x128xf32>
    %add3A_35 = vector.broadcast %get3A_34 : vector<1x128xf32> to vector<10000x128xf32>
    %add3A_36 = arith.addf %add3A_31, %add3A_35 : vector<10000x128xf32>
    %max3A_37 = arith.constant 0.000000e+00 : f32
    %max3A_38 = vector.broadcast %max3A_37 : f32 to vector<10000x128xf32>
    %max3A_39 = arith.maximumf %add3A_36, %max3A_38 : vector<10000x128xf32>
    %reduce_sum3A = arith.constant dense<0.000000e+00> : vector<128xf32>
    %reduce_sum3A_40 = vector.multi_reduction <add>, %max3A_39, %reduce_sum3A [0] : vector<10000x128xf32> to vector<128xf32>
    %broadcast_in_dim3A = vector.shape_cast %reduce_sum3A_40 : vector<128xf32> to vector<1x128xf32>
    %div3A_41 = arith.constant 1.000000e+04 : f32
    %div3A_42 = vector.broadcast %div3A_41 : f32 to vector<1x128xf32>
    %div3A_43 = arith.divf %broadcast_in_dim3A, %div3A_42 : vector<1x128xf32>
    %sub3A = vector.broadcast %div3A_43 : vector<1x128xf32> to vector<10000x128xf32>
    %sub3A_44 = arith.subf %max3A_39, %sub3A : vector<10000x128xf32>
    %mul3A = arith.mulf %sub3A_44, %sub3A_44 : vector<10000x128xf32>
    %reduce_sum3A_45 = vector.shape_cast %mul3A : vector<10000x128xf32> to vector<1x10000x128xf32>
    %reduce_sum3A_46 = arith.constant dense<0.000000e+00> : vector<1xf32>
    %reduce_sum3A_47 = vector.multi_reduction <add>, %reduce_sum3A_45, %reduce_sum3A_46 [1, 2] : vector<1x10000x128xf32> to vector<1xf32>
    %reduce_sum3A_48 = vector.shape_cast %reduce_sum3A_47 : vector<1xf32> to vector<1x1x1xf32>
    %reduce_sum3A_49 = vector.extract %reduce_sum3A_48[0, 0, 0] : f32 from vector<1x1x1xf32>
    %div3A_50 = arith.constant 1.000000e+04 : f32
    %div3A_51 = arith.divf %reduce_sum3A_49, %div3A_50 : f32
    %add3A_52 = arith.constant 9.99999974E-6 : f32
    %add3A_53 = arith.addf %add3A_52, %div3A_51 : f32
    %sqrt3A = math.sqrt %add3A_53 : f32
    %div3A_54 = vector.broadcast %sqrt3A : f32 to vector<10000x128xf32>
    %div3A_55 = arith.divf %sub3A_44, %div3A_54 : vector<10000x128xf32>
    %get3A_56 = arith.constant 0 : index
    %get3A_57 = arith.constant 0 : index
    %get3A_58 = vector.load %arg7[%get3A_56, %get3A_57] : memref<1x128xf32, #tpu.memory_space<vmem>>, vector<1x128xf32>
    %get3A_59 = arith.constant 0 : index
    %get3A_60 = arith.constant 0 : index
    %get3A_61 = vector.load %arg8[%get3A_59, %get3A_60] : memref<1x128xf32, #tpu.memory_space<vmem>>, vector<1x128xf32>
    %reduce_sum3A_62 = arith.constant dense<0.000000e+00> : vector<128xf32>
    %reduce_sum3A_63 = vector.multi_reduction <add>, %div3A_55, %reduce_sum3A_62 [0] : vector<10000x128xf32> to vector<128xf32>
    %broadcast_in_dim3A_64 = vector.shape_cast %reduce_sum3A_63 : vector<128xf32> to vector<1x128xf32>
    %div3A_65 = arith.constant 1.000000e+04 : f32
    %div3A_66 = vector.broadcast %div3A_65 : f32 to vector<1x128xf32>
    %div3A_67 = arith.divf %broadcast_in_dim3A_64, %div3A_66 : vector<1x128xf32>
    %sub3A_68 = vector.broadcast %div3A_67 : vector<1x128xf32> to vector<10000x128xf32>
    %sub3A_69 = arith.subf %div3A_55, %sub3A_68 : vector<10000x128xf32>
    %sub3A_70 = vector.broadcast %div3A_67 : vector<1x128xf32> to vector<10000x128xf32>
    %sub3A_71 = arith.subf %div3A_55, %sub3A_70 : vector<10000x128xf32>
    %mul3A_72 = arith.mulf %sub3A_69, %sub3A_71 : vector<10000x128xf32>
    %reduce_sum3A_73 = arith.constant dense<0.000000e+00> : vector<128xf32>
    %reduce_sum3A_74 = vector.multi_reduction <add>, %mul3A_72, %reduce_sum3A_73 [0] : vector<10000x128xf32> to vector<128xf32>
    %broadcast_in_dim3A_75 = vector.shape_cast %reduce_sum3A_74 : vector<128xf32> to vector<1x128xf32>
    %div3A_76 = arith.constant 1.000000e+04 : f32
    %div3A_77 = vector.broadcast %div3A_76 : f32 to vector<1x128xf32>
    %div3A_78 = arith.divf %broadcast_in_dim3A_75, %div3A_77 : vector<1x128xf32>
    %sub3A_79 = vector.broadcast %div3A_67 : vector<1x128xf32> to vector<10000x128xf32>
    %sub3A_80 = arith.subf %div3A_55, %sub3A_79 : vector<10000x128xf32>
    %add3A_81 = arith.constant 9.99999974E-6 : f32
    %add3A_82 = vector.broadcast %add3A_81 : f32 to vector<1x128xf32>
    %add3A_83 = arith.addf %div3A_78, %add3A_82 : vector<1x128xf32>
    %rsqrt3A = math.rsqrt %add3A_83 : vector<1x128xf32>
    %mul3A_84 = vector.broadcast %rsqrt3A : vector<1x128xf32> to vector<10000x128xf32>
    %mul3A_85 = arith.mulf %sub3A_80, %mul3A_84 : vector<10000x128xf32>
    %mul3A_86 = vector.broadcast %get3A_58 : vector<1x128xf32> to vector<10000x128xf32>
    %mul3A_87 = arith.mulf %mul3A_85, %mul3A_86 : vector<10000x128xf32>
    %add3A_88 = vector.broadcast %get3A_61 : vector<1x128xf32> to vector<10000x128xf32>
    %add3A_89 = arith.addf %mul3A_87, %add3A_88 : vector<10000x128xf32>
    %swap3A = arith.constant 0 : index
    %swap3A_90 = arith.constant 0 : index
    %swap3A_91 = vector.load %arg9[%swap3A, %swap3A_90] : memref<10000x128xf32, #tpu.memory_space<vmem>>, vector<10000x128xf32>
    tpu.vector_store %arg9[%swap3A, %swap3A_90], %add3A_89 {strides = array<i32>} : memref<10000x128xf32, #tpu.memory_space<vmem>>, vector<10000x128xf32>,
    return
  }
}

module attributes {stable_mosaic.version = 14 : i64} {
  func.func @_final_body(%arg0: memref<10000x128xf32, #tpu.memory_space<vmem>>, %arg1: memref<2x10240x128xf32, #tpu.memory_space<vmem>>, %arg2: memref<10000x1xf32, #tpu.memory_space<vmem>>, %arg3: memref<10000x1xf32, #tpu.memory_space<vmem>>, %arg4: memref<128x128xf32, #tpu.memory_space<vmem>>, %arg5: memref<128x128xf32, #tpu.memory_space<vmem>>, %arg6: memref<1x128xf32, #tpu.memory_space<vmem>>, %arg7: memref<1x128xf32, #tpu.memory_space<vmem>>, %arg8: memref<1x128xf32, #tpu.memory_space<vmem>>, %arg9: memref<128x128xf32, #tpu.memory_space<vmem>>, %arg10: memref<1x128xf32, #tpu.memory_space<vmem>>, %arg11: memref<1x128xf32, #tpu.memory_space<vmem>>, %arg12: memref<1x128xf32, #tpu.memory_space<vmem>>, %arg13: memref<128x128xf32, #tpu.memory_space<vmem>>, %arg14: memref<1x128xf32, #tpu.memory_space<vmem>>, %arg15: memref<1x128xf32, #tpu.memory_space<vmem>>, %arg16: memref<1x128xf32, #tpu.memory_space<vmem>>, %arg17: memref<128x128xf32, #tpu.memory_space<vmem>>, %arg18: memref<1x128xf32, #tpu.memory_space<vmem>>, %arg19: memref<10000x128xf32, #tpu.memory_space<vmem>>) attributes {dimension_semantics = [], scalar_prefetch = 0 : i64, scratch_operands = 0 : i64, tpu.core_type = #tpu.core_type<tc>} {
    %get3A = arith.constant 0 : index
    %get3A_0 = arith.constant 0 : index
    %get3A_1 = vector.load %arg2[%get3A, %get3A_0] : memref<10000x1xf32, #tpu.memory_space<vmem>>, vector<10000x1xf32>
    %get3A_2 = arith.constant 0 : index
    %get3A_3 = arith.constant 0 : index
    %get3A_4 = vector.load %arg3[%get3A_2, %get3A_3] : memref<10000x1xf32, #tpu.memory_space<vmem>>, vector<10000x1xf32>
    %add3A = arith.addf %get3A_1, %get3A_4 : vector<10000x1xf32>
    %max3A = arith.constant 1.000000e+00 : f32
    %max3A_5 = vector.broadcast %max3A : f32 to vector<10000x1xf32>
    %max3A_6 = arith.maximumf %add3A, %max3A_5 : vector<10000x1xf32>
    %get3A_7 = arith.constant 0 : index
    %get3A_8 = arith.constant 0 : index
    %get3A_9 = arith.constant 0 : index
    %get3A_10 = vector.load %arg1[%get3A_7, %get3A_8, %get3A_9] : memref<2x10240x128xf32, #tpu.memory_space<vmem>>, vector<1x10000x128xf32>
    %get3A_11 = vector.shape_cast %get3A_10 : vector<1x10000x128xf32> to vector<10000x128xf32>
    %get3A_12 = arith.constant 1 : index
    %get3A_13 = arith.constant 0 : index
    %get3A_14 = arith.constant 0 : index
    %get3A_15 = vector.load %arg1[%get3A_12, %get3A_13, %get3A_14] : memref<2x10240x128xf32, #tpu.memory_space<vmem>>, vector<1x10000x128xf32>
    %get3A_16 = vector.shape_cast %get3A_15 : vector<1x10000x128xf32> to vector<10000x128xf32>
    %add3A_17 = arith.addf %get3A_11, %get3A_16 : vector<10000x128xf32>
    %div3A = vector.broadcast %max3A_6 : vector<10000x1xf32> to vector<10000x128xf32>
    %div3A_18 = arith.divf %add3A_17, %div3A : vector<10000x128xf32>
    %get3A_19 = arith.constant 0 : index
    %get3A_20 = arith.constant 0 : index
    %get3A_21 = vector.load %arg0[%get3A_19, %get3A_20] : memref<10000x128xf32, #tpu.memory_space<vmem>>, vector<10000x128xf32>
    %get3A_22 = arith.constant 0 : index
    %get3A_23 = arith.constant 0 : index
    %get3A_24 = vector.load %arg4[%get3A_22, %get3A_23] : memref<128x128xf32, #tpu.memory_space<vmem>>, vector<128x128xf32>
    %dot_general3A = arith.constant dense<0.000000e+00> : vector<10000x128xf32>
    %dot_general3A_25 = tpu.matmul %get3A_21, %get3A_24, %dot_general3A {dimension_numbers = #tpu.dot_dimension_numbers<[1], [0], [0], [1], [0, 0, 1, 1], [], []>, transpose_lhs_hint = false} : vector<10000x128xf32>, vector<128x128xf32>, vector<10000x128xf32> -> vector<10000x128xf32>
    %get3A_26 = arith.constant 0 : index
    %get3A_27 = arith.constant 0 : index
    %get3A_28 = vector.load %arg5[%get3A_26, %get3A_27] : memref<128x128xf32, #tpu.memory_space<vmem>>, vector<128x128xf32>
    %dot_general3A_29 = arith.constant dense<0.000000e+00> : vector<10000x128xf32>
    %dot_general3A_30 = tpu.matmul %div3A_18, %get3A_28, %dot_general3A_29 {dimension_numbers = #tpu.dot_dimension_numbers<[1], [0], [0], [1], [0, 0, 1, 1], [], []>, transpose_lhs_hint = false} : vector<10000x128xf32>, vector<128x128xf32>, vector<10000x128xf32> -> vector<10000x128xf32>
    %add3A_31 = arith.addf %dot_general3A_25, %dot_general3A_30 : vector<10000x128xf32>
    %get3A_32 = arith.constant 0 : index
    %get3A_33 = arith.constant 0 : index
    %get3A_34 = vector.load %arg6[%get3A_32, %get3A_33] : memref<1x128xf32, #tpu.memory_space<vmem>>, vector<1x128xf32>
    %add3A_35 = vector.broadcast %get3A_34 : vector<1x128xf32> to vector<10000x128xf32>
    %add3A_36 = arith.addf %add3A_31, %add3A_35 : vector<10000x128xf32>
    %get3A_37 = arith.constant 0 : index
    %get3A_38 = arith.constant 0 : index
    %get3A_39 = vector.load %arg7[%get3A_37, %get3A_38] : memref<1x128xf32, #tpu.memory_space<vmem>>, vector<1x128xf32>
    %get3A_40 = arith.constant 0 : index
    %get3A_41 = arith.constant 0 : index
    %get3A_42 = vector.load %arg8[%get3A_40, %get3A_41] : memref<1x128xf32, #tpu.memory_space<vmem>>, vector<1x128xf32>
    %reduce_sum3A = arith.constant dense<0.000000e+00> : vector<128xf32>
    %reduce_sum3A_43 = vector.multi_reduction <add>, %add3A_36, %reduce_sum3A [0] : vector<10000x128xf32> to vector<128xf32>
    %broadcast_in_dim3A = vector.shape_cast %reduce_sum3A_43 : vector<128xf32> to vector<1x128xf32>
    %div3A_44 = arith.constant 1.000000e+04 : f32
    %div3A_45 = vector.broadcast %div3A_44 : f32 to vector<1x128xf32>
    %div3A_46 = arith.divf %broadcast_in_dim3A, %div3A_45 : vector<1x128xf32>
    %sub3A = vector.broadcast %div3A_46 : vector<1x128xf32> to vector<10000x128xf32>
    %sub3A_47 = arith.subf %add3A_36, %sub3A : vector<10000x128xf32>
    %sub3A_48 = vector.broadcast %div3A_46 : vector<1x128xf32> to vector<10000x128xf32>
    %sub3A_49 = arith.subf %add3A_36, %sub3A_48 : vector<10000x128xf32>
    %mul3A = arith.mulf %sub3A_47, %sub3A_49 : vector<10000x128xf32>
    %reduce_sum3A_50 = arith.constant dense<0.000000e+00> : vector<128xf32>
    %reduce_sum3A_51 = vector.multi_reduction <add>, %mul3A, %reduce_sum3A_50 [0] : vector<10000x128xf32> to vector<128xf32>
    %broadcast_in_dim3A_52 = vector.shape_cast %reduce_sum3A_51 : vector<128xf32> to vector<1x128xf32>
    %div3A_53 = arith.constant 1.000000e+04 : f32
    %div3A_54 = vector.broadcast %div3A_53 : f32 to vector<1x128xf32>
    %div3A_55 = arith.divf %broadcast_in_dim3A_52, %div3A_54 : vector<1x128xf32>
    %sub3A_56 = vector.broadcast %div3A_46 : vector<1x128xf32> to vector<10000x128xf32>
    %sub3A_57 = arith.subf %add3A_36, %sub3A_56 : vector<10000x128xf32>
    %add3A_58 = arith.constant 9.99999974E-6 : f32
    %add3A_59 = vector.broadcast %add3A_58 : f32 to vector<1x128xf32>
    %add3A_60 = arith.addf %div3A_55, %add3A_59 : vector<1x128xf32>
    %rsqrt3A = math.rsqrt %add3A_60 : vector<1x128xf32>
    %mul3A_61 = vector.broadcast %rsqrt3A : vector<1x128xf32> to vector<10000x128xf32>
    %mul3A_62 = arith.mulf %sub3A_57, %mul3A_61 : vector<10000x128xf32>
    %mul3A_63 = vector.broadcast %get3A_39 : vector<1x128xf32> to vector<10000x128xf32>
    %mul3A_64 = arith.mulf %mul3A_62, %mul3A_63 : vector<10000x128xf32>
    %add3A_65 = vector.broadcast %get3A_42 : vector<1x128xf32> to vector<10000x128xf32>
    %add3A_66 = arith.addf %mul3A_64, %add3A_65 : vector<10000x128xf32>
    %get3A_67 = arith.constant 0 : index
    %get3A_68 = arith.constant 0 : index
    %get3A_69 = vector.load %arg9[%get3A_67, %get3A_68] : memref<128x128xf32, #tpu.memory_space<vmem>>, vector<128x128xf32>
    %dot_general3A_70 = arith.constant dense<0.000000e+00> : vector<10000x128xf32>
    %dot_general3A_71 = tpu.matmul %add3A_66, %get3A_69, %dot_general3A_70 {dimension_numbers = #tpu.dot_dimension_numbers<[1], [0], [0], [1], [0, 0, 1, 1], [], []>, transpose_lhs_hint = false} : vector<10000x128xf32>, vector<128x128xf32>, vector<10000x128xf32> -> vector<10000x128xf32>
    %get3A_72 = arith.constant 0 : index
    %get3A_73 = arith.constant 0 : index
    %get3A_74 = vector.load %arg10[%get3A_72, %get3A_73] : memref<1x128xf32, #tpu.memory_space<vmem>>, vector<1x128xf32>
    %add3A_75 = vector.broadcast %get3A_74 : vector<1x128xf32> to vector<10000x128xf32>
    %add3A_76 = arith.addf %dot_general3A_71, %add3A_75 : vector<10000x128xf32>
    %get3A_77 = arith.constant 0 : index
    %get3A_78 = arith.constant 0 : index
    %get3A_79 = vector.load %arg11[%get3A_77, %get3A_78] : memref<1x128xf32, #tpu.memory_space<vmem>>, vector<1x128xf32>
    %get3A_80 = arith.constant 0 : index
    %get3A_81 = arith.constant 0 : index
    %get3A_82 = vector.load %arg12[%get3A_80, %get3A_81] : memref<1x128xf32, #tpu.memory_space<vmem>>, vector<1x128xf32>
    %reduce_sum3A_83 = arith.constant dense<0.000000e+00> : vector<128xf32>
    %reduce_sum3A_84 = vector.multi_reduction <add>, %add3A_76, %reduce_sum3A_83 [0] : vector<10000x128xf32> to vector<128xf32>
    %broadcast_in_dim3A_85 = vector.shape_cast %reduce_sum3A_84 : vector<128xf32> to vector<1x128xf32>
    %div3A_86 = arith.constant 1.000000e+04 : f32
    %div3A_87 = vector.broadcast %div3A_86 : f32 to vector<1x128xf32>
    %div3A_88 = arith.divf %broadcast_in_dim3A_85, %div3A_87 : vector<1x128xf32>
    %sub3A_89 = vector.broadcast %div3A_88 : vector<1x128xf32> to vector<10000x128xf32>
    %sub3A_90 = arith.subf %add3A_76, %sub3A_89 : vector<10000x128xf32>
    %sub3A_91 = vector.broadcast %div3A_88 : vector<1x128xf32> to vector<10000x128xf32>
    %sub3A_92 = arith.subf %add3A_76, %sub3A_91 : vector<10000x128xf32>
    %mul3A_93 = arith.mulf %sub3A_90, %sub3A_92 : vector<10000x128xf32>
    %reduce_sum3A_94 = arith.constant dense<0.000000e+00> : vector<128xf32>
    %reduce_sum3A_95 = vector.multi_reduction <add>, %mul3A_93, %reduce_sum3A_94 [0] : vector<10000x128xf32> to vector<128xf32>
    %broadcast_in_dim3A_96 = vector.shape_cast %reduce_sum3A_95 : vector<128xf32> to vector<1x128xf32>
    %div3A_97 = arith.constant 1.000000e+04 : f32
    %div3A_98 = vector.broadcast %div3A_97 : f32 to vector<1x128xf32>
    %div3A_99 = arith.divf %broadcast_in_dim3A_96, %div3A_98 : vector<1x128xf32>
    %sub3A_100 = vector.broadcast %div3A_88 : vector<1x128xf32> to vector<10000x128xf32>
    %sub3A_101 = arith.subf %add3A_76, %sub3A_100 : vector<10000x128xf32>
    %add3A_102 = arith.constant 1.000000e-03 : f32
    %add3A_103 = vector.broadcast %add3A_102 : f32 to vector<1x128xf32>
    %add3A_104 = arith.addf %div3A_99, %add3A_103 : vector<1x128xf32>
    %rsqrt3A_105 = math.rsqrt %add3A_104 : vector<1x128xf32>
    %mul3A_106 = vector.broadcast %rsqrt3A_105 : vector<1x128xf32> to vector<10000x128xf32>
    %mul3A_107 = arith.mulf %sub3A_101, %mul3A_106 : vector<10000x128xf32>
    %mul3A_108 = vector.broadcast %get3A_79 : vector<1x128xf32> to vector<10000x128xf32>
    %mul3A_109 = arith.mulf %mul3A_107, %mul3A_108 : vector<10000x128xf32>
    %add3A_110 = vector.broadcast %get3A_82 : vector<1x128xf32> to vector<10000x128xf32>
    %add3A_111 = arith.addf %mul3A_109, %add3A_110 : vector<10000x128xf32>
    %max3A_112 = arith.constant 0.000000e+00 : f32
    %max3A_113 = vector.broadcast %max3A_112 : f32 to vector<10000x128xf32>
    %max3A_114 = arith.maximumf %add3A_111, %max3A_113 : vector<10000x128xf32>
    %get3A_115 = arith.constant 0 : index
    %get3A_116 = arith.constant 0 : index
    %get3A_117 = vector.load %arg13[%get3A_115, %get3A_116] : memref<128x128xf32, #tpu.memory_space<vmem>>, vector<128x128xf32>
    %dot_general3A_118 = arith.constant dense<0.000000e+00> : vector<10000x128xf32>
    %dot_general3A_119 = tpu.matmul %max3A_114, %get3A_117, %dot_general3A_118 {dimension_numbers = #tpu.dot_dimension_numbers<[1], [0], [0], [1], [0, 0, 1, 1], [], []>, transpose_lhs_hint = false} : vector<10000x128xf32>, vector<128x128xf32>, vector<10000x128xf32> -> vector<10000x128xf32>
    %get3A_120 = arith.constant 0 : index
    %get3A_121 = arith.constant 0 : index
    %get3A_122 = vector.load %arg14[%get3A_120, %get3A_121] : memref<1x128xf32, #tpu.memory_space<vmem>>, vector<1x128xf32>
    %add3A_123 = vector.broadcast %get3A_122 : vector<1x128xf32> to vector<10000x128xf32>
    %add3A_124 = arith.addf %dot_general3A_119, %add3A_123 : vector<10000x128xf32>
    %get3A_125 = arith.constant 0 : index
    %get3A_126 = arith.constant 0 : index
    %get3A_127 = vector.load %arg15[%get3A_125, %get3A_126] : memref<1x128xf32, #tpu.memory_space<vmem>>, vector<1x128xf32>
    %get3A_128 = arith.constant 0 : index
    %get3A_129 = arith.constant 0 : index
    %get3A_130 = vector.load %arg16[%get3A_128, %get3A_129] : memref<1x128xf32, #tpu.memory_space<vmem>>, vector<1x128xf32>
    %reduce_sum3A_131 = arith.constant dense<0.000000e+00> : vector<128xf32>
    %reduce_sum3A_132 = vector.multi_reduction <add>, %add3A_124, %reduce_sum3A_131 [0] : vector<10000x128xf32> to vector<128xf32>
    %broadcast_in_dim3A_133 = vector.shape_cast %reduce_sum3A_132 : vector<128xf32> to vector<1x128xf32>
    %div3A_134 = arith.constant 1.000000e+04 : f32
    %div3A_135 = vector.broadcast %div3A_134 : f32 to vector<1x128xf32>
    %div3A_136 = arith.divf %broadcast_in_dim3A_133, %div3A_135 : vector<1x128xf32>
    %sub3A_137 = vector.broadcast %div3A_136 : vector<1x128xf32> to vector<10000x128xf32>
    %sub3A_138 = arith.subf %add3A_124, %sub3A_137 : vector<10000x128xf32>
    %sub3A_139 = vector.broadcast %div3A_136 : vector<1x128xf32> to vector<10000x128xf32>
    %sub3A_140 = arith.subf %add3A_124, %sub3A_139 : vector<10000x128xf32>
    %mul3A_141 = arith.mulf %sub3A_138, %sub3A_140 : vector<10000x128xf32>
    %reduce_sum3A_142 = arith.constant dense<0.000000e+00> : vector<128xf32>
    %reduce_sum3A_143 = vector.multi_reduction <add>, %mul3A_141, %reduce_sum3A_142 [0] : vector<10000x128xf32> to vector<128xf32>
    %broadcast_in_dim3A_144 = vector.shape_cast %reduce_sum3A_143 : vector<128xf32> to vector<1x128xf32>
    %div3A_145 = arith.constant 1.000000e+04 : f32
    %div3A_146 = vector.broadcast %div3A_145 : f32 to vector<1x128xf32>
    %div3A_147 = arith.divf %broadcast_in_dim3A_144, %div3A_146 : vector<1x128xf32>
    %sub3A_148 = vector.broadcast %div3A_136 : vector<1x128xf32> to vector<10000x128xf32>
    %sub3A_149 = arith.subf %add3A_124, %sub3A_148 : vector<10000x128xf32>
    %add3A_150 = arith.constant 1.000000e-03 : f32
    %add3A_151 = vector.broadcast %add3A_150 : f32 to vector<1x128xf32>
    %add3A_152 = arith.addf %div3A_147, %add3A_151 : vector<1x128xf32>
    %rsqrt3A_153 = math.rsqrt %add3A_152 : vector<1x128xf32>
    %mul3A_154 = vector.broadcast %rsqrt3A_153 : vector<1x128xf32> to vector<10000x128xf32>
    %mul3A_155 = arith.mulf %sub3A_149, %mul3A_154 : vector<10000x128xf32>
    %mul3A_156 = vector.broadcast %get3A_127 : vector<1x128xf32> to vector<10000x128xf32>
    %mul3A_157 = arith.mulf %mul3A_155, %mul3A_156 : vector<10000x128xf32>
    %add3A_158 = vector.broadcast %get3A_130 : vector<1x128xf32> to vector<10000x128xf32>
    %add3A_159 = arith.addf %mul3A_157, %add3A_158 : vector<10000x128xf32>
    %max3A_160 = arith.constant 0.000000e+00 : f32
    %max3A_161 = vector.broadcast %max3A_160 : f32 to vector<10000x128xf32>
    %max3A_162 = arith.maximumf %add3A_159, %max3A_161 : vector<10000x128xf32>
    %get3A_163 = arith.constant 0 : index
    %get3A_164 = arith.constant 0 : index
    %get3A_165 = vector.load %arg17[%get3A_163, %get3A_164] : memref<128x128xf32, #tpu.memory_space<vmem>>, vector<128x128xf32>
    %dot_general3A_166 = arith.constant dense<0.000000e+00> : vector<10000x128xf32>
    %dot_general3A_167 = tpu.matmul %max3A_162, %get3A_165, %dot_general3A_166 {dimension_numbers = #tpu.dot_dimension_numbers<[1], [0], [0], [1], [0, 0, 1, 1], [], []>, transpose_lhs_hint = false} : vector<10000x128xf32>, vector<128x128xf32>, vector<10000x128xf32> -> vector<10000x128xf32>
    %get3A_168 = arith.constant 0 : index
    %get3A_169 = arith.constant 0 : index
    %get3A_170 = vector.load %arg18[%get3A_168, %get3A_169] : memref<1x128xf32, #tpu.memory_space<vmem>>, vector<1x128xf32>
    %add3A_171 = vector.broadcast %get3A_170 : vector<1x128xf32> to vector<10000x128xf32>
    %add3A_172 = arith.addf %dot_general3A_167, %add3A_171 : vector<10000x128xf32>
    %swap3A = arith.constant 0 : index
    %swap3A_173 = arith.constant 0 : index
    %swap3A_174 = vector.load %arg19[%swap3A, %swap3A_173] : memref<10000x128xf32, #tpu.memory_space<vmem>>, vector<10000x128xf32>
    tpu.vector_store %arg19[%swap3A, %swap3A_173], %add3A_172 {strides = array<i32>} : memref<10000x128xf32, #tpu.memory_space<vmem>>, vector<10000x128xf32>,
    return
  }
}

</mosaic_0001>

<sc_bundles>
// kernel: kernel.12.cloned.1.call-start
scs
__scs_entry_jumppad:
0x0: {  	(pc) =	sbr.rel $0x88, $3  }
0x1: {  	(tag) =	ssettag $0x0;
	lr =	simm.s32 $0x1  }
0x2: {  	[smem:$0x3F86] =	sst lr;
	_ =	strace $0xD0000000  }
0x3: {  	_ = 	snop  }
0x4: {  	_ = 	snop  }
0x5: {  	_ = 	snop  }
0x6: {  	_ = 	snop  }
0x7: {  	_ = 	snop  }
__scs_overlays_trampoline_lowered:
0x8: {  	[smem:$0x3F95] =	sst s0  }
0x9: {  	[smem:$0x3F96] =	sst s1  }
0xa: {  	[smem:$0x3F97] =	sst s2  }
0xb: {  	[smem:$0x3F98] =	sst s3  }
0xc: {  	[smem:$0x3F99] =	sst s4  }
0xd: {  	[smem:$0x3F9A] =	sst s5  }
0xe: {  	[smem:$0x3F9B] =	sst s6  }
0xf: {  	[smem:$0x3F9C] =	sst s7  }
0x10: {  	[smem:$0x3F9D] =	sst s8  }
0x11: {  	[smem:$0x3F9E] =	sst s9;
	s0 =	simm.s32 @!p0 $0x0  }
0x12: {  	s1 =	sld [smem:$0x3F84];
	s0 =	simm.s32 @p0 $0x1  }
0x13: {  	[smem:$0x3F9F] =	sst s0;
	s0 =	simm.s32 @!p1 $0x0  }
0x14: {  	s2 =	sld [smem:$0x3F83];
	s0 =	simm.s32 @p1 $0x1  }
0x15: {  	[smem:$0x3FA0] =	sst s0;
	s0 =	simm.s32 @!p2 $0x0  }
0x16: {  	s3 =	sld [smem:$0x3FDB];
	s0 =	simm.s32 @p2 $0x1  }
0x17: {  	s4 =	simm.s32 $0x1BF5;
	[smem:$0x3FA2] =	sst s0  }
0x18: {  	s0 =	sld [smem:$0x3F85];
	_ =	swait.ge [sflag:s4], $0x0  }
0x19: {  	s7 =	sld [smem:$0x3F86]  }
0x1a: {  	s8 =	sadd.s32 $0xFFFFE003, lr  }
0x1b: {  	s9 =	sadd.s32 $0xFFFFFEF7, lr;
	s5 =	simm.s32 $0xFFFFFFFF;
	p2 =	slt.u32 s8, $0xFFFFF086  }
0x1c: {  	p1 =	slt.u32 s9, $0xF7A;
	s5 =	simm.s32 @!p2 $0x0  }
0x1d: {  	s5 =	simm.s32 @p1 $0x1;
	p0 =	seq.s32 s7, s2  }
0x1e: {  	s7 =	smul.u32 @!p0 $0xF7A, s2;
	p2 =	seq.s32 @!p0 s5, $0x0  }
0x1f: {  	s9 =	smul.u32 $0xF7A, s1;
	s8 =	simm.s32 @!p0 $0x1BF5;
	p2 =	por !p2, p0  }
0x20: {  	[sflag:s8] =	ssyncset.s32 @!p0 $0xFFFFF086;
	s6 =	sadd.s32 @!p0 s3, s7;
	s7 =	simm.s32 @!p0 $0x108  }
0x21: {  	s3 =	sadd.s32 s3, s9;
	s6 =	sadd.s32 @!p0 $0x88, s6;
	s7 =	simm.s32 @p2 $0x1082  }
0x22: {  	[simem:s7], [sflag:s8] =	dma.local @!p0 [hbm:s6], $0xF7A  }
0x23: {  	s9 =	sor.u32 $0xD0000000, s2;
	s6 =	simm.s32 $0x108;
	_ =	swait.ge @!p0 [sflag:s8], $0x0  }
0x24: {  	s3 =	sadd.s32 $0x88, s3;
	s6 =	simm.s32 @!p1 $0x1082;
	[sflag:s4] =	ssyncset.s32 $0xFFFFF086  }
0x25: {  	[simem:s6], [sflag:s4] =	dma.local [hbm:s3], $0xF7A  }
0x26: {  	[smem:$0x3F86] =	sst s1;
	(tag) =	ssettag s2;
	_ =	strace s9  }
0x27: {  	s1 =	sld [smem:$0x3F96]  }
0x28: {  	s2 =	sld [smem:$0x3F97]  }
0x29: {  	s4 =	sld [smem:$0x3F99]  }
0x2a: {  	p0 =	seq.s32 s5, $0x0;
	s5 =	sld [smem:$0x3F9A]  }
0x2b: {  	s6 =	sld [smem:$0x3F9B]  }
0x2c: {  	s7 =	sld [smem:$0x3F9C]  }
0x2d: {  	s3 =	simm.s32 $0x108;
	s8 =	sld [smem:$0x3F9D]  }
0x2e: {  	s3 =	simm.s32 @!p0 $0x1082;
	s9 =	sld [smem:$0x3F9E]  }
0x2f: {  	lr =	sadd.s32 s0, s3;
	s0 =	sld [smem:$0x3F95]  }
0x30: {  	s3 =	sld [smem:$0x3F98]  }
0x31: {  	[smem:$0x3FA1] =	sst s10  }
0x32: {  	s10 =	sld [smem:$0x3F9F];
	_ =	sdelay $0x3  }
0x33: {  	p0 =	seq.s32 s10, $0x1;
	s10 =	sld [smem:$0x3FA1];
	_ =	sdelay $0x3  }
0x34: {  	[smem:$0x3FA1] =	sst s10  }
0x35: {  	s10 =	sld [smem:$0x3FA0];
	_ =	sdelay $0x3  }
0x36: {  	p1 =	seq.s32 s10, $0x1;
	s10 =	sld [smem:$0x3FA1];
	_ =	sdelay $0x3  }
0x37: {  	[smem:$0x3FA1] =	sst s10  }
0x38: {  	s10 =	sld [smem:$0x3FA2]  }
0x39: {  	_ = 	snop;
	(pc) =	sbr.ind lr, $3  }
0x3a: {  	_ = 	snop  }
0x3b: {  	_ = 	snop  }
0x3c: {  	p2 =	seq.s32 s10, $0x1;
	s10 =	sld [smem:$0x3FA1]  }
0x3d: {  	_ =	shalt  }
0x3e: {  	_ =	shalt  }
0x3f: {  	_ =	shalt  }
0x40: {  	_ =	shalt  }
0x41: {  	_ =	shalt  }
0x42: {  	_ =	shalt  }
0x43: {  	_ =	shalt  }
0x44: {  	_ =	shalt  }
0x45: {  	_ =	shalt  }
0x46: {  	_ =	shalt  }
0x47: {  	_ =	shalt  }
0x48: {  	_ =	shalt  }
0x49: {  	_ =	shalt  }
0x4a: {  	_ =	shalt  }
0x4b: {  	_ =	shalt  }
0x4c: {  	_ =	shalt  }
0x4d: {  	_ =	shalt  }
0x4e: {  	_ =	shalt  }
0x4f: {  	_ =	shalt  }
0x50: {  	_ =	shalt  }
0x51: {  	_ =	shalt  }
0x52: {  	_ =	shalt  }
0x53: {  	_ =	shalt  }
0x54: {  	_ =	shalt  }
0x55: {  	_ =	shalt  }
0x56: {  	_ =	shalt  }
0x57: {  	_ =	shalt  }
0x58: {  	_ =	shalt  }
0x59: {  	_ =	shalt  }
0x5a: {  	_ =	shalt  }
0x5b: {  	_ =	shalt  }
0x5c: {  	_ =	shalt  }
0x5d: {  	_ =	shalt  }
0x5e: {  	_ =	shalt  }
0x5f: {  	_ =	shalt  }
0x60: {  	_ =	shalt  }
0x61: {  	_ =	shalt  }
0x62: {  	_ =	shalt  }
0x63: {  	_ =	shalt  }
0x64: {  	_ =	shalt  }
0x65: {  	_ =	shalt  }
0x66: {  	_ =	shalt  }
0x67: {  	_ =	shalt  }
0x68: {  	_ =	shalt  }
0x69: {  	_ =	shalt  }
0x6a: {  	_ =	shalt  }
0x6b: {  	_ =	shalt  }
0x6c: {  	_ =	shalt  }
0x6d: {  	_ =	shalt  }
0x6e: {  	_ =	shalt  }
0x6f: {  	_ =	shalt  }
0x70: {  	_ =	shalt  }
0x71: {  	_ =	shalt  }
0x72: {  	_ =	shalt  }
0x73: {  	_ =	shalt  }
0x74: {  	_ =	shalt  }
0x75: {  	_ =	shalt  }
0x76: {  	_ =	shalt  }
0x77: {  	_ =	shalt  }
0x78: {  	_ =	shalt  }
0x79: {  	_ =	shalt  }
0x7a: {  	_ =	shalt  }
0x7b: {  	_ =	shalt  }
0x7c: {  	_ =	shalt  }
0x7d: {  	_ =	shalt  }
0x7e: {  	_ =	shalt  }
0x7f: {  	_ =	shalt  }
0x80: {  	_ =	shalt  }
0x81: {  	_ =	shalt  }
0x82: {  	_ =	shalt  }
0x83: {  	_ =	shalt  }
0x84: {  	_ =	shalt  }
0x85: {  	_ =	shalt  }
0x86: {  	_ =	shalt  }
0x87: {  	_ =	shalt  }
.Lfunc_end0:
.L_simem_size_0:
called_computation.1_lowered:
.L_overlay_start_0:
0x88: {  	s2 =	sld [smem:$0x3FD9]  }
0x89: {  	s3 =	sld [smem:$0x3FFE];
	_ =	sdelay $0x1  }
0x8a: {  	s1 =	srdreg.scid  }
0x8b: {  	s0 =	sand.u32 $0x1, s1  }
0x8c: {  	s17 =	sshll.u32 s0, $0xA;
	s2 =	sadd.s32 s3, s2  }
0x8d: {  	s2 =	sadd.s32 s2, s17  }
0x8e: {  	[smem:$0x3FAD] =	sst s2  }
0x8f: {  	_ = 	snop  }
0x90: {  	s18 =	sld [smem:$0x3FC9];
	(tm) =	ssettm $0x1  }
0x91: {  	s19 =	sld [smem:$0x3FFB];
	_ =	sdelay $0x3  }
0x92: {  	_ =	strace s19  }
0x93: {  	s2 =	sld [smem:$0x3FFC];
	_ =	sdelay $0x3  }
0x94: {  	_ =	strace s2  }
0x95: {  	s2 =	sld [smem:$0x3FFD];
	_ =	sdelay $0x3  }
0x96: {  	_ =	strace s2  }
0x97: {  	_ =	strace $0x8FFFFFFF  }
0x98: {  	s20 =	sld [smem:$0x3FDB];
	_ =	sdelay $0x1  }
0x99: {  	s4 =	simm.s32 $_scs_section_size  }
0x9a: {  	s5 =	simm.s32 $_size__tile_overlayer_lowered;
	s6 =	simm.s32 $_tile_overlayer_lowered  }
0x9b: {  	s7 =	simm.s32 $0x1BFF;
	s21 =	sshll.u32 s6, $0x1;
	s4 =	sadd.s32 s4, s20  }
0x9c: {  	s22 =	simm.s32 $0x0;
	s5 =	sshll.u32 s5, $0x1;
	s6 =	sadd.s32 s21, s4  }
0x9d: {  	[timem:s22], [sflag:s7] =	dma.local [hbm:s6], s5  }
0x9e: {  	_ =	swait.ge [sflag:s7], s5  }
0x9f: {  	s5 =	ssub.s32 $0x0, s5;
	[sflag:s7] =	ssyncset.done $0x0  }
0xa0: {  	[sflag:s7] =	ssyncadd.s32 s5;
	_ =	sdelay $0x1  }
0xa1: {  	s23 =	simm.s32 $0x1B8B  }
0xa2: {  	_ =	swait.ge [sflag:s23], $0x1  }
0xa3: {  	[sflag:s23] =	ssyncset.done $0x0  }
0xa4: {  	[sflag:s23] =	ssyncadd.s32 $0xFFFFFFFF  }
0xa5: {  	s5 =	sld [smem:$0x0]  }
0xa6: {  	s6 =	sand.u32 $0xFFFFFFFE, s1  }
0xa7: {  	p0 =	sne.s32 s1, s6  }
0xa8: {  	s6 =	sshll.u32 @p0 s6, $0xE  }
0xa9: {  	s6 =	sadd.s32 @p0 $0x11B8D, s6;
	s7 =	sshll.u32 @p0 s5, $0x11  }
0xaa: {  	s6 =	sor.u32 @p0 s7, s6  }
0xab: {  	[sflag:s6] =	ssyncadd.remote.s32 @p0 $0x1;
	_ =	sdelay $0x1  }
0xac: {  	s6 =	simm.s32 @p0 $0x1B8D  }
0xad: {  	_ =	swait.eq @p0 [sflag:s6], $0x1  }
0xae: {  	[sflag:s6] =	ssyncadd.s32 @p0 $0xFFFFFFFF  }
0xaf: {  	s7 =	sshll.u32 @!p0 s1, $0xE  }
0xb0: {  	s7 =	sor.u32 @!p0 $0x4000, s7;
	s6 =	simm.s32 @!p0 $0x1B8D  }
0xb1: {  	s5 =	sshll.u32 @!p0 s5, $0x11;
	s7 =	sadd.s32 @!p0 $0x11B8D, s7;
	_ =	swait.eq @!p0 [sflag:s6], $0x1  }
0xb2: {  	s5 =	sor.u32 @!p0 s5, s7;
	[sflag:s6] =	ssyncadd.s32 @!p0 $0xFFFFFFFF  }
0xb3: {  	s25 =	simm.s32 $0x1B8E;
	s24 =	sld [smem:$0x3FFE];
	[sflag:s5] =	ssyncadd.remote.s32 @!p0 $0x1  }
0xb4: {  	s26 =	simm.s32 $execute0_lowered;
	[smem:$0x3FD2] =	sst s25  }
0xb5: {  	s6 =	sshll.u32 s26, $0x1;
	_ =	strace $0x80000049;
	[dreg:$0x1] =	wrdreg $0xFFFFFFFF  }
0xb6: {  	s28 =	simm.s32 $_size_execute0_lowered;
	s4 =	sadd.s32 s4, s6;
	[dreg:$0x0] =	wrdreg $0x0  }
0xb7: {  	s6 =	sshll.u32 s28, $0x1;
	[dreg:$0x2] =	wrdreg s4  }
0xb8: {  	[dreg:$0x3] =	wrdreg s6  }
0xb9: {  	[dreg:$0x4] =	wrdreg $0xC0  }
0xba: {  	_ =	task [dreg:s22], $0x5FFFF  }
0xbb: {  	[dreg:$0x1] =	wrdreg $0xFFFFFFFF  }
0xbc: {  	[dreg:$0x0] =	wrdreg $0x60  }
0xbd: {  	[dreg:$0x2] =	wrdreg s18  }
0xbe: {  	[dreg:$0x3] =	wrdreg s24  }
0xbf: {  	[dreg:$0x4] =	wrdreg $0xA8000  }
0xc0: {  	[dreg:$0x5] =	wrdreg $0xA  }
0xc1: {  	_ =	task.clear_ibuf [dreg:s22], $0x6FFFF;
	_ =	strace $0x90000049  }
0xc2: {  	s29 =	simm.s32 $0xA;
	_ =	strace $0x8000004B  }
0xc3: {  	_ =	swait.ge [sflag:s29], $0x1  }
0xc4: {  	[sflag:s29] =	ssyncadd.s32 $0xFFFFFFFF  }
0xc5: {  	_ =	strace $0x9000004B  }
0xc6: {  	_ =	sfence  }
0xc7: {  	s30 =	sld [smem:$0x0];
	_ =	sdelay $0x2  }
0xc8: {  	s31 =	sshll.u32 s1, $0xD;
	s1 =	sshrl.u32 s1, $0x2  }
0xc9: {  	s4 =	sand.u32 $0x4000, s31;
	s1 =	sadd.s32 s1, s30  }
0xca: {  	s0 =	sor.u32 s4, s0;
	s1 =	sshll.u32 s1, $0x11  }
0xcb: {  	s0 =	sor.u32 s1, s0  }
0xcc: {  	s0 =	sadd.s32 $0x8F2B, s0  }
0xcd: {  	[sflag:s0] =	ssyncadd.remote.s32 $0x1  }
0xce: {  	_ =	sfence.sel $0xFFFF  }
0xcf: {  	[dreg:$0x0] =	wrdreg $0xFFFFFFFF;
	(pc) =	sbr.abs _section_cstart, $3  }
0xd0: {  	[dreg:$0x1] =	wrdreg $0xFFFFFFFF  }
0xd1: {  	_ =	task.clear_ibuf [dreg:s22], $0x2FFFF;
	_ =	strace $0x9FFFFFFF  }
0xd2: {  	(tm) =	ssettm $0x7FFFFFFF  }
0xd3: {  	_ =	shalt  }
tec
execute0_lowered:
.L_overlay_start_1:
0x0: {  	(tag) =	ssettag $0x1  }
0x1: {  	s2 =	rddreg [dreg:$0x0]  }
0x2: {  	s6 =	rddreg [dreg:$0x1]  }
0x3: {  	s3 =	rddreg [dreg:$0x2]  }
0x4: {  	s0 =	rddreg [dreg:$0x3];
	s1 =	stileid.u32  }
0x5: {  	s5 =	srdreg.scid;
	s4 =	simm.s32 $0x0;
	s16 =	simm.s32 $0x80  }
0x6: {  	s17 =	simm.s32 $0x2800;
	s18 =	simm.s32 $0x3;
	s19 =	simm.s32 $0x6800  }
0x7: {  	s20 =	simm.s32 $0x1480;
	s21 =	simm.s32 $0x1;
	s7 =	smul.u32 $0xA00, s1  }
0x8: {  	s22 =	simm.s32 $0x2;
	s9 =	sand.u32 $0x1, s5;
	s29 =	smul.u32 $0x50000, s1  }
0x9: {  	[smem:$0x7FF] =	sst s4;
	s5 =	sadd.s32 $0x18E00, s6;
	s24 =	smul.u32 $0x2800, s1  }
0xa: {  	s12 =	sshll.u32 s1, $0x6;
	s8 =	smul.u32 $0x28000, s9;
	_ =	strace $0x8000004A  }
0xb: {  	s30 =	ssub.s32 $0x2, s9;
	s15 =	smul.u32 $0x500, s9;
	s10 =	sadd.s32 s7, s6  }
0xc: {  	s31 =	sshrl.u32 s30, $0x1;
	s7 =	sshrl.u32 s29, $0x2;
	s11 =	sadd.s32 s8, s6  }
0xd: {  	s13 =	ssub.s32 s30, s31;
	s14 =	sadd.s32 s7, s3;
	s6 =	sor.u32 $0x1C04, s12  }
0xe: {  	s7 =	sadd.s32 $0x4E00, s10;
	s8 =	sadd.s32 $0xEE00, s10;
	s10 =	sadd.s32 $0x280, s15  }
0xf: {  	s12 =	simm.s32 $0x4;
	s23 =	sadd.s32 $0x6B600, s11;
	s9 =	smax.u32 s13, $0x1  }
0x10: {  	s11 =	sshrl.u32 s14, $0x3;
	s13 =	sadd.s32 s15, s7;
	s14 =	sadd.s32 s15, s8  }
0x11: {  	s15 =	simm.s32 $0x1400;
	s23 =	sadd.s32 s24, s23;
	s24 =	simm.s32 $0x0  }
.LBB2_1:
0x12: {  	[spmem:s11], [sflag:s6] =	dma.local [hbm:s5], $0x2800  }
0x13: {  	_ =	swait.ge [sflag:s12], $0x2800  }
0x14: {  	[sflag:s12] =	ssyncset.done $0x0  }
0x15: {  	[sflag:s12] =	ssyncadd.s32 $0xFFFFD800  }
0x16: {  	[bflag:$0x0] =	sbarrier.arrive $0xFFFF  }
0x17: {  	[tilespmem:s4], [sflag:$0x4] =	stream.linear.gather [hbm4b:s13+s4], $0x1400, $0x38;
	[tilespmem:$0x1E800] =	vst v63  }
0x18: {  	_ =	swait.ge [sflag:s12], $0x1400  }
0x19: {  	[sflag:s12] =	ssyncset.done $0x0  }
0x1a: {  	[sflag:s12] =	ssyncadd.s32 $0xFFFFEC00  }
0x1b: {  	[tilespmem:s15], [sflag:$0x4] =	stream.linear.gather [hbm4b:s14+s4], $0x1400, $0x38;
	[tilespmem:$0x1E800] =	vst v63  }
0x1c: {  	_ =	swait.ge [sflag:s12], $0x1400  }
0x1d: {  	[sflag:s12] =	ssyncset.done $0x0  }
0x1e: {  	[sflag:s12] =	ssyncadd.s32 $0xFFFFEC00  }
0x1f: {  	[tilespmem:s17], [sflag:$0x3] =	stream.indirect.gather [hbm4b:s2+s16], $0x80, s4, s16, $0xb8;
	[tilespmem:$0x1E800] =	vst v63  }
0x20: {  	_ =	swait.ge [sflag:s18], $0x4000  }
0x21: {  	[sflag:s18] =	ssyncset.done $0x0  }
0x22: {  	[sflag:s18] =	ssyncadd.s32 $0xFFFFC000  }
0x23: {  	[spmem:s3] =	stream.indirect.scatter.add.f32 [tilespmem:s17], [sflag:$0x1], $0x80, s15, s16, $0xb8;
	[tilespmem:$0x1E800] =	vst v63  }
0x24: {  	_ = 	snop  }
0x25: {  	[tilespmem:s19], [sflag:$0x3] =	stream.indirect.gather [hbm4b:s2+s16], $0x80, s16, s16, $0xb8;
	[tilespmem:$0x1E800] =	vst v63  }
0x26: {  	_ =	swait.ge [sflag:s18], $0x4000  }
0x27: {  	[sflag:s18] =	ssyncset.done $0x0  }
0x28: {  	[sflag:s18] =	ssyncadd.s32 $0xFFFFC000  }
0x29: {  	[spmem:s3] =	stream.indirect.scatter.add.f32 [tilespmem:s19], [sflag:$0x2], $0x80, s20, s16, $0xb8;
	[tilespmem:$0x1E800] =	vst v63  }
0x2a: {  	_ =	swait.ge [sflag:s21], $0x4000  }
0x2b: {  	[sflag:s21] =	ssyncset.done $0x0  }
0x2c: {  	s25 =	simm.s32 $0x100;
	[sflag:s21] =	ssyncadd.s32 $0xFFFFC000  }
0x2d: {  	[tilespmem:s17], [sflag:$0x3] =	stream.indirect.gather [hbm4b:s2+s16], $0x80, s25, s16, $0xb8;
	[tilespmem:$0x1E800] =	vst v63  }
0x2e: {  	_ =	swait.ge [sflag:s18], $0x4000  }
0x2f: {  	[sflag:s18] =	ssyncset.done $0x0  }
0x30: {  	s30 =	simm.s32 $0x1500;
	[sflag:s18] =	ssyncadd.s32 $0xFFFFC000  }
0x31: {  	[spmem:s3] =	stream.indirect.scatter.add.f32 [tilespmem:s17], [sflag:$0x1], $0x80, s30, s16, $0xb8;
	[tilespmem:$0x1E800] =	vst v63  }
0x32: {  	_ =	swait.ge [sflag:s22], $0x4000  }
0x33: {  	[sflag:s22] =	ssyncset.done $0x0  }
0x34: {  	s31 =	simm.s32 $0x180;
	[sflag:s22] =	ssyncadd.s32 $0xFFFFC000  }
0x35: {  	[tilespmem:s19], [sflag:$0x3] =	stream.indirect.gather [hbm4b:s2+s16], $0x80, s31, s16, $0xb8;
	[tilespmem:$0x1E800] =	vst v63  }
0x36: {  	_ =	swait.ge [sflag:s18], $0x4000  }
0x37: {  	[sflag:s18] =	ssyncset.done $0x0  }
0x38: {  	s26 =	simm.s32 $0x1580;
	s25 =	simm.s32 $0xFFFFB800;
	[sflag:s18] =	ssyncadd.s32 $0xFFFFC000  }
.LBB2_2:
0x39: {  	[spmem:s3] =	stream.indirect.scatter.add.f32 [tilespmem:s19], [sflag:$0x2], $0x80, s26, s16, $0xb8;
	[tilespmem:$0x1E800] =	vst v63  }
0x3a: {  	s26 =	smov.u32 s25  }
0x3b: {  	p0 =	sne.s32 s25, $0xFFFFFC00;
	s25 =	sadd.s32 $0x400, s25;
	_ =	swait.ge [sflag:s21], $0x4000  }
0x3c: {  	s26 =	sshra.s32 s26, $0x2;
	[sflag:s21] =	ssyncset.done $0x0  }
0x3d: {  	s28 =	sadd.s32 $0x1400, s26;
	[sflag:s21] =	ssyncadd.s32 $0xFFFFC000  }
0x3e: {  	[tilespmem:s17], [sflag:$0x3] =	stream.indirect.gather [hbm4b:s2+s16], $0x80, s28, s16, $0xb8;
	[tilespmem:$0x1E800] =	vst v63  }
0x3f: {  	_ =	swait.ge [sflag:s18], $0x4000  }
0x40: {  	[sflag:s18] =	ssyncset.done $0x0  }
0x41: {  	s28 =	sadd.s32 $0x2800, s26;
	[sflag:s18] =	ssyncadd.s32 $0xFFFFC000  }
0x42: {  	[spmem:s3] =	stream.indirect.scatter.add.f32 [tilespmem:s17], [sflag:$0x1], $0x80, s28, s16, $0xb8;
	[tilespmem:$0x1E800] =	vst v63  }
0x43: {  	_ =	swait.ge [sflag:s22], $0x4000  }
0x44: {  	[sflag:s22] =	ssyncset.done $0x0  }
.Ltmp0:
0x45: {  	s28 =	sadd.s32 $0x1480, s26;
	[sflag:s22] =	ssyncadd.s32 $0xFFFFC000;
	(pc) =	sbr.rel @p0 .LBB2_2-.Ltmp0, $4  }
0x46: {  	[tilespmem:s19], [sflag:$0x3] =	stream.indirect.gather [hbm4b:s2+s16], $0x80, s28, s16, $0xb8;
	[tilespmem:$0x1E800] =	vst v63  }
0x47: {  	_ =	swait.ge [sflag:s18], $0x4000  }
0x48: {  	[sflag:s18] =	ssyncset.done $0x0  }
0x49: {  	s26 =	sadd.s32 $0x2880, s26;
	[sflag:s18] =	ssyncadd.s32 $0xFFFFC000  }
0x4a: {  	[spmem:s3] =	stream.indirect.scatter.add.f32 [tilespmem:s19], [sflag:$0x2], $0x80, s26, s16, $0xb8;
	[tilespmem:$0x1E800] =	vst v63  }
0x4b: {  	_ =	swait.ge [sflag:s21], $0x4000  }
0x4c: {  	[sflag:s21] =	ssyncset.done $0x0  }
0x4d: {  	[sflag:s21] =	ssyncadd.s32 $0xFFFFC000  }
0x4e: {  	_ =	swait.ge [sflag:s22], $0x4000  }
0x4f: {  	[sflag:s22] =	ssyncset.done $0x0  }
0x50: {  	s25 =	sadd.s32 s10, s7;
	[sflag:s22] =	ssyncadd.s32 $0xFFFFC000  }
0x51: {  	[tilespmem:s4], [sflag:$0x4] =	stream.linear.gather [hbm4b:s25+s4], $0x1400, $0x38;
	[tilespmem:$0x1E800] =	vst v63  }
0x52: {  	_ =	swait.ge [sflag:s12], $0x1400  }
0x53: {  	[sflag:s12] =	ssyncset.done $0x0  }
0x54: {  	s28 =	sadd.s32 s10, s8;
	[sflag:s12] =	ssyncadd.s32 $0xFFFFEC00  }
0x55: {  	[tilespmem:s15], [sflag:$0x4] =	stream.linear.gather [hbm4b:s28+s4], $0x1400, $0x38;
	[tilespmem:$0x1E800] =	vst v63  }
0x56: {  	_ =	swait.ge [sflag:s12], $0x1400  }
0x57: {  	[sflag:s12] =	ssyncset.done $0x0  }
0x58: {  	[sflag:s12] =	ssyncadd.s32 $0xFFFFEC00  }
0x59: {  	[tilespmem:s17], [sflag:$0x3] =	stream.indirect.gather [hbm4b:s2+s16], $0x80, s4, s16, $0xb8;
	[tilespmem:$0x1E800] =	vst v63  }
0x5a: {  	_ =	swait.ge [sflag:s18], $0x4000  }
0x5b: {  	[sflag:s18] =	ssyncset.done $0x0  }
0x5c: {  	[sflag:s18] =	ssyncadd.s32 $0xFFFFC000  }
0x5d: {  	[spmem:s3] =	stream.indirect.scatter.add.f32 [tilespmem:s17], [sflag:$0x1], $0x80, s15, s16, $0xb8;
	[tilespmem:$0x1E800] =	vst v63  }
0x5e: {  	_ = 	snop  }
0x5f: {  	[tilespmem:s19], [sflag:$0x3] =	stream.indirect.gather [hbm4b:s2+s16], $0x80, s16, s16, $0xb8;
	[tilespmem:$0x1E800] =	vst v63  }
0x60: {  	_ =	swait.ge [sflag:s18], $0x4000  }
0x61: {  	[sflag:s18] =	ssyncset.done $0x0  }
0x62: {  	[sflag:s18] =	ssyncadd.s32 $0xFFFFC000  }
0x63: {  	[spmem:s3] =	stream.indirect.scatter.add.f32 [tilespmem:s19], [sflag:$0x2], $0x80, s20, s16, $0xb8;
	[tilespmem:$0x1E800] =	vst v63  }
0x64: {  	_ =	swait.ge [sflag:s21], $0x4000  }
0x65: {  	[sflag:s21] =	ssyncset.done $0x0  }
0x66: {  	s29 =	simm.s32 $0x100;
	[sflag:s21] =	ssyncadd.s32 $0xFFFFC000  }
0x67: {  	[tilespmem:s17], [sflag:$0x3] =	stream.indirect.gather [hbm4b:s2+s16], $0x80, s29, s16, $0xb8;
	[tilespmem:$0x1E800] =	vst v63  }
0x68: {  	_ =	swait.ge [sflag:s18], $0x4000  }
0x69: {  	[sflag:s18] =	ssyncset.done $0x0  }
0x6a: {  	s30 =	simm.s32 $0x1500;
	[sflag:s18] =	ssyncadd.s32 $0xFFFFC000  }
0x6b: {  	[spmem:s3] =	stream.indirect.scatter.add.f32 [tilespmem:s17], [sflag:$0x1], $0x80, s30, s16, $0xb8;
	[tilespmem:$0x1E800] =	vst v63  }
0x6c: {  	_ =	swait.ge [sflag:s22], $0x4000  }
0x6d: {  	[sflag:s22] =	ssyncset.done $0x0  }
0x6e: {  	s31 =	simm.s32 $0x180;
	[sflag:s22] =	ssyncadd.s32 $0xFFFFC000  }
0x6f: {  	[tilespmem:s19], [sflag:$0x3] =	stream.indirect.gather [hbm4b:s2+s16], $0x80, s31, s16, $0xb8;
	[tilespmem:$0x1E800] =	vst v63  }
0x70: {  	_ =	swait.ge [sflag:s18], $0x4000  }
0x71: {  	[sflag:s18] =	ssyncset.done $0x0  }
0x72: {  	s26 =	simm.s32 $0x1580;
	s25 =	simm.s32 $0xFFFFB800;
	[sflag:s18] =	ssyncadd.s32 $0xFFFFC000  }
.LBB2_4:
0x73: {  	[spmem:s3] =	stream.indirect.scatter.add.f32 [tilespmem:s19], [sflag:$0x2], $0x80, s26, s16, $0xb8;
	[tilespmem:$0x1E800] =	vst v63  }
0x74: {  	s26 =	smov.u32 s25  }
0x75: {  	p0 =	sne.s32 s25, $0xFFFFFC00;
	s25 =	sadd.s32 $0x400, s25;
	_ =	swait.ge [sflag:s21], $0x4000  }
0x76: {  	s26 =	sshra.s32 s26, $0x2;
	[sflag:s21] =	ssyncset.done $0x0  }
0x77: {  	s28 =	sadd.s32 $0x1400, s26;
	[sflag:s21] =	ssyncadd.s32 $0xFFFFC000  }
0x78: {  	[tilespmem:s17], [sflag:$0x3] =	stream.indirect.gather [hbm4b:s2+s16], $0x80, s28, s16, $0xb8;
	[tilespmem:$0x1E800] =	vst v63  }
0x79: {  	_ =	swait.ge [sflag:s18], $0x4000  }
0x7a: {  	[sflag:s18] =	ssyncset.done $0x0  }
0x7b: {  	s28 =	sadd.s32 $0x2800, s26;
	[sflag:s18] =	ssyncadd.s32 $0xFFFFC000  }
0x7c: {  	[spmem:s3] =	stream.indirect.scatter.add.f32 [tilespmem:s17], [sflag:$0x1], $0x80, s28, s16, $0xb8;
	[tilespmem:$0x1E800] =	vst v63  }
0x7d: {  	_ =	swait.ge [sflag:s22], $0x4000  }
0x7e: {  	[sflag:s22] =	ssyncset.done $0x0  }
.Ltmp1:
0x7f: {  	s28 =	sadd.s32 $0x1480, s26;
	[sflag:s22] =	ssyncadd.s32 $0xFFFFC000;
	(pc) =	sbr.rel @p0 .LBB2_4-.Ltmp1, $4  }
0x80: {  	[tilespmem:s19], [sflag:$0x3] =	stream.indirect.gather [hbm4b:s2+s16], $0x80, s28, s16, $0xb8;
	[tilespmem:$0x1E800] =	vst v63  }
0x81: {  	_ =	swait.ge [sflag:s18], $0x4000  }
0x82: {  	[sflag:s18] =	ssyncset.done $0x0  }
0x83: {  	s26 =	sadd.s32 $0x2880, s26;
	[sflag:s18] =	ssyncadd.s32 $0xFFFFC000  }
0x84: {  	[spmem:s3] =	stream.indirect.scatter.add.f32 [tilespmem:s19], [sflag:$0x2], $0x80, s26, s16, $0xb8;
	[tilespmem:$0x1E800] =	vst v63  }
0x85: {  	_ =	swait.ge [sflag:s21], $0x4000  }
0x86: {  	[sflag:s21] =	ssyncset.done $0x0  }
0x87: {  	[sflag:s21] =	ssyncadd.s32 $0xFFFFC000  }
0x88: {  	_ =	swait.ge [sflag:s22], $0x4000  }
0x89: {  	s24 =	sadd.s32 $0x1, s24;
	[sflag:s22] =	ssyncset.done $0x0  }
0x8a: {  	p0 =	sne.s32 s24, s9;
	[sflag:s22] =	ssyncadd.s32 $0xFFFFC000  }
.Ltmp2:
0x8b: {  	[bflag:$0x0] =	sbarrier.arrive $0xFFFF;
	(pc) =	sbr.rel @p0 .LBB2_1-.Ltmp2, $4  }
0x8c: {  	[hbm:s23], [sflag:s6] =	dma.local [spmem:s11], $0x2800  }
0x8d: {  	_ =	swait.ge [sflag:s12], $0x2800  }
0x8e: {  	[sflag:s12] =	ssyncset.done $0x0  }
0x8f: {  	[sflag:s12] =	ssyncadd.s32 $0xFFFFD800  }
0x90: {  	_ =	sfence.sel $0x180000  }
0x91: {  	[bflag:$0x0] =	sbarrier.arrive $0xFFFF  }
0x92: {  	p0 =	sne.s32 s1, $0x0;
	_ =	strace $0x9000004A  }
0x93: {  	s0 =	sadd.s32 @!p0 $0x100000, s0;
	[bflag:$0x2] =	sbarrier.arrive $0xFFFF  }
0x94: {  	[sflag:s0] =	ssyncadd.tile.s32 @!p0 $0x1;
	_ =	shalt  }
.Lfunc_end2:
_tile_overlayer_lowered:
.L_overlay_start_2:
0x95: {  	(tag) =	ssettag $0x2  }
0x96: {  	s0 =	rddreg [dreg:$0x0];
	s2 =	stileid.u32  }
0x97: {  	s1 =	rddreg [dreg:$0x1];
	p0 =	sne.s32 s2, $0x0  }
0x98: {  	s3 =	rddreg [dreg:$0x2];
	[bflag:$0x3] =	sbarrier.arrive $0xFFFF;
	s2 =	simm.s32 @!p0 $0x1C04  }
0x99: {  	[timem:s3], [sflag:s2] =	dma.local @!p0 [hbm:s0], s1  }
0x9a: {  	s0 =	simm.s32 @!p0 $0x4  }
0x9b: {  	_ =	swait.ge @!p0 [sflag:s0], s1  }
0x9c: {  	s1 =	ssub.s32 @!p0 $0x0, s1;
	[sflag:s0] =	ssyncset.done @!p0 $0x0  }
0x9d: {  	[sflag:s0] =	ssyncadd.s32 @!p0 s1  }
0x9e: {  	[bflag:$0x3] =	sbarrier.arrive $0xFFFF  }
0x9f: {  	_ =	shalt  }

// kernel: kernel.15.cloned.1.call-start
scs
__scs_entry_jumppad:
0x0: {  	(pc) =	sbr.rel $0x88, $3  }
0x1: {  	(tag) =	ssettag $0x0;
	lr =	simm.s32 $0x1  }
0x2: {  	[smem:$0x3F86] =	sst lr;
	_ =	strace $0xD0000000  }
0x3: {  	_ = 	snop  }
0x4: {  	_ = 	snop  }
0x5: {  	_ = 	snop  }
0x6: {  	_ = 	snop  }
0x7: {  	_ = 	snop  }
__scs_overlays_trampoline_lowered:
0x8: {  	[smem:$0x3F95] =	sst s0  }
0x9: {  	[smem:$0x3F96] =	sst s1  }
0xa: {  	[smem:$0x3F97] =	sst s2  }
0xb: {  	[smem:$0x3F98] =	sst s3  }
0xc: {  	[smem:$0x3F99] =	sst s4  }
0xd: {  	[smem:$0x3F9A] =	sst s5  }
0xe: {  	[smem:$0x3F9B] =	sst s6  }
0xf: {  	[smem:$0x3F9C] =	sst s7  }
0x10: {  	[smem:$0x3F9D] =	sst s8  }
0x11: {  	[smem:$0x3F9E] =	sst s9;
	s0 =	simm.s32 @!p0 $0x0  }
0x12: {  	s1 =	sld [smem:$0x3F84];
	s0 =	simm.s32 @p0 $0x1  }
0x13: {  	[smem:$0x3F9F] =	sst s0;
	s0 =	simm.s32 @!p1 $0x0  }
0x14: {  	s2 =	sld [smem:$0x3F83];
	s0 =	simm.s32 @p1 $0x1  }
0x15: {  	[smem:$0x3FA0] =	sst s0;
	s0 =	simm.s32 @!p2 $0x0  }
0x16: {  	s3 =	sld [smem:$0x3FDB];
	s0 =	simm.s32 @p2 $0x1  }
0x17: {  	s4 =	simm.s32 $0x1BF5;
	[smem:$0x3FA2] =	sst s0  }
0x18: {  	s0 =	sld [smem:$0x3F85];
	_ =	swait.ge [sflag:s4], $0x0  }
0x19: {  	s7 =	sld [smem:$0x3F86]  }
0x1a: {  	s8 =	sadd.s32 $0xFFFFE003, lr  }
0x1b: {  	s9 =	sadd.s32 $0xFFFFFEF7, lr;
	s5 =	simm.s32 $0xFFFFFFFF;
	p2 =	slt.u32 s8, $0xFFFFF086  }
0x1c: {  	p1 =	slt.u32 s9, $0xF7A;
	s5 =	simm.s32 @!p2 $0x0  }
0x1d: {  	s5 =	simm.s32 @p1 $0x1;
	p0 =	seq.s32 s7, s2  }
0x1e: {  	s7 =	smul.u32 @!p0 $0xF7A, s2;
	p2 =	seq.s32 @!p0 s5, $0x0  }
0x1f: {  	s9 =	smul.u32 $0xF7A, s1;
	s8 =	simm.s32 @!p0 $0x1BF5;
	p2 =	por !p2, p0  }
0x20: {  	[sflag:s8] =	ssyncset.s32 @!p0 $0xFFFFF086;
	s6 =	sadd.s32 @!p0 s3, s7;
	s7 =	simm.s32 @!p0 $0x108  }
0x21: {  	s3 =	sadd.s32 s3, s9;
	s6 =	sadd.s32 @!p0 $0x88, s6;
	s7 =	simm.s32 @p2 $0x1082  }
0x22: {  	[simem:s7], [sflag:s8] =	dma.local @!p0 [hbm:s6], $0xF7A  }
0x23: {  	s9 =	sor.u32 $0xD0000000, s2;
	s6 =	simm.s32 $0x108;
	_ =	swait.ge @!p0 [sflag:s8], $0x0  }
0x24: {  	s3 =	sadd.s32 $0x88, s3;
	s6 =	simm.s32 @!p1 $0x1082;
	[sflag:s4] =	ssyncset.s32 $0xFFFFF086  }
0x25: {  	[simem:s6], [sflag:s4] =	dma.local [hbm:s3], $0xF7A  }
0x26: {  	[smem:$0x3F86] =	sst s1;
	(tag) =	ssettag s2;
	_ =	strace s9  }
0x27: {  	s1 =	sld [smem:$0x3F96]  }
0x28: {  	s2 =	sld [smem:$0x3F97]  }
0x29: {  	s4 =	sld [smem:$0x3F99]  }
0x2a: {  	p0 =	seq.s32 s5, $0x0;
	s5 =	sld [smem:$0x3F9A]  }
0x2b: {  	s6 =	sld [smem:$0x3F9B]  }
0x2c: {  	s7 =	sld [smem:$0x3F9C]  }
0x2d: {  	s3 =	simm.s32 $0x108;
	s8 =	sld [smem:$0x3F9D]  }
0x2e: {  	s3 =	simm.s32 @!p0 $0x1082;
	s9 =	sld [smem:$0x3F9E]  }
0x2f: {  	lr =	sadd.s32 s0, s3;
	s0 =	sld [smem:$0x3F95]  }
0x30: {  	s3 =	sld [smem:$0x3F98]  }
0x31: {  	[smem:$0x3FA1] =	sst s10  }
0x32: {  	s10 =	sld [smem:$0x3F9F];
	_ =	sdelay $0x3  }
0x33: {  	p0 =	seq.s32 s10, $0x1;
	s10 =	sld [smem:$0x3FA1];
	_ =	sdelay $0x3  }
0x34: {  	[smem:$0x3FA1] =	sst s10  }
0x35: {  	s10 =	sld [smem:$0x3FA0];
	_ =	sdelay $0x3  }
0x36: {  	p1 =	seq.s32 s10, $0x1;
	s10 =	sld [smem:$0x3FA1];
	_ =	sdelay $0x3  }
0x37: {  	[smem:$0x3FA1] =	sst s10  }
0x38: {  	s10 =	sld [smem:$0x3FA2]  }
0x39: {  	_ = 	snop;
	(pc) =	sbr.ind lr, $3  }
0x3a: {  	_ = 	snop  }
0x3b: {  	_ = 	snop  }
0x3c: {  	p2 =	seq.s32 s10, $0x1;
	s10 =	sld [smem:$0x3FA1]  }
0x3d: {  	_ =	shalt  }
0x3e: {  	_ =	shalt  }
0x3f: {  	_ =	shalt  }
0x40: {  	_ =	shalt  }
0x41: {  	_ =	shalt  }
0x42: {  	_ =	shalt  }
0x43: {  	_ =	shalt  }
0x44: {  	_ =	shalt  }
0x45: {  	_ =	shalt  }
0x46: {  	_ =	shalt  }
0x47: {  	_ =	shalt  }
0x48: {  	_ =	shalt  }
0x49: {  	_ =	shalt  }
0x4a: {  	_ =	shalt  }
0x4b: {  	_ =	shalt  }
0x4c: {  	_ =	shalt  }
0x4d: {  	_ =	shalt  }
0x4e: {  	_ =	shalt  }
0x4f: {  	_ =	shalt  }
0x50: {  	_ =	shalt  }
0x51: {  	_ =	shalt  }
0x52: {  	_ =	shalt  }
0x53: {  	_ =	shalt  }
0x54: {  	_ =	shalt  }
0x55: {  	_ =	shalt  }
0x56: {  	_ =	shalt  }
0x57: {  	_ =	shalt  }
0x58: {  	_ =	shalt  }
0x59: {  	_ =	shalt  }
0x5a: {  	_ =	shalt  }
0x5b: {  	_ =	shalt  }
0x5c: {  	_ =	shalt  }
0x5d: {  	_ =	shalt  }
0x5e: {  	_ =	shalt  }
0x5f: {  	_ =	shalt  }
0x60: {  	_ =	shalt  }
0x61: {  	_ =	shalt  }
0x62: {  	_ =	shalt  }
0x63: {  	_ =	shalt  }
0x64: {  	_ =	shalt  }
0x65: {  	_ =	shalt  }
0x66: {  	_ =	shalt  }
0x67: {  	_ =	shalt  }
0x68: {  	_ =	shalt  }
0x69: {  	_ =	shalt  }
0x6a: {  	_ =	shalt  }
0x6b: {  	_ =	shalt  }
0x6c: {  	_ =	shalt  }
0x6d: {  	_ =	shalt  }
0x6e: {  	_ =	shalt  }
0x6f: {  	_ =	shalt  }
0x70: {  	_ =	shalt  }
0x71: {  	_ =	shalt  }
0x72: {  	_ =	shalt  }
0x73: {  	_ =	shalt  }
0x74: {  	_ =	shalt  }
0x75: {  	_ =	shalt  }
0x76: {  	_ =	shalt  }
0x77: {  	_ =	shalt  }
0x78: {  	_ =	shalt  }
0x79: {  	_ =	shalt  }
0x7a: {  	_ =	shalt  }
0x7b: {  	_ =	shalt  }
0x7c: {  	_ =	shalt  }
0x7d: {  	_ =	shalt  }
0x7e: {  	_ =	shalt  }
0x7f: {  	_ =	shalt  }
0x80: {  	_ =	shalt  }
0x81: {  	_ =	shalt  }
0x82: {  	_ =	shalt  }
0x83: {  	_ =	shalt  }
0x84: {  	_ =	shalt  }
0x85: {  	_ =	shalt  }
0x86: {  	_ =	shalt  }
0x87: {  	_ =	shalt  }
.Lfunc_end0:
.L_simem_size_0:
called_computation.2_lowered:
.L_overlay_start_0:
0x88: {  	s2 =	sld [smem:$0x3FD9]  }
0x89: {  	s3 =	sld [smem:$0x3FFE];
	_ =	sdelay $0x1  }
0x8a: {  	s1 =	srdreg.scid  }
0x8b: {  	s0 =	sand.u32 $0x1, s1  }
0x8c: {  	s17 =	sshll.u32 s0, $0xA;
	s2 =	sadd.s32 s3, s2  }
0x8d: {  	s2 =	sadd.s32 s2, s17  }
0x8e: {  	[smem:$0x3FAD] =	sst s2  }
0x8f: {  	_ = 	snop  }
0x90: {  	s2 =	sld [smem:$0x3FD0];
	(tm) =	ssettm $0x1  }
0x91: {  	s18 =	sld [smem:$0x3FFB];
	_ =	sdelay $0x3  }
0x92: {  	_ =	strace s18  }
0x93: {  	s3 =	sld [smem:$0x3FFC];
	_ =	sdelay $0x3  }
0x94: {  	_ =	strace s3  }
0x95: {  	s3 =	sld [smem:$0x3FFD];
	_ =	sdelay $0x3  }
0x96: {  	_ =	strace s3  }
0x97: {  	_ =	strace $0x8FFFFFFF  }
0x98: {  	s19 =	sld [smem:$0x3FDB];
	_ =	sdelay $0x1  }
0x99: {  	s4 =	simm.s32 $_scs_section_size  }
0x9a: {  	s5 =	simm.s32 $_size__tile_overlayer_lowered;
	s6 =	simm.s32 $_tile_overlayer_lowered  }
0x9b: {  	s22 =	simm.s32 $0x1BFF;
	s21 =	sshll.u32 s6, $0x1;
	s3 =	sadd.s32 s4, s19  }
0x9c: {  	s7 =	simm.s32 $0x0;
	s20 =	sshll.u32 s5, $0x1;
	s5 =	sadd.s32 s21, s3  }
0x9d: {  	[timem:s7], [sflag:s22] =	dma.local [hbm:s5], s20  }
0x9e: {  	_ =	swait.ge [sflag:s22], s20  }
0x9f: {  	s4 =	ssub.s32 $0x0, s20;
	[sflag:s22] =	ssyncset.done $0x0  }
0xa0: {  	[sflag:s22] =	ssyncadd.s32 s4;
	_ =	sdelay $0x1  }
0xa1: {  	s23 =	simm.s32 $0x1B8B  }
0xa2: {  	_ =	swait.ge [sflag:s23], $0x1  }
0xa3: {  	[sflag:s23] =	ssyncset.done $0x0  }
0xa4: {  	s25 =	simm.s32 $0x1B8E;
	s24 =	sld [smem:$0x3FFE];
	[sflag:s23] =	ssyncadd.s32 $0xFFFFFFFF  }
0xa5: {  	s26 =	simm.s32 $execute0_lowered;
	[smem:$0x3FD2] =	sst s25  }
0xa6: {  	s5 =	sshll.u32 s26, $0x1;
	_ =	strace $0x8000004C;
	[dreg:$0x1] =	wrdreg $0xFFFFFFFF  }
0xa7: {  	s28 =	simm.s32 $_size_execute0_lowered;
	s3 =	sadd.s32 s3, s5;
	[dreg:$0x0] =	wrdreg $0x0  }
0xa8: {  	s5 =	sshll.u32 s28, $0x1;
	[dreg:$0x2] =	wrdreg s3  }
0xa9: {  	[dreg:$0x3] =	wrdreg s5  }
0xaa: {  	[dreg:$0x4] =	wrdreg $0xC0  }
0xab: {  	_ =	task [dreg:s7], $0x5FFFF  }
0xac: {  	[dreg:$0x1] =	wrdreg $0xFFFFFFFF  }
0xad: {  	[dreg:$0x0] =	wrdreg $0x60  }
0xae: {  	[dreg:$0x2] =	wrdreg s2  }
0xaf: {  	[dreg:$0x3] =	wrdreg s24  }
0xb0: {  	[dreg:$0x4] =	wrdreg $0xA8000  }
0xb1: {  	[dreg:$0x5] =	wrdreg $0x9  }
0xb2: {  	_ =	task.clear_ibuf [dreg:s7], $0x6FFFF;
	_ =	strace $0x9000004C  }
0xb3: {  	s29 =	simm.s32 $0x9;
	_ =	strace $0x8000004E  }
0xb4: {  	_ =	swait.ge [sflag:s29], $0x1  }
0xb5: {  	[sflag:s29] =	ssyncadd.s32 $0xFFFFFFFF  }
0xb6: {  	_ =	strace $0x9000004E  }
0xb7: {  	_ =	sfence  }
0xb8: {  	s30 =	sld [smem:$0x0];
	_ =	sdelay $0x2  }
0xb9: {  	s31 =	sshll.u32 s1, $0xD;
	s1 =	sshrl.u32 s1, $0x2  }
0xba: {  	s3 =	sand.u32 $0x4000, s31;
	s1 =	sadd.s32 s1, s30  }
0xbb: {  	s0 =	sor.u32 s3, s0;
	s1 =	sshll.u32 s1, $0x11  }
0xbc: {  	s0 =	sor.u32 s1, s0  }
0xbd: {  	s0 =	sadd.s32 $0x8F2B, s0  }
0xbe: {  	[sflag:s0] =	ssyncadd.remote.s32 $0x1  }
0xbf: {  	_ =	sfence.sel $0xFFFF  }
0xc0: {  	[dreg:$0x0] =	wrdreg $0xFFFFFFFF;
	(pc) =	sbr.abs _section_cstart, $3  }
0xc1: {  	[dreg:$0x1] =	wrdreg $0xFFFFFFFF  }
0xc2: {  	_ =	task.clear_ibuf [dreg:s7], $0x2FFFF;
	_ =	strace $0x9FFFFFFF  }
0xc3: {  	(tm) =	ssettm $0x7FFFFFFF  }
tec
execute0_lowered:
.L_overlay_start_1:
0x0: {  	(tag) =	ssettag $0x1  }
0x1: {  	s2 =	rddreg [dreg:$0x0]  }
0x2: {  	s6 =	rddreg [dreg:$0x1]  }
0x3: {  	s3 =	rddreg [dreg:$0x2]  }
0x4: {  	s0 =	rddreg [dreg:$0x3];
	s1 =	stileid.u32  }
0x5: {  	s5 =	srdreg.scid;
	s4 =	simm.s32 $0x0;
	s16 =	simm.s32 $0x80  }
0x6: {  	s17 =	simm.s32 $0x2800;
	s18 =	simm.s32 $0x3;
	s19 =	simm.s32 $0x6800  }
0x7: {  	s20 =	simm.s32 $0x1480;
	s21 =	simm.s32 $0x1;
	s7 =	smul.u32 $0xA00, s1  }
0x8: {  	s22 =	simm.s32 $0x2;
	s9 =	sand.u32 $0x1, s5;
	s29 =	smul.u32 $0x50000, s1  }
0x9: {  	[smem:$0x7FF] =	sst s4;
	s5 =	sadd.s32 $0x18E00, s6;
	s24 =	smul.u32 $0x2800, s1  }
0xa: {  	s12 =	sshll.u32 s1, $0x6;
	s8 =	smul.u32 $0x28000, s9;
	_ =	strace $0x8000004D  }
0xb: {  	s30 =	ssub.s32 $0x2, s9;
	s15 =	smul.u32 $0x500, s9;
	s10 =	sadd.s32 s7, s6  }
0xc: {  	s31 =	sshrl.u32 s30, $0x1;
	s7 =	sshrl.u32 s29, $0x2;
	s11 =	sadd.s32 s8, s6  }
0xd: {  	s13 =	ssub.s32 s30, s31;
	s14 =	sadd.s32 s7, s3;
	s6 =	sor.u32 $0x1C04, s12  }
0xe: {  	s7 =	sadd.s32 $0x4E00, s10;
	s8 =	sadd.s32 $0xEE00, s10;
	s10 =	sadd.s32 $0x280, s15  }
0xf: {  	s12 =	simm.s32 $0x4;
	s23 =	sadd.s32 $0x1B600, s11;
	s9 =	smax.u32 s13, $0x1  }
0x10: {  	s11 =	sshrl.u32 s14, $0x3;
	s13 =	sadd.s32 s15, s7;
	s14 =	sadd.s32 s15, s8  }
0x11: {  	s15 =	simm.s32 $0x1400;
	s23 =	sadd.s32 s24, s23;
	s24 =	simm.s32 $0x0  }
.LBB2_1:
0x12: {  	[spmem:s11], [sflag:s6] =	dma.local [hbm:s5], $0x2800  }
0x13: {  	_ =	swait.ge [sflag:s12], $0x2800  }
0x14: {  	[sflag:s12] =	ssyncset.done $0x0  }
0x15: {  	[sflag:s12] =	ssyncadd.s32 $0xFFFFD800  }
0x16: {  	[bflag:$0x0] =	sbarrier.arrive $0xFFFF  }
0x17: {  	[tilespmem:s4], [sflag:$0x4] =	stream.linear.gather [hbm4b:s13+s4], $0x1400, $0x38;
	[tilespmem:$0x1E800] =	vst v63  }
0x18: {  	_ =	swait.ge [sflag:s12], $0x1400  }
0x19: {  	[sflag:s12] =	ssyncset.done $0x0  }
0x1a: {  	[sflag:s12] =	ssyncadd.s32 $0xFFFFEC00  }
0x1b: {  	[tilespmem:s15], [sflag:$0x4] =	stream.linear.gather [hbm4b:s14+s4], $0x1400, $0x38;
	[tilespmem:$0x1E800] =	vst v63  }
0x1c: {  	_ =	swait.ge [sflag:s12], $0x1400  }
0x1d: {  	[sflag:s12] =	ssyncset.done $0x0  }
0x1e: {  	[sflag:s12] =	ssyncadd.s32 $0xFFFFEC00  }
0x1f: {  	[tilespmem:s17], [sflag:$0x3] =	stream.indirect.gather [hbm4b:s2+s16], $0x80, s4, s16, $0xb8;
	[tilespmem:$0x1E800] =	vst v63  }
0x20: {  	_ =	swait.ge [sflag:s18], $0x4000  }
0x21: {  	[sflag:s18] =	ssyncset.done $0x0  }
0x22: {  	[sflag:s18] =	ssyncadd.s32 $0xFFFFC000  }
0x23: {  	[spmem:s3] =	stream.indirect.scatter.add.f32 [tilespmem:s17], [sflag:$0x1], $0x80, s15, s16, $0xb8;
	[tilespmem:$0x1E800] =	vst v63  }
0x24: {  	_ = 	snop  }
0x25: {  	[tilespmem:s19], [sflag:$0x3] =	stream.indirect.gather [hbm4b:s2+s16], $0x80, s16, s16, $0xb8;
	[tilespmem:$0x1E800] =	vst v63  }
0x26: {  	_ =	swait.ge [sflag:s18], $0x4000  }
0x27: {  	[sflag:s18] =	ssyncset.done $0x0  }
0x28: {  	[sflag:s18] =	ssyncadd.s32 $0xFFFFC000  }
0x29: {  	[spmem:s3] =	stream.indirect.scatter.add.f32 [tilespmem:s19], [sflag:$0x2], $0x80, s20, s16, $0xb8;
	[tilespmem:$0x1E800] =	vst v63  }
0x2a: {  	_ =	swait.ge [sflag:s21], $0x4000  }
0x2b: {  	[sflag:s21] =	ssyncset.done $0x0  }
0x2c: {  	s25 =	simm.s32 $0x100;
	[sflag:s21] =	ssyncadd.s32 $0xFFFFC000  }
0x2d: {  	[tilespmem:s17], [sflag:$0x3] =	stream.indirect.gather [hbm4b:s2+s16], $0x80, s25, s16, $0xb8;
	[tilespmem:$0x1E800] =	vst v63  }
0x2e: {  	_ =	swait.ge [sflag:s18], $0x4000  }
0x2f: {  	[sflag:s18] =	ssyncset.done $0x0  }
0x30: {  	s30 =	simm.s32 $0x1500;
	[sflag:s18] =	ssyncadd.s32 $0xFFFFC000  }
0x31: {  	[spmem:s3] =	stream.indirect.scatter.add.f32 [tilespmem:s17], [sflag:$0x1], $0x80, s30, s16, $0xb8;
	[tilespmem:$0x1E800] =	vst v63  }
0x32: {  	_ =	swait.ge [sflag:s22], $0x4000  }
0x33: {  	[sflag:s22] =	ssyncset.done $0x0  }
0x34: {  	s31 =	simm.s32 $0x180;
	[sflag:s22] =	ssyncadd.s32 $0xFFFFC000  }
0x35: {  	[tilespmem:s19], [sflag:$0x3] =	stream.indirect.gather [hbm4b:s2+s16], $0x80, s31, s16, $0xb8;
	[tilespmem:$0x1E800] =	vst v63  }
0x36: {  	_ =	swait.ge [sflag:s18], $0x4000  }
0x37: {  	[sflag:s18] =	ssyncset.done $0x0  }
0x38: {  	s26 =	simm.s32 $0x1580;
	s25 =	simm.s32 $0xFFFFB800;
	[sflag:s18] =	ssyncadd.s32 $0xFFFFC000  }
.LBB2_2:
0x39: {  	[spmem:s3] =	stream.indirect.scatter.add.f32 [tilespmem:s19], [sflag:$0x2], $0x80, s26, s16, $0xb8;
	[tilespmem:$0x1E800] =	vst v63  }
0x3a: {  	s26 =	smov.u32 s25  }
0x3b: {  	p0 =	sne.s32 s25, $0xFFFFFC00;
	s25 =	sadd.s32 $0x400, s25;
	_ =	swait.ge [sflag:s21], $0x4000  }
0x3c: {  	s26 =	sshra.s32 s26, $0x2;
	[sflag:s21] =	ssyncset.done $0x0  }
0x3d: {  	s28 =	sadd.s32 $0x1400, s26;
	[sflag:s21] =	ssyncadd.s32 $0xFFFFC000  }
0x3e: {  	[tilespmem:s17], [sflag:$0x3] =	stream.indirect.gather [hbm4b:s2+s16], $0x80, s28, s16, $0xb8;
	[tilespmem:$0x1E800] =	vst v63  }
0x3f: {  	_ =	swait.ge [sflag:s18], $0x4000  }
0x40: {  	[sflag:s18] =	ssyncset.done $0x0  }
0x41: {  	s28 =	sadd.s32 $0x2800, s26;
	[sflag:s18] =	ssyncadd.s32 $0xFFFFC000  }
0x42: {  	[spmem:s3] =	stream.indirect.scatter.add.f32 [tilespmem:s17], [sflag:$0x1], $0x80, s28, s16, $0xb8;
	[tilespmem:$0x1E800] =	vst v63  }
0x43: {  	_ =	swait.ge [sflag:s22], $0x4000  }
0x44: {  	[sflag:s22] =	ssyncset.done $0x0  }
.Ltmp0:
0x45: {  	s28 =	sadd.s32 $0x1480, s26;
	[sflag:s22] =	ssyncadd.s32 $0xFFFFC000;
	(pc) =	sbr.rel @p0 .LBB2_2-.Ltmp0, $4  }
0x46: {  	[tilespmem:s19], [sflag:$0x3] =	stream.indirect.gather [hbm4b:s2+s16], $0x80, s28, s16, $0xb8;
	[tilespmem:$0x1E800] =	vst v63  }
0x47: {  	_ =	swait.ge [sflag:s18], $0x4000  }
0x48: {  	[sflag:s18] =	ssyncset.done $0x0  }
0x49: {  	s26 =	sadd.s32 $0x2880, s26;
	[sflag:s18] =	ssyncadd.s32 $0xFFFFC000  }
0x4a: {  	[spmem:s3] =	stream.indirect.scatter.add.f32 [tilespmem:s19], [sflag:$0x2], $0x80, s26, s16, $0xb8;
	[tilespmem:$0x1E800] =	vst v63  }
0x4b: {  	_ =	swait.ge [sflag:s21], $0x4000  }
0x4c: {  	[sflag:s21] =	ssyncset.done $0x0  }
0x4d: {  	[sflag:s21] =	ssyncadd.s32 $0xFFFFC000  }
0x4e: {  	_ =	swait.ge [sflag:s22], $0x4000  }
0x4f: {  	[sflag:s22] =	ssyncset.done $0x0  }
0x50: {  	s25 =	sadd.s32 s10, s7;
	[sflag:s22] =	ssyncadd.s32 $0xFFFFC000  }
0x51: {  	[tilespmem:s4], [sflag:$0x4] =	stream.linear.gather [hbm4b:s25+s4], $0x1400, $0x38;
	[tilespmem:$0x1E800] =	vst v63  }
0x52: {  	_ =	swait.ge [sflag:s12], $0x1400  }
0x53: {  	[sflag:s12] =	ssyncset.done $0x0  }
0x54: {  	s28 =	sadd.s32 s10, s8;
	[sflag:s12] =	ssyncadd.s32 $0xFFFFEC00  }
0x55: {  	[tilespmem:s15], [sflag:$0x4] =	stream.linear.gather [hbm4b:s28+s4], $0x1400, $0x38;
	[tilespmem:$0x1E800] =	vst v63  }
0x56: {  	_ =	swait.ge [sflag:s12], $0x1400  }
0x57: {  	[sflag:s12] =	ssyncset.done $0x0  }
0x58: {  	[sflag:s12] =	ssyncadd.s32 $0xFFFFEC00  }
0x59: {  	[tilespmem:s17], [sflag:$0x3] =	stream.indirect.gather [hbm4b:s2+s16], $0x80, s4, s16, $0xb8;
	[tilespmem:$0x1E800] =	vst v63  }
0x5a: {  	_ =	swait.ge [sflag:s18], $0x4000  }
0x5b: {  	[sflag:s18] =	ssyncset.done $0x0  }
0x5c: {  	[sflag:s18] =	ssyncadd.s32 $0xFFFFC000  }
0x5d: {  	[spmem:s3] =	stream.indirect.scatter.add.f32 [tilespmem:s17], [sflag:$0x1], $0x80, s15, s16, $0xb8;
	[tilespmem:$0x1E800] =	vst v63  }
0x5e: {  	_ = 	snop  }
0x5f: {  	[tilespmem:s19], [sflag:$0x3] =	stream.indirect.gather [hbm4b:s2+s16], $0x80, s16, s16, $0xb8;
	[tilespmem:$0x1E800] =	vst v63  }
0x60: {  	_ =	swait.ge [sflag:s18], $0x4000  }
0x61: {  	[sflag:s18] =	ssyncset.done $0x0  }
0x62: {  	[sflag:s18] =	ssyncadd.s32 $0xFFFFC000  }
0x63: {  	[spmem:s3] =	stream.indirect.scatter.add.f32 [tilespmem:s19], [sflag:$0x2], $0x80, s20, s16, $0xb8;
	[tilespmem:$0x1E800] =	vst v63  }
0x64: {  	_ =	swait.ge [sflag:s21], $0x4000  }
0x65: {  	[sflag:s21] =	ssyncset.done $0x0  }
0x66: {  	s29 =	simm.s32 $0x100;
	[sflag:s21] =	ssyncadd.s32 $0xFFFFC000  }
0x67: {  	[tilespmem:s17], [sflag:$0x3] =	stream.indirect.gather [hbm4b:s2+s16], $0x80, s29, s16, $0xb8;
	[tilespmem:$0x1E800] =	vst v63  }
0x68: {  	_ =	swait.ge [sflag:s18], $0x4000  }
0x69: {  	[sflag:s18] =	ssyncset.done $0x0  }
0x6a: {  	s30 =	simm.s32 $0x1500;
	[sflag:s18] =	ssyncadd.s32 $0xFFFFC000  }
0x6b: {  	[spmem:s3] =	stream.indirect.scatter.add.f32 [tilespmem:s17], [sflag:$0x1], $0x80, s30, s16, $0xb8;
	[tilespmem:$0x1E800] =	vst v63  }
0x6c: {  	_ =	swait.ge [sflag:s22], $0x4000  }
0x6d: {  	[sflag:s22] =	ssyncset.done $0x0  }
0x6e: {  	s31 =	simm.s32 $0x180;
	[sflag:s22] =	ssyncadd.s32 $0xFFFFC000  }
0x6f: {  	[tilespmem:s19], [sflag:$0x3] =	stream.indirect.gather [hbm4b:s2+s16], $0x80, s31, s16, $0xb8;
	[tilespmem:$0x1E800] =	vst v63  }
0x70: {  	_ =	swait.ge [sflag:s18], $0x4000  }
0x71: {  	[sflag:s18] =	ssyncset.done $0x0  }
0x72: {  	s26 =	simm.s32 $0x1580;
	s25 =	simm.s32 $0xFFFFB800;
	[sflag:s18] =	ssyncadd.s32 $0xFFFFC000  }
.LBB2_4:
0x73: {  	[spmem:s3] =	stream.indirect.scatter.add.f32 [tilespmem:s19], [sflag:$0x2], $0x80, s26, s16, $0xb8;
	[tilespmem:$0x1E800] =	vst v63  }
0x74: {  	s26 =	smov.u32 s25  }
0x75: {  	p0 =	sne.s32 s25, $0xFFFFFC00;
	s25 =	sadd.s32 $0x400, s25;
	_ =	swait.ge [sflag:s21], $0x4000  }
0x76: {  	s26 =	sshra.s32 s26, $0x2;
	[sflag:s21] =	ssyncset.done $0x0  }
0x77: {  	s28 =	sadd.s32 $0x1400, s26;
	[sflag:s21] =	ssyncadd.s32 $0xFFFFC000  }
0x78: {  	[tilespmem:s17], [sflag:$0x3] =	stream.indirect.gather [hbm4b:s2+s16], $0x80, s28, s16, $0xb8;
	[tilespmem:$0x1E800] =	vst v63  }
0x79: {  	_ =	swait.ge [sflag:s18], $0x4000  }
0x7a: {  	[sflag:s18] =	ssyncset.done $0x0  }
0x7b: {  	s28 =	sadd.s32 $0x2800, s26;
	[sflag:s18] =	ssyncadd.s32 $0xFFFFC000  }
0x7c: {  	[spmem:s3] =	stream.indirect.scatter.add.f32 [tilespmem:s17], [sflag:$0x1], $0x80, s28, s16, $0xb8;
	[tilespmem:$0x1E800] =	vst v63  }
0x7d: {  	_ =	swait.ge [sflag:s22], $0x4000  }
0x7e: {  	[sflag:s22] =	ssyncset.done $0x0  }
.Ltmp1:
0x7f: {  	s28 =	sadd.s32 $0x1480, s26;
	[sflag:s22] =	ssyncadd.s32 $0xFFFFC000;
	(pc) =	sbr.rel @p0 .LBB2_4-.Ltmp1, $4  }
0x80: {  	[tilespmem:s19], [sflag:$0x3] =	stream.indirect.gather [hbm4b:s2+s16], $0x80, s28, s16, $0xb8;
	[tilespmem:$0x1E800] =	vst v63  }
0x81: {  	_ =	swait.ge [sflag:s18], $0x4000  }
0x82: {  	[sflag:s18] =	ssyncset.done $0x0  }
0x83: {  	s26 =	sadd.s32 $0x2880, s26;
	[sflag:s18] =	ssyncadd.s32 $0xFFFFC000  }
0x84: {  	[spmem:s3] =	stream.indirect.scatter.add.f32 [tilespmem:s19], [sflag:$0x2], $0x80, s26, s16, $0xb8;
	[tilespmem:$0x1E800] =	vst v63  }
0x85: {  	_ =	swait.ge [sflag:s21], $0x4000  }
0x86: {  	[sflag:s21] =	ssyncset.done $0x0  }
0x87: {  	[sflag:s21] =	ssyncadd.s32 $0xFFFFC000  }
0x88: {  	_ =	swait.ge [sflag:s22], $0x4000  }
0x89: {  	s24 =	sadd.s32 $0x1, s24;
	[sflag:s22] =	ssyncset.done $0x0  }
0x8a: {  	p0 =	sne.s32 s24, s9;
	[sflag:s22] =	ssyncadd.s32 $0xFFFFC000  }
.Ltmp2:
0x8b: {  	[bflag:$0x0] =	sbarrier.arrive $0xFFFF;
	(pc) =	sbr.rel @p0 .LBB2_1-.Ltmp2, $4  }
0x8c: {  	[hbm:s23], [sflag:s6] =	dma.local [spmem:s11], $0x2800  }
0x8d: {  	_ =	swait.ge [sflag:s12], $0x2800  }
0x8e: {  	[sflag:s12] =	ssyncset.done $0x0  }
0x8f: {  	[sflag:s12] =	ssyncadd.s32 $0xFFFFD800  }
0x90: {  	_ =	sfence.sel $0x180000  }
0x91: {  	[bflag:$0x0] =	sbarrier.arrive $0xFFFF  }
0x92: {  	p0 =	sne.s32 s1, $0x0;
	_ =	strace $0x9000004D  }
0x93: {  	s0 =	sadd.s32 @!p0 $0x100000, s0;
	[bflag:$0x2] =	sbarrier.arrive $0xFFFF  }
0x94: {  	[sflag:s0] =	ssyncadd.tile.s32 @!p0 $0x1;
	_ =	shalt  }
.Lfunc_end2:
_tile_overlayer_lowered:
.L_overlay_start_2:
0x95: {  	(tag) =	ssettag $0x2  }
0x96: {  	s0 =	rddreg [dreg:$0x0];
	s2 =	stileid.u32  }
0x97: {  	s1 =	rddreg [dreg:$0x1];
	p0 =	sne.s32 s2, $0x0  }
0x98: {  	s3 =	rddreg [dreg:$0x2];
	[bflag:$0x3] =	sbarrier.arrive $0xFFFF;
	s2 =	simm.s32 @!p0 $0x1C04  }
0x99: {  	[timem:s3], [sflag:s2] =	dma.local @!p0 [hbm:s0], s1  }
0x9a: {  	s0 =	simm.s32 @!p0 $0x4  }
0x9b: {  	_ =	swait.ge @!p0 [sflag:s0], s1  }
0x9c: {  	s1 =	ssub.s32 @!p0 $0x0, s1;
	[sflag:s0] =	ssyncset.done @!p0 $0x0  }
0x9d: {  	[sflag:s0] =	ssyncadd.s32 @!p0 s1  }
0x9e: {  	[bflag:$0x3] =	sbarrier.arrive $0xFFFF  }
0x9f: {  	_ =	shalt  }

// kernel: kernel.18.cloned.1.call-start
scs
__scs_entry_jumppad:
0x0: {  	(pc) =	sbr.rel $0x88, $3  }
0x1: {  	(tag) =	ssettag $0x0;
	lr =	simm.s32 $0x1  }
0x2: {  	[smem:$0x3F86] =	sst lr;
	_ =	strace $0xD0000000  }
0x3: {  	_ = 	snop  }
0x4: {  	_ = 	snop  }
0x5: {  	_ = 	snop  }
0x6: {  	_ = 	snop  }
0x7: {  	_ = 	snop  }
__scs_overlays_trampoline_lowered:
0x8: {  	[smem:$0x3F95] =	sst s0  }
0x9: {  	[smem:$0x3F96] =	sst s1  }
0xa: {  	[smem:$0x3F97] =	sst s2  }
0xb: {  	[smem:$0x3F98] =	sst s3  }
0xc: {  	[smem:$0x3F99] =	sst s4  }
0xd: {  	[smem:$0x3F9A] =	sst s5  }
0xe: {  	[smem:$0x3F9B] =	sst s6  }
0xf: {  	[smem:$0x3F9C] =	sst s7  }
0x10: {  	[smem:$0x3F9D] =	sst s8  }
0x11: {  	[smem:$0x3F9E] =	sst s9;
	s0 =	simm.s32 @!p0 $0x0  }
0x12: {  	s1 =	sld [smem:$0x3F84];
	s0 =	simm.s32 @p0 $0x1  }
0x13: {  	[smem:$0x3F9F] =	sst s0;
	s0 =	simm.s32 @!p1 $0x0  }
0x14: {  	s2 =	sld [smem:$0x3F83];
	s0 =	simm.s32 @p1 $0x1  }
0x15: {  	[smem:$0x3FA0] =	sst s0;
	s0 =	simm.s32 @!p2 $0x0  }
0x16: {  	s3 =	sld [smem:$0x3FDB];
	s0 =	simm.s32 @p2 $0x1  }
0x17: {  	s4 =	simm.s32 $0x1BF5;
	[smem:$0x3FA2] =	sst s0  }
0x18: {  	s0 =	sld [smem:$0x3F85];
	_ =	swait.ge [sflag:s4], $0x0  }
0x19: {  	s7 =	sld [smem:$0x3F86]  }
0x1a: {  	s8 =	sadd.s32 $0xFFFFE003, lr  }
0x1b: {  	s9 =	sadd.s32 $0xFFFFFEF7, lr;
	s5 =	simm.s32 $0xFFFFFFFF;
	p2 =	slt.u32 s8, $0xFFFFF086  }
0x1c: {  	p1 =	slt.u32 s9, $0xF7A;
	s5 =	simm.s32 @!p2 $0x0  }
0x1d: {  	s5 =	simm.s32 @p1 $0x1;
	p0 =	seq.s32 s7, s2  }
0x1e: {  	s7 =	smul.u32 @!p0 $0xF7A, s2;
	p2 =	seq.s32 @!p0 s5, $0x0  }
0x1f: {  	s9 =	smul.u32 $0xF7A, s1;
	s8 =	simm.s32 @!p0 $0x1BF5;
	p2 =	por !p2, p0  }
0x20: {  	[sflag:s8] =	ssyncset.s32 @!p0 $0xFFFFF086;
	s6 =	sadd.s32 @!p0 s3, s7;
	s7 =	simm.s32 @!p0 $0x108  }
0x21: {  	s3 =	sadd.s32 s3, s9;
	s6 =	sadd.s32 @!p0 $0x88, s6;
	s7 =	simm.s32 @p2 $0x1082  }
0x22: {  	[simem:s7], [sflag:s8] =	dma.local @!p0 [hbm:s6], $0xF7A  }
0x23: {  	s9 =	sor.u32 $0xD0000000, s2;
	s6 =	simm.s32 $0x108;
	_ =	swait.ge @!p0 [sflag:s8], $0x0  }
0x24: {  	s3 =	sadd.s32 $0x88, s3;
	s6 =	simm.s32 @!p1 $0x1082;
	[sflag:s4] =	ssyncset.s32 $0xFFFFF086  }
0x25: {  	[simem:s6], [sflag:s4] =	dma.local [hbm:s3], $0xF7A  }
0x26: {  	[smem:$0x3F86] =	sst s1;
	(tag) =	ssettag s2;
	_ =	strace s9  }
0x27: {  	s1 =	sld [smem:$0x3F96]  }
0x28: {  	s2 =	sld [smem:$0x3F97]  }
0x29: {  	s4 =	sld [smem:$0x3F99]  }
0x2a: {  	p0 =	seq.s32 s5, $0x0;
	s5 =	sld [smem:$0x3F9A]  }
0x2b: {  	s6 =	sld [smem:$0x3F9B]  }
0x2c: {  	s7 =	sld [smem:$0x3F9C]  }
0x2d: {  	s3 =	simm.s32 $0x108;
	s8 =	sld [smem:$0x3F9D]  }
0x2e: {  	s3 =	simm.s32 @!p0 $0x1082;
	s9 =	sld [smem:$0x3F9E]  }
0x2f: {  	lr =	sadd.s32 s0, s3;
	s0 =	sld [smem:$0x3F95]  }
0x30: {  	s3 =	sld [smem:$0x3F98]  }
0x31: {  	[smem:$0x3FA1] =	sst s10  }
0x32: {  	s10 =	sld [smem:$0x3F9F];
	_ =	sdelay $0x3  }
0x33: {  	p0 =	seq.s32 s10, $0x1;
	s10 =	sld [smem:$0x3FA1];
	_ =	sdelay $0x3  }
0x34: {  	[smem:$0x3FA1] =	sst s10  }
0x35: {  	s10 =	sld [smem:$0x3FA0];
	_ =	sdelay $0x3  }
0x36: {  	p1 =	seq.s32 s10, $0x1;
	s10 =	sld [smem:$0x3FA1];
	_ =	sdelay $0x3  }
0x37: {  	[smem:$0x3FA1] =	sst s10  }
0x38: {  	s10 =	sld [smem:$0x3FA2]  }
0x39: {  	_ = 	snop;
	(pc) =	sbr.ind lr, $3  }
0x3a: {  	_ = 	snop  }
0x3b: {  	_ = 	snop  }
0x3c: {  	p2 =	seq.s32 s10, $0x1;
	s10 =	sld [smem:$0x3FA1]  }
0x3d: {  	_ =	shalt  }
0x3e: {  	_ =	shalt  }
0x3f: {  	_ =	shalt  }
0x40: {  	_ =	shalt  }
0x41: {  	_ =	shalt  }
0x42: {  	_ =	shalt  }
0x43: {  	_ =	shalt  }
0x44: {  	_ =	shalt  }
0x45: {  	_ =	shalt  }
0x46: {  	_ =	shalt  }
0x47: {  	_ =	shalt  }
0x48: {  	_ =	shalt  }
0x49: {  	_ =	shalt  }
0x4a: {  	_ =	shalt  }
0x4b: {  	_ =	shalt  }
0x4c: {  	_ =	shalt  }
0x4d: {  	_ =	shalt  }
0x4e: {  	_ =	shalt  }
0x4f: {  	_ =	shalt  }
0x50: {  	_ =	shalt  }
0x51: {  	_ =	shalt  }
0x52: {  	_ =	shalt  }
0x53: {  	_ =	shalt  }
0x54: {  	_ =	shalt  }
0x55: {  	_ =	shalt  }
0x56: {  	_ =	shalt  }
0x57: {  	_ =	shalt  }
0x58: {  	_ =	shalt  }
0x59: {  	_ =	shalt  }
0x5a: {  	_ =	shalt  }
0x5b: {  	_ =	shalt  }
0x5c: {  	_ =	shalt  }
0x5d: {  	_ =	shalt  }
0x5e: {  	_ =	shalt  }
0x5f: {  	_ =	shalt  }
0x60: {  	_ =	shalt  }
0x61: {  	_ =	shalt  }
0x62: {  	_ =	shalt  }
0x63: {  	_ =	shalt  }
0x64: {  	_ =	shalt  }
0x65: {  	_ =	shalt  }
0x66: {  	_ =	shalt  }
0x67: {  	_ =	shalt  }
0x68: {  	_ =	shalt  }
0x69: {  	_ =	shalt  }
0x6a: {  	_ =	shalt  }
0x6b: {  	_ =	shalt  }
0x6c: {  	_ =	shalt  }
0x6d: {  	_ =	shalt  }
0x6e: {  	_ =	shalt  }
0x6f: {  	_ =	shalt  }
0x70: {  	_ =	shalt  }
0x71: {  	_ =	shalt  }
0x72: {  	_ =	shalt  }
0x73: {  	_ =	shalt  }
0x74: {  	_ =	shalt  }
0x75: {  	_ =	shalt  }
0x76: {  	_ =	shalt  }
0x77: {  	_ =	shalt  }
0x78: {  	_ =	shalt  }
0x79: {  	_ =	shalt  }
0x7a: {  	_ =	shalt  }
0x7b: {  	_ =	shalt  }
0x7c: {  	_ =	shalt  }
0x7d: {  	_ =	shalt  }
0x7e: {  	_ =	shalt  }
0x7f: {  	_ =	shalt  }
0x80: {  	_ =	shalt  }
0x81: {  	_ =	shalt  }
0x82: {  	_ =	shalt  }
0x83: {  	_ =	shalt  }
0x84: {  	_ =	shalt  }
0x85: {  	_ =	shalt  }
0x86: {  	_ =	shalt  }
0x87: {  	_ =	shalt  }
.Lfunc_end0:
.L_simem_size_0:
called_computation.3_lowered:
.L_overlay_start_0:
0x88: {  	s2 =	sld [smem:$0x3FD9]  }
0x89: {  	s3 =	sld [smem:$0x3FFE];
	_ =	sdelay $0x1  }
0x8a: {  	s1 =	srdreg.scid  }
0x8b: {  	s0 =	sand.u32 $0x1, s1  }
0x8c: {  	s17 =	sshll.u32 s0, $0xA;
	s2 =	sadd.s32 s3, s2  }
0x8d: {  	s2 =	sadd.s32 s2, s17  }
0x8e: {  	[smem:$0x3FAD] =	sst s2  }
0x8f: {  	_ = 	snop  }
0x90: {  	s2 =	sld [smem:$0x3FD0];
	(tm) =	ssettm $0x1  }
0x91: {  	s18 =	sld [smem:$0x3FFB];
	_ =	sdelay $0x3  }
0x92: {  	_ =	strace s18  }
0x93: {  	s3 =	sld [smem:$0x3FFC];
	_ =	sdelay $0x3  }
0x94: {  	_ =	strace s3  }
0x95: {  	s3 =	sld [smem:$0x3FFD];
	_ =	sdelay $0x3  }
0x96: {  	_ =	strace s3  }
0x97: {  	_ =	strace $0x8FFFFFFF  }
0x98: {  	s19 =	sld [smem:$0x3FDB];
	_ =	sdelay $0x1  }
0x99: {  	s4 =	simm.s32 $_scs_section_size  }
0x9a: {  	s5 =	simm.s32 $_size__tile_overlayer_lowered;
	s6 =	simm.s32 $_tile_overlayer_lowered  }
0x9b: {  	s22 =	simm.s32 $0x1BFF;
	s21 =	sshll.u32 s6, $0x1;
	s3 =	sadd.s32 s4, s19  }
0x9c: {  	s7 =	simm.s32 $0x0;
	s20 =	sshll.u32 s5, $0x1;
	s5 =	sadd.s32 s21, s3  }
0x9d: {  	[timem:s7], [sflag:s22] =	dma.local [hbm:s5], s20  }
0x9e: {  	_ =	swait.ge [sflag:s22], s20  }
0x9f: {  	s4 =	ssub.s32 $0x0, s20;
	[sflag:s22] =	ssyncset.done $0x0  }
0xa0: {  	[sflag:s22] =	ssyncadd.s32 s4;
	_ =	sdelay $0x1  }
0xa1: {  	s23 =	simm.s32 $0x1B8B  }
0xa2: {  	_ =	swait.ge [sflag:s23], $0x1  }
0xa3: {  	[sflag:s23] =	ssyncset.done $0x0  }
0xa4: {  	s25 =	simm.s32 $0x1B8E;
	s24 =	sld [smem:$0x3FFE];
	[sflag:s23] =	ssyncadd.s32 $0xFFFFFFFF  }
0xa5: {  	s26 =	simm.s32 $execute0_lowered;
	[smem:$0x3FD2] =	sst s25  }
0xa6: {  	s5 =	sshll.u32 s26, $0x1;
	_ =	strace $0x8000004F;
	[dreg:$0x1] =	wrdreg $0xFFFFFFFF  }
0xa7: {  	s28 =	simm.s32 $_size_execute0_lowered;
	s3 =	sadd.s32 s3, s5;
	[dreg:$0x0] =	wrdreg $0x0  }
0xa8: {  	s5 =	sshll.u32 s28, $0x1;
	[dreg:$0x2] =	wrdreg s3  }
0xa9: {  	[dreg:$0x3] =	wrdreg s5  }
0xaa: {  	[dreg:$0x4] =	wrdreg $0xC0  }
0xab: {  	_ =	task [dreg:s7], $0x5FFFF  }
0xac: {  	[dreg:$0x1] =	wrdreg $0xFFFFFFFF  }
0xad: {  	[dreg:$0x0] =	wrdreg $0x60  }
0xae: {  	[dreg:$0x2] =	wrdreg s2  }
0xaf: {  	[dreg:$0x3] =	wrdreg s24  }
0xb0: {  	[dreg:$0x4] =	wrdreg $0xA8000  }
0xb1: {  	[dreg:$0x5] =	wrdreg $0x9  }
0xb2: {  	_ =	task.clear_ibuf [dreg:s7], $0x6FFFF;
	_ =	strace $0x9000004F  }
0xb3: {  	s29 =	simm.s32 $0x9;
	_ =	strace $0x80000051  }
0xb4: {  	_ =	swait.ge [sflag:s29], $0x1  }
0xb5: {  	[sflag:s29] =	ssyncadd.s32 $0xFFFFFFFF  }
0xb6: {  	_ =	strace $0x90000051  }
0xb7: {  	_ =	sfence  }
0xb8: {  	s30 =	sld [smem:$0x0];
	_ =	sdelay $0x2  }
0xb9: {  	s31 =	sshll.u32 s1, $0xD;
	s1 =	sshrl.u32 s1, $0x2  }
0xba: {  	s3 =	sand.u32 $0x4000, s31;
	s1 =	sadd.s32 s1, s30  }
0xbb: {  	s0 =	sor.u32 s3, s0;
	s1 =	sshll.u32 s1, $0x11  }
0xbc: {  	s0 =	sor.u32 s1, s0  }
0xbd: {  	s0 =	sadd.s32 $0x8F2B, s0  }
0xbe: {  	[sflag:s0] =	ssyncadd.remote.s32 $0x1  }
0xbf: {  	_ =	sfence.sel $0xFFFF  }
0xc0: {  	[dreg:$0x0] =	wrdreg $0xFFFFFFFF;
	(pc) =	sbr.abs _section_cstart, $3  }
0xc1: {  	[dreg:$0x1] =	wrdreg $0xFFFFFFFF  }
0xc2: {  	_ =	task.clear_ibuf [dreg:s7], $0x2FFFF;
	_ =	strace $0x9FFFFFFF  }
0xc3: {  	(tm) =	ssettm $0x7FFFFFFF  }
tec
execute0_lowered:
.L_overlay_start_1:
0x0: {  	(tag) =	ssettag $0x1  }
0x1: {  	s2 =	rddreg [dreg:$0x0]  }
0x2: {  	s6 =	rddreg [dreg:$0x1]  }
0x3: {  	s3 =	rddreg [dreg:$0x2]  }
0x4: {  	s0 =	rddreg [dreg:$0x3];
	s1 =	stileid.u32  }
0x5: {  	s5 =	srdreg.scid;
	s4 =	simm.s32 $0x0;
	s16 =	simm.s32 $0x80  }
0x6: {  	s17 =	simm.s32 $0x2800;
	s18 =	simm.s32 $0x3;
	s19 =	simm.s32 $0x6800  }
0x7: {  	s20 =	simm.s32 $0x1480;
	s21 =	simm.s32 $0x1;
	s7 =	smul.u32 $0xA00, s1  }
0x8: {  	s22 =	simm.s32 $0x2;
	s9 =	sand.u32 $0x1, s5;
	s29 =	smul.u32 $0x50000, s1  }
0x9: {  	[smem:$0x7FF] =	sst s4;
	s5 =	sadd.s32 $0x18E00, s6;
	s24 =	smul.u32 $0x2800, s1  }
0xa: {  	s12 =	sshll.u32 s1, $0x6;
	s8 =	smul.u32 $0x28000, s9;
	_ =	strace $0x80000050  }
0xb: {  	s30 =	ssub.s32 $0x2, s9;
	s15 =	smul.u32 $0x500, s9;
	s10 =	sadd.s32 s7, s6  }
0xc: {  	s31 =	sshrl.u32 s30, $0x1;
	s7 =	sshrl.u32 s29, $0x2;
	s11 =	sadd.s32 s8, s6  }
0xd: {  	s13 =	ssub.s32 s30, s31;
	s14 =	sadd.s32 s7, s3;
	s6 =	sor.u32 $0x1C04, s12  }
0xe: {  	s7 =	sadd.s32 $0x4E00, s10;
	s8 =	sadd.s32 $0xEE00, s10;
	s10 =	sadd.s32 $0x280, s15  }
0xf: {  	s12 =	simm.s32 $0x4;
	s23 =	sadd.s32 $0x1B600, s11;
	s9 =	smax.u32 s13, $0x1  }
0x10: {  	s11 =	sshrl.u32 s14, $0x3;
	s13 =	sadd.s32 s15, s7;
	s14 =	sadd.s32 s15, s8  }
0x11: {  	s15 =	simm.s32 $0x1400;
	s23 =	sadd.s32 s24, s23;
	s24 =	simm.s32 $0x0  }
.LBB2_1:
0x12: {  	[spmem:s11], [sflag:s6] =	dma.local [hbm:s5], $0x2800  }
0x13: {  	_ =	swait.ge [sflag:s12], $0x2800  }
0x14: {  	[sflag:s12] =	ssyncset.done $0x0  }
0x15: {  	[sflag:s12] =	ssyncadd.s32 $0xFFFFD800  }
0x16: {  	[bflag:$0x0] =	sbarrier.arrive $0xFFFF  }
0x17: {  	[tilespmem:s4], [sflag:$0x4] =	stream.linear.gather [hbm4b:s13+s4], $0x1400, $0x38;
	[tilespmem:$0x1E800] =	vst v63  }
0x18: {  	_ =	swait.ge [sflag:s12], $0x1400  }
0x19: {  	[sflag:s12] =	ssyncset.done $0x0  }
0x1a: {  	[sflag:s12] =	ssyncadd.s32 $0xFFFFEC00  }
0x1b: {  	[tilespmem:s15], [sflag:$0x4] =	stream.linear.gather [hbm4b:s14+s4], $0x1400, $0x38;
	[tilespmem:$0x1E800] =	vst v63  }
0x1c: {  	_ =	swait.ge [sflag:s12], $0x1400  }
0x1d: {  	[sflag:s12] =	ssyncset.done $0x0  }
0x1e: {  	[sflag:s12] =	ssyncadd.s32 $0xFFFFEC00  }
0x1f: {  	[tilespmem:s17], [sflag:$0x3] =	stream.indirect.gather [hbm4b:s2+s16], $0x80, s4, s16, $0xb8;
	[tilespmem:$0x1E800] =	vst v63  }
0x20: {  	_ =	swait.ge [sflag:s18], $0x4000  }
0x21: {  	[sflag:s18] =	ssyncset.done $0x0  }
0x22: {  	[sflag:s18] =	ssyncadd.s32 $0xFFFFC000  }
0x23: {  	[spmem:s3] =	stream.indirect.scatter.add.f32 [tilespmem:s17], [sflag:$0x1], $0x80, s15, s16, $0xb8;
	[tilespmem:$0x1E800] =	vst v63  }
0x24: {  	_ = 	snop  }
0x25: {  	[tilespmem:s19], [sflag:$0x3] =	stream.indirect.gather [hbm4b:s2+s16], $0x80, s16, s16, $0xb8;
	[tilespmem:$0x1E800] =	vst v63  }
0x26: {  	_ =	swait.ge [sflag:s18], $0x4000  }
0x27: {  	[sflag:s18] =	ssyncset.done $0x0  }
0x28: {  	[sflag:s18] =	ssyncadd.s32 $0xFFFFC000  }
0x29: {  	[spmem:s3] =	stream.indirect.scatter.add.f32 [tilespmem:s19], [sflag:$0x2], $0x80, s20, s16, $0xb8;
	[tilespmem:$0x1E800] =	vst v63  }
0x2a: {  	_ =	swait.ge [sflag:s21], $0x4000  }
0x2b: {  	[sflag:s21] =	ssyncset.done $0x0  }
0x2c: {  	s25 =	simm.s32 $0x100;
	[sflag:s21] =	ssyncadd.s32 $0xFFFFC000  }
0x2d: {  	[tilespmem:s17], [sflag:$0x3] =	stream.indirect.gather [hbm4b:s2+s16], $0x80, s25, s16, $0xb8;
	[tilespmem:$0x1E800] =	vst v63  }
0x2e: {  	_ =	swait.ge [sflag:s18], $0x4000  }
0x2f: {  	[sflag:s18] =	ssyncset.done $0x0  }
0x30: {  	s30 =	simm.s32 $0x1500;
	[sflag:s18] =	ssyncadd.s32 $0xFFFFC000  }
0x31: {  	[spmem:s3] =	stream.indirect.scatter.add.f32 [tilespmem:s17], [sflag:$0x1], $0x80, s30, s16, $0xb8;
	[tilespmem:$0x1E800] =	vst v63  }
0x32: {  	_ =	swait.ge [sflag:s22], $0x4000  }
0x33: {  	[sflag:s22] =	ssyncset.done $0x0  }
0x34: {  	s31 =	simm.s32 $0x180;
	[sflag:s22] =	ssyncadd.s32 $0xFFFFC000  }
0x35: {  	[tilespmem:s19], [sflag:$0x3] =	stream.indirect.gather [hbm4b:s2+s16], $0x80, s31, s16, $0xb8;
	[tilespmem:$0x1E800] =	vst v63  }
0x36: {  	_ =	swait.ge [sflag:s18], $0x4000  }
0x37: {  	[sflag:s18] =	ssyncset.done $0x0  }
0x38: {  	s26 =	simm.s32 $0x1580;
	s25 =	simm.s32 $0xFFFFB800;
	[sflag:s18] =	ssyncadd.s32 $0xFFFFC000  }
.LBB2_2:
0x39: {  	[spmem:s3] =	stream.indirect.scatter.add.f32 [tilespmem:s19], [sflag:$0x2], $0x80, s26, s16, $0xb8;
	[tilespmem:$0x1E800] =	vst v63  }
0x3a: {  	s26 =	smov.u32 s25  }
0x3b: {  	p0 =	sne.s32 s25, $0xFFFFFC00;
	s25 =	sadd.s32 $0x400, s25;
	_ =	swait.ge [sflag:s21], $0x4000  }
0x3c: {  	s26 =	sshra.s32 s26, $0x2;
	[sflag:s21] =	ssyncset.done $0x0  }
0x3d: {  	s28 =	sadd.s32 $0x1400, s26;
	[sflag:s21] =	ssyncadd.s32 $0xFFFFC000  }
0x3e: {  	[tilespmem:s17], [sflag:$0x3] =	stream.indirect.gather [hbm4b:s2+s16], $0x80, s28, s16, $0xb8;
	[tilespmem:$0x1E800] =	vst v63  }
0x3f: {  	_ =	swait.ge [sflag:s18], $0x4000  }
0x40: {  	[sflag:s18] =	ssyncset.done $0x0  }
0x41: {  	s28 =	sadd.s32 $0x2800, s26;
	[sflag:s18] =	ssyncadd.s32 $0xFFFFC000  }
0x42: {  	[spmem:s3] =	stream.indirect.scatter.add.f32 [tilespmem:s17], [sflag:$0x1], $0x80, s28, s16, $0xb8;
	[tilespmem:$0x1E800] =	vst v63  }
0x43: {  	_ =	swait.ge [sflag:s22], $0x4000  }
0x44: {  	[sflag:s22] =	ssyncset.done $0x0  }
.Ltmp0:
0x45: {  	s28 =	sadd.s32 $0x1480, s26;
	[sflag:s22] =	ssyncadd.s32 $0xFFFFC000;
	(pc) =	sbr.rel @p0 .LBB2_2-.Ltmp0, $4  }
0x46: {  	[tilespmem:s19], [sflag:$0x3] =	stream.indirect.gather [hbm4b:s2+s16], $0x80, s28, s16, $0xb8;
	[tilespmem:$0x1E800] =	vst v63  }
0x47: {  	_ =	swait.ge [sflag:s18], $0x4000  }
0x48: {  	[sflag:s18] =	ssyncset.done $0x0  }
0x49: {  	s26 =	sadd.s32 $0x2880, s26;
	[sflag:s18] =	ssyncadd.s32 $0xFFFFC000  }
0x4a: {  	[spmem:s3] =	stream.indirect.scatter.add.f32 [tilespmem:s19], [sflag:$0x2], $0x80, s26, s16, $0xb8;
	[tilespmem:$0x1E800] =	vst v63  }
0x4b: {  	_ =	swait.ge [sflag:s21], $0x4000  }
0x4c: {  	[sflag:s21] =	ssyncset.done $0x0  }
0x4d: {  	[sflag:s21] =	ssyncadd.s32 $0xFFFFC000  }
0x4e: {  	_ =	swait.ge [sflag:s22], $0x4000  }
0x4f: {  	[sflag:s22] =	ssyncset.done $0x0  }
0x50: {  	s25 =	sadd.s32 s10, s7;
	[sflag:s22] =	ssyncadd.s32 $0xFFFFC000  }
0x51: {  	[tilespmem:s4], [sflag:$0x4] =	stream.linear.gather [hbm4b:s25+s4], $0x1400, $0x38;
	[tilespmem:$0x1E800] =	vst v63  }
0x52: {  	_ =	swait.ge [sflag:s12], $0x1400  }
0x53: {  	[sflag:s12] =	ssyncset.done $0x0  }
0x54: {  	s28 =	sadd.s32 s10, s8;
	[sflag:s12] =	ssyncadd.s32 $0xFFFFEC00  }
0x55: {  	[tilespmem:s15], [sflag:$0x4] =	stream.linear.gather [hbm4b:s28+s4], $0x1400, $0x38;
	[tilespmem:$0x1E800] =	vst v63  }
0x56: {  	_ =	swait.ge [sflag:s12], $0x1400  }
0x57: {  	[sflag:s12] =	ssyncset.done $0x0  }
0x58: {  	[sflag:s12] =	ssyncadd.s32 $0xFFFFEC00  }
0x59: {  	[tilespmem:s17], [sflag:$0x3] =	stream.indirect.gather [hbm4b:s2+s16], $0x80, s4, s16, $0xb8;
	[tilespmem:$0x1E800] =	vst v63  }
0x5a: {  	_ =	swait.ge [sflag:s18], $0x4000  }
0x5b: {  	[sflag:s18] =	ssyncset.done $0x0  }
0x5c: {  	[sflag:s18] =	ssyncadd.s32 $0xFFFFC000  }
0x5d: {  	[spmem:s3] =	stream.indirect.scatter.add.f32 [tilespmem:s17], [sflag:$0x1], $0x80, s15, s16, $0xb8;
	[tilespmem:$0x1E800] =	vst v63  }
0x5e: {  	_ = 	snop  }
0x5f: {  	[tilespmem:s19], [sflag:$0x3] =	stream.indirect.gather [hbm4b:s2+s16], $0x80, s16, s16, $0xb8;
	[tilespmem:$0x1E800] =	vst v63  }
0x60: {  	_ =	swait.ge [sflag:s18], $0x4000  }
0x61: {  	[sflag:s18] =	ssyncset.done $0x0  }
0x62: {  	[sflag:s18] =	ssyncadd.s32 $0xFFFFC000  }
0x63: {  	[spmem:s3] =	stream.indirect.scatter.add.f32 [tilespmem:s19], [sflag:$0x2], $0x80, s20, s16, $0xb8;
	[tilespmem:$0x1E800] =	vst v63  }
0x64: {  	_ =	swait.ge [sflag:s21], $0x4000  }
0x65: {  	[sflag:s21] =	ssyncset.done $0x0  }
0x66: {  	s29 =	simm.s32 $0x100;
	[sflag:s21] =	ssyncadd.s32 $0xFFFFC000  }
0x67: {  	[tilespmem:s17], [sflag:$0x3] =	stream.indirect.gather [hbm4b:s2+s16], $0x80, s29, s16, $0xb8;
	[tilespmem:$0x1E800] =	vst v63  }
0x68: {  	_ =	swait.ge [sflag:s18], $0x4000  }
0x69: {  	[sflag:s18] =	ssyncset.done $0x0  }
0x6a: {  	s30 =	simm.s32 $0x1500;
	[sflag:s18] =	ssyncadd.s32 $0xFFFFC000  }
0x6b: {  	[spmem:s3] =	stream.indirect.scatter.add.f32 [tilespmem:s17], [sflag:$0x1], $0x80, s30, s16, $0xb8;
	[tilespmem:$0x1E800] =	vst v63  }
0x6c: {  	_ =	swait.ge [sflag:s22], $0x4000  }
0x6d: {  	[sflag:s22] =	ssyncset.done $0x0  }
0x6e: {  	s31 =	simm.s32 $0x180;
	[sflag:s22] =	ssyncadd.s32 $0xFFFFC000  }
0x6f: {  	[tilespmem:s19], [sflag:$0x3] =	stream.indirect.gather [hbm4b:s2+s16], $0x80, s31, s16, $0xb8;
	[tilespmem:$0x1E800] =	vst v63  }
0x70: {  	_ =	swait.ge [sflag:s18], $0x4000  }
0x71: {  	[sflag:s18] =	ssyncset.done $0x0  }
0x72: {  	s26 =	simm.s32 $0x1580;
	s25 =	simm.s32 $0xFFFFB800;
	[sflag:s18] =	ssyncadd.s32 $0xFFFFC000  }
.LBB2_4:
0x73: {  	[spmem:s3] =	stream.indirect.scatter.add.f32 [tilespmem:s19], [sflag:$0x2], $0x80, s26, s16, $0xb8;
	[tilespmem:$0x1E800] =	vst v63  }
0x74: {  	s26 =	smov.u32 s25  }
0x75: {  	p0 =	sne.s32 s25, $0xFFFFFC00;
	s25 =	sadd.s32 $0x400, s25;
	_ =	swait.ge [sflag:s21], $0x4000  }
0x76: {  	s26 =	sshra.s32 s26, $0x2;
	[sflag:s21] =	ssyncset.done $0x0  }
0x77: {  	s28 =	sadd.s32 $0x1400, s26;
	[sflag:s21] =	ssyncadd.s32 $0xFFFFC000  }
0x78: {  	[tilespmem:s17], [sflag:$0x3] =	stream.indirect.gather [hbm4b:s2+s16], $0x80, s28, s16, $0xb8;
	[tilespmem:$0x1E800] =	vst v63  }
0x79: {  	_ =	swait.ge [sflag:s18], $0x4000  }
0x7a: {  	[sflag:s18] =	ssyncset.done $0x0  }
0x7b: {  	s28 =	sadd.s32 $0x2800, s26;
	[sflag:s18] =	ssyncadd.s32 $0xFFFFC000  }
0x7c: {  	[spmem:s3] =	stream.indirect.scatter.add.f32 [tilespmem:s17], [sflag:$0x1], $0x80, s28, s16, $0xb8;
	[tilespmem:$0x1E800] =	vst v63  }
0x7d: {  	_ =	swait.ge [sflag:s22], $0x4000  }
0x7e: {  	[sflag:s22] =	ssyncset.done $0x0  }
.Ltmp1:
0x7f: {  	s28 =	sadd.s32 $0x1480, s26;
	[sflag:s22] =	ssyncadd.s32 $0xFFFFC000;
	(pc) =	sbr.rel @p0 .LBB2_4-.Ltmp1, $4  }
0x80: {  	[tilespmem:s19], [sflag:$0x3] =	stream.indirect.gather [hbm4b:s2+s16], $0x80, s28, s16, $0xb8;
	[tilespmem:$0x1E800] =	vst v63  }
0x81: {  	_ =	swait.ge [sflag:s18], $0x4000  }
0x82: {  	[sflag:s18] =	ssyncset.done $0x0  }
0x83: {  	s26 =	sadd.s32 $0x2880, s26;
	[sflag:s18] =	ssyncadd.s32 $0xFFFFC000  }
0x84: {  	[spmem:s3] =	stream.indirect.scatter.add.f32 [tilespmem:s19], [sflag:$0x2], $0x80, s26, s16, $0xb8;
	[tilespmem:$0x1E800] =	vst v63  }
0x85: {  	_ =	swait.ge [sflag:s21], $0x4000  }
0x86: {  	[sflag:s21] =	ssyncset.done $0x0  }
0x87: {  	[sflag:s21] =	ssyncadd.s32 $0xFFFFC000  }
0x88: {  	_ =	swait.ge [sflag:s22], $0x4000  }
0x89: {  	s24 =	sadd.s32 $0x1, s24;
	[sflag:s22] =	ssyncset.done $0x0  }
0x8a: {  	p0 =	sne.s32 s24, s9;
	[sflag:s22] =	ssyncadd.s32 $0xFFFFC000  }
.Ltmp2:
0x8b: {  	[bflag:$0x0] =	sbarrier.arrive $0xFFFF;
	(pc) =	sbr.rel @p0 .LBB2_1-.Ltmp2, $4  }
0x8c: {  	[hbm:s23], [sflag:s6] =	dma.local [spmem:s11], $0x2800  }
0x8d: {  	_ =	swait.ge [sflag:s12], $0x2800  }
0x8e: {  	[sflag:s12] =	ssyncset.done $0x0  }
0x8f: {  	[sflag:s12] =	ssyncadd.s32 $0xFFFFD800  }
0x90: {  	_ =	sfence.sel $0x180000  }
0x91: {  	[bflag:$0x0] =	sbarrier.arrive $0xFFFF  }
0x92: {  	p0 =	sne.s32 s1, $0x0;
	_ =	strace $0x90000050  }
0x93: {  	s0 =	sadd.s32 @!p0 $0x100000, s0;
	[bflag:$0x2] =	sbarrier.arrive $0xFFFF  }
0x94: {  	[sflag:s0] =	ssyncadd.tile.s32 @!p0 $0x1;
	_ =	shalt  }
.Lfunc_end2:
_tile_overlayer_lowered:
.L_overlay_start_2:
0x95: {  	(tag) =	ssettag $0x2  }
0x96: {  	s0 =	rddreg [dreg:$0x0];
	s2 =	stileid.u32  }
0x97: {  	s1 =	rddreg [dreg:$0x1];
	p0 =	sne.s32 s2, $0x0  }
0x98: {  	s3 =	rddreg [dreg:$0x2];
	[bflag:$0x3] =	sbarrier.arrive $0xFFFF;
	s2 =	simm.s32 @!p0 $0x1C04  }
0x99: {  	[timem:s3], [sflag:s2] =	dma.local @!p0 [hbm:s0], s1  }
0x9a: {  	s0 =	simm.s32 @!p0 $0x4  }
0x9b: {  	_ =	swait.ge @!p0 [sflag:s0], s1  }
0x9c: {  	s1 =	ssub.s32 @!p0 $0x0, s1;
	[sflag:s0] =	ssyncset.done @!p0 $0x0  }
0x9d: {  	[sflag:s0] =	ssyncadd.s32 @!p0 s1  }
0x9e: {  	[bflag:$0x3] =	sbarrier.arrive $0xFFFF  }
0x9f: {  	_ =	shalt  }

// kernel: kernel.9.cloned.1.call-start
scs
__scs_entry_jumppad:
0x0: {  	(pc) =	sbr.rel $0x88, $3  }
0x1: {  	(tag) =	ssettag $0x0;
	lr =	simm.s32 $0x1  }
0x2: {  	[smem:$0x3F86] =	sst lr;
	_ =	strace $0xD0000000  }
0x3: {  	_ = 	snop  }
0x4: {  	_ = 	snop  }
0x5: {  	_ = 	snop  }
0x6: {  	_ = 	snop  }
0x7: {  	_ = 	snop  }
__scs_overlays_trampoline_lowered:
0x8: {  	[smem:$0x3F95] =	sst s0  }
0x9: {  	[smem:$0x3F96] =	sst s1  }
0xa: {  	[smem:$0x3F97] =	sst s2  }
0xb: {  	[smem:$0x3F98] =	sst s3  }
0xc: {  	[smem:$0x3F99] =	sst s4  }
0xd: {  	[smem:$0x3F9A] =	sst s5  }
0xe: {  	[smem:$0x3F9B] =	sst s6  }
0xf: {  	[smem:$0x3F9C] =	sst s7  }
0x10: {  	[smem:$0x3F9D] =	sst s8  }
0x11: {  	[smem:$0x3F9E] =	sst s9;
	s0 =	simm.s32 @!p0 $0x0  }
0x12: {  	s1 =	sld [smem:$0x3F84];
	s0 =	simm.s32 @p0 $0x1  }
0x13: {  	[smem:$0x3F9F] =	sst s0;
	s0 =	simm.s32 @!p1 $0x0  }
0x14: {  	s2 =	sld [smem:$0x3F83];
	s0 =	simm.s32 @p1 $0x1  }
0x15: {  	[smem:$0x3FA0] =	sst s0;
	s0 =	simm.s32 @!p2 $0x0  }
0x16: {  	s3 =	sld [smem:$0x3FDB];
	s0 =	simm.s32 @p2 $0x1  }
0x17: {  	s4 =	simm.s32 $0x1BF5;
	[smem:$0x3FA2] =	sst s0  }
0x18: {  	s0 =	sld [smem:$0x3F85];
	_ =	swait.ge [sflag:s4], $0x0  }
0x19: {  	s7 =	sld [smem:$0x3F86]  }
0x1a: {  	s8 =	sadd.s32 $0xFFFFE003, lr  }
0x1b: {  	s9 =	sadd.s32 $0xFFFFFEF7, lr;
	s5 =	simm.s32 $0xFFFFFFFF;
	p2 =	slt.u32 s8, $0xFFFFF086  }
0x1c: {  	p1 =	slt.u32 s9, $0xF7A;
	s5 =	simm.s32 @!p2 $0x0  }
0x1d: {  	s5 =	simm.s32 @p1 $0x1;
	p0 =	seq.s32 s7, s2  }
0x1e: {  	s7 =	smul.u32 @!p0 $0xF7A, s2;
	p2 =	seq.s32 @!p0 s5, $0x0  }
0x1f: {  	s9 =	smul.u32 $0xF7A, s1;
	s8 =	simm.s32 @!p0 $0x1BF5;
	p2 =	por !p2, p0  }
0x20: {  	[sflag:s8] =	ssyncset.s32 @!p0 $0xFFFFF086;
	s6 =	sadd.s32 @!p0 s3, s7;
	s7 =	simm.s32 @!p0 $0x108  }
0x21: {  	s3 =	sadd.s32 s3, s9;
	s6 =	sadd.s32 @!p0 $0x88, s6;
	s7 =	simm.s32 @p2 $0x1082  }
0x22: {  	[simem:s7], [sflag:s8] =	dma.local @!p0 [hbm:s6], $0xF7A  }
0x23: {  	s9 =	sor.u32 $0xD0000000, s2;
	s6 =	simm.s32 $0x108;
	_ =	swait.ge @!p0 [sflag:s8], $0x0  }
0x24: {  	s3 =	sadd.s32 $0x88, s3;
	s6 =	simm.s32 @!p1 $0x1082;
	[sflag:s4] =	ssyncset.s32 $0xFFFFF086  }
0x25: {  	[simem:s6], [sflag:s4] =	dma.local [hbm:s3], $0xF7A  }
0x26: {  	[smem:$0x3F86] =	sst s1;
	(tag) =	ssettag s2;
	_ =	strace s9  }
0x27: {  	s1 =	sld [smem:$0x3F96]  }
0x28: {  	s2 =	sld [smem:$0x3F97]  }
0x29: {  	s4 =	sld [smem:$0x3F99]  }
0x2a: {  	p0 =	seq.s32 s5, $0x0;
	s5 =	sld [smem:$0x3F9A]  }
0x2b: {  	s6 =	sld [smem:$0x3F9B]  }
0x2c: {  	s7 =	sld [smem:$0x3F9C]  }
0x2d: {  	s3 =	simm.s32 $0x108;
	s8 =	sld [smem:$0x3F9D]  }
0x2e: {  	s3 =	simm.s32 @!p0 $0x1082;
	s9 =	sld [smem:$0x3F9E]  }
0x2f: {  	lr =	sadd.s32 s0, s3;
	s0 =	sld [smem:$0x3F95]  }
0x30: {  	s3 =	sld [smem:$0x3F98]  }
0x31: {  	[smem:$0x3FA1] =	sst s10  }
0x32: {  	s10 =	sld [smem:$0x3F9F];
	_ =	sdelay $0x3  }
0x33: {  	p0 =	seq.s32 s10, $0x1;
	s10 =	sld [smem:$0x3FA1];
	_ =	sdelay $0x3  }
0x34: {  	[smem:$0x3FA1] =	sst s10  }
0x35: {  	s10 =	sld [smem:$0x3FA0];
	_ =	sdelay $0x3  }
0x36: {  	p1 =	seq.s32 s10, $0x1;
	s10 =	sld [smem:$0x3FA1];
	_ =	sdelay $0x3  }
0x37: {  	[smem:$0x3FA1] =	sst s10  }
0x38: {  	s10 =	sld [smem:$0x3FA2]  }
0x39: {  	_ = 	snop;
	(pc) =	sbr.ind lr, $3  }
0x3a: {  	_ = 	snop  }
0x3b: {  	_ = 	snop  }
0x3c: {  	p2 =	seq.s32 s10, $0x1;
	s10 =	sld [smem:$0x3FA1]  }
0x3d: {  	_ =	shalt  }
0x3e: {  	_ =	shalt  }
0x3f: {  	_ =	shalt  }
0x40: {  	_ =	shalt  }
0x41: {  	_ =	shalt  }
0x42: {  	_ =	shalt  }
0x43: {  	_ =	shalt  }
0x44: {  	_ =	shalt  }
0x45: {  	_ =	shalt  }
0x46: {  	_ =	shalt  }
0x47: {  	_ =	shalt  }
0x48: {  	_ =	shalt  }
0x49: {  	_ =	shalt  }
0x4a: {  	_ =	shalt  }
0x4b: {  	_ =	shalt  }
0x4c: {  	_ =	shalt  }
0x4d: {  	_ =	shalt  }
0x4e: {  	_ =	shalt  }
0x4f: {  	_ =	shalt  }
0x50: {  	_ =	shalt  }
0x51: {  	_ =	shalt  }
0x52: {  	_ =	shalt  }
0x53: {  	_ =	shalt  }
0x54: {  	_ =	shalt  }
0x55: {  	_ =	shalt  }
0x56: {  	_ =	shalt  }
0x57: {  	_ =	shalt  }
0x58: {  	_ =	shalt  }
0x59: {  	_ =	shalt  }
0x5a: {  	_ =	shalt  }
0x5b: {  	_ =	shalt  }
0x5c: {  	_ =	shalt  }
0x5d: {  	_ =	shalt  }
0x5e: {  	_ =	shalt  }
0x5f: {  	_ =	shalt  }
0x60: {  	_ =	shalt  }
0x61: {  	_ =	shalt  }
0x62: {  	_ =	shalt  }
0x63: {  	_ =	shalt  }
0x64: {  	_ =	shalt  }
0x65: {  	_ =	shalt  }
0x66: {  	_ =	shalt  }
0x67: {  	_ =	shalt  }
0x68: {  	_ =	shalt  }
0x69: {  	_ =	shalt  }
0x6a: {  	_ =	shalt  }
0x6b: {  	_ =	shalt  }
0x6c: {  	_ =	shalt  }
0x6d: {  	_ =	shalt  }
0x6e: {  	_ =	shalt  }
0x6f: {  	_ =	shalt  }
0x70: {  	_ =	shalt  }
0x71: {  	_ =	shalt  }
0x72: {  	_ =	shalt  }
0x73: {  	_ =	shalt  }
0x74: {  	_ =	shalt  }
0x75: {  	_ =	shalt  }
0x76: {  	_ =	shalt  }
0x77: {  	_ =	shalt  }
0x78: {  	_ =	shalt  }
0x79: {  	_ =	shalt  }
0x7a: {  	_ =	shalt  }
0x7b: {  	_ =	shalt  }
0x7c: {  	_ =	shalt  }
0x7d: {  	_ =	shalt  }
0x7e: {  	_ =	shalt  }
0x7f: {  	_ =	shalt  }
0x80: {  	_ =	shalt  }
0x81: {  	_ =	shalt  }
0x82: {  	_ =	shalt  }
0x83: {  	_ =	shalt  }
0x84: {  	_ =	shalt  }
0x85: {  	_ =	shalt  }
0x86: {  	_ =	shalt  }
0x87: {  	_ =	shalt  }
.Lfunc_end0:
.L_simem_size_0:
called_computation_lowered:
.L_overlay_start_0:
0x88: {  	s2 =	sld [smem:$0x3FD9]  }
0x89: {  	s3 =	sld [smem:$0x3FFE];
	_ =	sdelay $0x1  }
0x8a: {  	s1 =	srdreg.scid  }
0x8b: {  	s0 =	sand.u32 $0x1, s1  }
0x8c: {  	s17 =	sshll.u32 s0, $0xA;
	s2 =	sadd.s32 s3, s2  }
0x8d: {  	s2 =	sadd.s32 s2, s17  }
0x8e: {  	[smem:$0x3FAD] =	sst s2  }
0x8f: {  	_ = 	snop  }
0x90: {  	s2 =	sld [smem:$0x3FD0];
	(tm) =	ssettm $0x1  }
0x91: {  	s18 =	sld [smem:$0x3FFB];
	_ =	sdelay $0x3  }
0x92: {  	_ =	strace s18  }
0x93: {  	s3 =	sld [smem:$0x3FFC];
	_ =	sdelay $0x3  }
0x94: {  	_ =	strace s3  }
0x95: {  	s3 =	sld [smem:$0x3FFD];
	_ =	sdelay $0x3  }
0x96: {  	_ =	strace s3  }
0x97: {  	_ =	strace $0x8FFFFFFF  }
0x98: {  	s19 =	sld [smem:$0x3FDB];
	_ =	sdelay $0x1  }
0x99: {  	s4 =	simm.s32 $_scs_section_size  }
0x9a: {  	s5 =	simm.s32 $_size__tile_overlayer_lowered;
	s6 =	simm.s32 $_tile_overlayer_lowered  }
0x9b: {  	s22 =	simm.s32 $0x1BFF;
	s21 =	sshll.u32 s6, $0x1;
	s3 =	sadd.s32 s4, s19  }
0x9c: {  	s7 =	simm.s32 $0x0;
	s20 =	sshll.u32 s5, $0x1;
	s5 =	sadd.s32 s21, s3  }
0x9d: {  	[timem:s7], [sflag:s22] =	dma.local [hbm:s5], s20  }
0x9e: {  	_ =	swait.ge [sflag:s22], s20  }
0x9f: {  	s4 =	ssub.s32 $0x0, s20;
	[sflag:s22] =	ssyncset.done $0x0  }
0xa0: {  	[sflag:s22] =	ssyncadd.s32 s4;
	_ =	sdelay $0x1  }
0xa1: {  	s23 =	simm.s32 $0x1B8B  }
0xa2: {  	_ =	swait.ge [sflag:s23], $0x1  }
0xa3: {  	[sflag:s23] =	ssyncset.done $0x0  }
0xa4: {  	s25 =	simm.s32 $0x1B8E;
	s24 =	sld [smem:$0x3FFE];
	[sflag:s23] =	ssyncadd.s32 $0xFFFFFFFF  }
0xa5: {  	s26 =	simm.s32 $execute0_lowered;
	[smem:$0x3FD2] =	sst s25  }
0xa6: {  	s5 =	sshll.u32 s26, $0x1;
	_ =	strace $0x80000046;
	[dreg:$0x1] =	wrdreg $0xFFFFFFFF  }
0xa7: {  	s28 =	simm.s32 $_size_execute0_lowered;
	s3 =	sadd.s32 s3, s5;
	[dreg:$0x0] =	wrdreg $0x0  }
0xa8: {  	s5 =	sshll.u32 s28, $0x1;
	[dreg:$0x2] =	wrdreg s3  }
0xa9: {  	[dreg:$0x3] =	wrdreg s5  }
0xaa: {  	[dreg:$0x4] =	wrdreg $0xC0  }
0xab: {  	_ =	task [dreg:s7], $0x5FFFF  }
0xac: {  	[dreg:$0x1] =	wrdreg $0xFFFFFFFF  }
0xad: {  	[dreg:$0x0] =	wrdreg $0x60  }
0xae: {  	[dreg:$0x2] =	wrdreg s24  }
0xaf: {  	[dreg:$0x3] =	wrdreg s2  }
0xb0: {  	[dreg:$0x4] =	wrdreg $0x68000  }
0xb1: {  	[dreg:$0x5] =	wrdreg $0x9  }
0xb2: {  	_ =	task.clear_ibuf [dreg:s7], $0x6FFFF;
	_ =	strace $0x90000046  }
0xb3: {  	s29 =	simm.s32 $0x9;
	_ =	strace $0x80000048  }
0xb4: {  	_ =	swait.ge [sflag:s29], $0x1  }
0xb5: {  	[sflag:s29] =	ssyncadd.s32 $0xFFFFFFFF  }
0xb6: {  	_ =	strace $0x90000048  }
0xb7: {  	_ =	sfence  }
0xb8: {  	s30 =	sld [smem:$0x0];
	_ =	sdelay $0x2  }
0xb9: {  	s31 =	sshll.u32 s1, $0xD;
	s1 =	sshrl.u32 s1, $0x2  }
0xba: {  	s3 =	sand.u32 $0x4000, s31;
	s1 =	sadd.s32 s1, s30  }
0xbb: {  	s0 =	sor.u32 s3, s0;
	s1 =	sshll.u32 s1, $0x11  }
0xbc: {  	s0 =	sor.u32 s1, s0  }
0xbd: {  	s0 =	sadd.s32 $0x8F2B, s0  }
0xbe: {  	[sflag:s0] =	ssyncadd.remote.s32 $0x1  }
0xbf: {  	_ =	sfence.sel $0xFFFF  }
0xc0: {  	[dreg:$0x0] =	wrdreg $0xFFFFFFFF;
	(pc) =	sbr.abs _section_cstart, $3  }
0xc1: {  	[dreg:$0x1] =	wrdreg $0xFFFFFFFF  }
0xc2: {  	_ =	task.clear_ibuf [dreg:s7], $0x2FFFF;
	_ =	strace $0x9FFFFFFF  }
0xc3: {  	(tm) =	ssettm $0x7FFFFFFF  }
tec
execute0_lowered:
.L_overlay_start_1:
0x0: {  	(tag) =	ssettag $0x1  }
0x1: {  	s6 =	rddreg [dreg:$0x0]  }
0x2: {  	s2 =	rddreg [dreg:$0x1]  }
0x3: {  	s3 =	rddreg [dreg:$0x2]  }
0x4: {  	s0 =	rddreg [dreg:$0x3]  }
0x5: {  	s1 =	stileid.u32;
	s5 =	srdreg.scid;
	s4 =	simm.s32 $0x0  }
0x6: {  	s13 =	simm.s32 $0x1;
	s14 =	simm.s32 $0x2;
	s7 =	smul.u32 $0xA00, s1  }
0x7: {  	s8 =	sand.u32 $0x1, s5;
	[smem:$0x7FF] =	sst s4;
	s10 =	smul.u32 $0x50000, s1  }
0x8: {  	s5 =	sadd.s32 $0x18E00, s6;
	s16 =	smul.u32 $0x2800, s1;
	s31 =	sshll.u32 s1, $0x6  }
0x9: {  	s9 =	smul.u32 $0x28000, s8;
	_ =	strace $0x80000047;
	s11 =	ssub.s32 $0x2, s8  }
0xa: {  	s30 =	smul.u32 $0x500, s8;
	s8 =	simm.s32 $0x3;
	s7 =	sadd.s32 s7, s6  }
0xb: {  	s29 =	sshrl.u32 s11, $0x1;
	s10 =	sshrl.u32 s10, $0x2;
	s6 =	sadd.s32 s9, s6  }
0xc: {  	s9 =	ssub.s32 s11, s29;
	s10 =	sadd.s32 s10, s3;
	s12 =	sadd.s32 $0xEE00, s7  }
0xd: {  	s7 =	simm.s32 $0x2800;
	s15 =	sadd.s32 $0x1B600, s6;
	s6 =	smax.u32 s9, $0x1  }
0xe: {  	s9 =	sor.u32 $0x1C03, s31;
	s10 =	sshrl.u32 s10, $0x3;
	s11 =	sadd.s32 s30, s12  }
0xf: {  	s12 =	simm.s32 $0x80;
	s15 =	sadd.s32 s16, s15;
	s16 =	simm.s32 $0x0  }
.LBB2_1:
0x10: {  	[tilespmem:s7], [sflag:$0x3] =	stream.linear.gather [hbm4b:s2+s4], $0x4000, $0x38;
	[tilespmem:$0x1A800] =	vst v63  }
0x11: {  	_ =	swait.ge [sflag:s8], $0x4000  }
0x12: {  	[sflag:s8] =	ssyncset.done $0x0  }
0x13: {  	[sflag:s8] =	ssyncadd.s32 $0xFFFFC000  }
0x14: {  	[spmem:s10], [sflag:s9] =	dma.local [hbm:s5], $0x2800  }
0x15: {  	_ =	swait.ge [sflag:s8], $0x2800  }
0x16: {  	[sflag:s8] =	ssyncset.done $0x0  }
0x17: {  	[sflag:s8] =	ssyncadd.s32 $0xFFFFD800  }
0x18: {  	[bflag:$0x0] =	sbarrier.arrive $0xFFFF  }
0x19: {  	[tilespmem:s4], [sflag:$0x3] =	stream.linear.gather [hbm4b:s11+s4], $0x2800, $0x38;
	[tilespmem:$0x1A800] =	vst v63  }
0x1a: {  	_ =	swait.ge [sflag:s8], $0x2800  }
0x1b: {  	[sflag:s8] =	ssyncset.done $0x0  }
0x1c: {  	[sflag:s8] =	ssyncadd.s32 $0xFFFFD800  }
0x1d: {  	[spmem:s3] =	stream.indirect.scatter.add.f32 [tilespmem:s7], [sflag:$0x1], $0x80, s4, s12, $0xb8;
	[tilespmem:$0x1A800] =	vst v63  }
0x1e: {  	_ = 	snop  }
0x1f: {  	[spmem:s3] =	stream.indirect.scatter.add.f32 [tilespmem:s7], [sflag:$0x2], $0x80, s12, s12, $0xb8;
	[tilespmem:$0x1A800] =	vst v63  }
0x20: {  	_ =	swait.ge [sflag:s13], $0x4000  }
0x21: {  	[sflag:s13] =	ssyncset.done $0x0  }
0x22: {  	s17 =	simm.s32 $0x100;
	[sflag:s13] =	ssyncadd.s32 $0xFFFFC000  }
0x23: {  	[spmem:s3] =	stream.indirect.scatter.add.f32 [tilespmem:s7], [sflag:$0x1], $0x80, s17, s12, $0xb8;
	[tilespmem:$0x1A800] =	vst v63  }
0x24: {  	_ =	swait.ge [sflag:s14], $0x4000  }
0x25: {  	[sflag:s14] =	ssyncset.done $0x0  }
0x26: {  	s18 =	simm.s32 $0x180;
	s17 =	simm.s32 $0xFFFF6800;
	[sflag:s14] =	ssyncadd.s32 $0xFFFFC000  }
.LBB2_2:
0x27: {  	[spmem:s3] =	stream.indirect.scatter.add.f32 [tilespmem:s7], [sflag:$0x2], $0x80, s18, s12, $0xb8;
	[tilespmem:$0x1A800] =	vst v63  }
0x28: {  	s18 =	smov.u32 s17  }
0x29: {  	p0 =	sne.s32 s17, $0xFFFFFC00;
	s17 =	sadd.s32 $0x400, s17;
	_ =	swait.ge [sflag:s13], $0x4000  }
0x2a: {  	s18 =	sshra.s32 s18, $0x2;
	[sflag:s13] =	ssyncset.done $0x0  }
.Ltmp0:
0x2b: {  	s19 =	sadd.s32 $0x2800, s18;
	[sflag:s13] =	ssyncadd.s32 $0xFFFFC000;
	(pc) =	sbr.rel @p0 .LBB2_2-.Ltmp0, $4  }
0x2c: {  	[spmem:s3] =	stream.indirect.scatter.add.f32 [tilespmem:s7], [sflag:$0x1], $0x80, s19, s12, $0xb8;
	[tilespmem:$0x1A800] =	vst v63  }
0x2d: {  	_ =	swait.ge [sflag:s14], $0x4000  }
0x2e: {  	[sflag:s14] =	ssyncset.done $0x0  }
0x2f: {  	s18 =	sadd.s32 $0x2880, s18;
	[sflag:s14] =	ssyncadd.s32 $0xFFFFC000  }
0x30: {  	[spmem:s3] =	stream.indirect.scatter.add.f32 [tilespmem:s7], [sflag:$0x2], $0x80, s18, s12, $0xb8;
	[tilespmem:$0x1A800] =	vst v63  }
0x31: {  	_ =	swait.ge [sflag:s13], $0x4000  }
0x32: {  	[sflag:s13] =	ssyncset.done $0x0  }
0x33: {  	[sflag:s13] =	ssyncadd.s32 $0xFFFFC000  }
0x34: {  	_ =	swait.ge [sflag:s14], $0x4000  }
0x35: {  	s16 =	sadd.s32 $0x1, s16;
	[sflag:s14] =	ssyncset.done $0x0  }
0x36: {  	p0 =	sne.s32 s16, s6;
	[sflag:s14] =	ssyncadd.s32 $0xFFFFC000  }
.Ltmp1:
0x37: {  	[bflag:$0x0] =	sbarrier.arrive $0xFFFF;
	(pc) =	sbr.rel @p0 .LBB2_1-.Ltmp1, $4  }
0x38: {  	[hbm:s15], [sflag:s9] =	dma.local [spmem:s10], $0x2800  }
0x39: {  	_ =	swait.ge [sflag:s8], $0x2800  }
0x3a: {  	[sflag:s8] =	ssyncset.done $0x0  }
0x3b: {  	[sflag:s8] =	ssyncadd.s32 $0xFFFFD800  }
0x3c: {  	_ =	sfence.sel $0x180000  }
0x3d: {  	[bflag:$0x0] =	sbarrier.arrive $0xFFFF  }
0x3e: {  	p0 =	sne.s32 s1, $0x0;
	_ =	strace $0x90000047  }
0x3f: {  	s0 =	sadd.s32 @!p0 $0x100000, s0;
	[bflag:$0x2] =	sbarrier.arrive $0xFFFF  }
0x40: {  	[sflag:s0] =	ssyncadd.tile.s32 @!p0 $0x1;
	_ =	shalt  }
.Lfunc_end2:
_tile_overlayer_lowered:
.L_overlay_start_2:
0x41: {  	(tag) =	ssettag $0x2  }
0x42: {  	s0 =	rddreg [dreg:$0x0];
	s2 =	stileid.u32  }
0x43: {  	s1 =	rddreg [dreg:$0x1];
	p0 =	sne.s32 s2, $0x0  }
0x44: {  	s3 =	rddreg [dreg:$0x2];
	[bflag:$0x3] =	sbarrier.arrive $0xFFFF;
	s2 =	simm.s32 @!p0 $0x1C03  }
0x45: {  	[timem:s3], [sflag:s2] =	dma.local @!p0 [hbm:s0], s1  }
0x46: {  	s0 =	simm.s32 @!p0 $0x3  }
0x47: {  	_ =	swait.ge @!p0 [sflag:s0], s1  }
0x48: {  	s1 =	ssub.s32 @!p0 $0x0, s1;
	[sflag:s0] =	ssyncset.done @!p0 $0x0  }
0x49: {  	[sflag:s0] =	ssyncadd.s32 @!p0 s1  }
0x4a: {  	[bflag:$0x3] =	sbarrier.arrive $0xFFFF  }
0x4b: {  	_ =	shalt  }

</sc_bundles>
